<compile_context>
chip_gen: v7x
topology: tpu7x:2x2x1
jax: 0.10.2.dev20260603
libtpu: 0.0.44.dev20260713+nightly
codegen_flags: <defaults>
</compile_context>

<pallas_src>
import jax
import jax.numpy as jnp
from jax import lax
from jax.experimental import pallas as pl
from jax.experimental.pallas import tpu as pltpu
from jax.experimental.pallas import tpu_sc as plsc

_N = 10000
_E = 320000
_H = 128
_B = 8192

_NC = 2
_NS = 16
_NW = _NC * _NS

_NP = 10240
_RPT = _NP // _NS
_EPT = _E // _NW
_CH = 80
_CPT = _EPT // _CH
_CW = 16
_CCH = 125
_CCPT = _EPT // _CCH
_SR = 128

_ROWS_TC = 1000
_ROWS_MLP = 1024


def _seg_body(h_hbm, se_hbm, de_hbm, z_hbm, agg_out,
              src_a, src_b, dst_a, dst_b, rows_a, rows_b,
              sem_sa, sem_sb, sem_da, sem_db, sem_ga, sem_gb, agg_sh):
    c = lax.axis_index("c")
    s = lax.axis_index("s")
    wid = s * _NC + c
    r0 = s * _RPT
    ebase = wid * _EPT
    last = _CPT - 1

    def sidx(j, buf, sem):
        j = jnp.minimum(j, last)
        pltpu.make_async_copy(se_hbm.at[pl.ds(ebase + j * _CH, _CH)],
                              buf, sem).start()

    def didx(j, buf, sem):
        j = jnp.minimum(j, last)
        pltpu.make_async_copy(de_hbm.at[pl.ds(ebase + j * _CH, _CH)],
                              buf, sem).start()

    def wait_si(j, buf, sem):
        j = jnp.minimum(j, last)
        pltpu.make_async_copy(se_hbm.at[pl.ds(ebase + j * _CH, _CH)],
                              buf, sem).wait()

    def wait_di(j, buf, sem):
        j = jnp.minimum(j, last)
        pltpu.make_async_copy(de_hbm.at[pl.ds(ebase + j * _CH, _CH)],
                              buf, sem).wait()

    def start_g(rows, sbuf, sem):
        pltpu.make_async_copy(h_hbm.at[sbuf], rows, sem).start()

    def wait_g(rows, sbuf, sem):
        pltpu.make_async_copy(h_hbm.at[sbuf], rows, sem).wait()

    def scat(rows, dbuf):
        pltpu.sync_copy(rows, agg_sh.at[dbuf], add=True)

    pltpu.sync_copy(z_hbm, rows_a)

    def zero_slab(j, carry):
        pltpu.sync_copy(rows_a, agg_sh.at[pl.ds(r0 + j * _CH, _CH)])
        return carry
    lax.fori_loop(0, _RPT // _CH, zero_slab, 0)
    plsc.subcore_barrier()

    sidx(0, src_a, sem_sa)
    didx(0, dst_a, sem_da)
    wait_si(0, src_a, sem_sa)
    start_g(rows_a, src_a, sem_ga)
    sidx(1, src_b, sem_sb)
    didx(1, dst_b, sem_db)

    def body(k, carry):
        wait_si(2 * k + 1, src_b, sem_sb)
        start_g(rows_b, src_b, sem_gb)
        wait_g(rows_a, src_a, sem_ga)
        sidx(2 * k + 2, src_a, sem_sa)
        wait_di(2 * k, dst_a, sem_da)
        scat(rows_a, dst_a)
        didx(2 * k + 2, dst_a, sem_da)
        wait_si(2 * k + 2, src_a, sem_sa)
        start_g(rows_a, src_a, sem_ga)
        wait_g(rows_b, src_b, sem_gb)
        sidx(2 * k + 3, src_b, sem_sb)
        wait_di(2 * k + 1, dst_b, sem_db)
        scat(rows_b, dst_b)
        didx(2 * k + 3, dst_b, sem_db)
        return carry
    lax.fori_loop(0, (_CPT - 1) // 2, body, 0)
    wait_g(rows_a, src_a, sem_ga)
    wait_di(last, dst_a, sem_da)
    scat(rows_a, dst_a)
    wait_si(last, src_b, sem_sb)
    wait_di(last, dst_b, sem_db)
    plsc.subcore_barrier()

    def copy_out(j, carry):
        pltpu.sync_copy(agg_sh.at[pl.ds(r0 + j * _CH, _CH)], rows_a)
        pltpu.sync_copy(rows_a,
                        agg_out.at[pl.ds(c * _NP + r0 + j * _CH, _CH)])
        return carry
    lax.fori_loop(0, _RPT // _CH, copy_out, 0)


_seg = pl.kernel(
    _seg_body,
    out_type=jax.ShapeDtypeStruct((_NC * _NP, _H), jnp.float32),
    mesh=plsc.VectorSubcoreMesh(core_axis_name="c", subcore_axis_name="s"),
    scratch_types=(pltpu.VMEM((_CH,), jnp.int32),
                   pltpu.VMEM((_CH,), jnp.int32),
                   pltpu.VMEM((_CH,), jnp.int32),
                   pltpu.VMEM((_CH,), jnp.int32),
                   pltpu.VMEM((_CH, _H), jnp.float32),
                   pltpu.VMEM((_CH, _H), jnp.float32),
                   pltpu.SemaphoreType.DMA,
                   pltpu.SemaphoreType.DMA,
                   pltpu.SemaphoreType.DMA,
                   pltpu.SemaphoreType.DMA,
                   pltpu.SemaphoreType.DMA,
                   pltpu.SemaphoreType.DMA,
                   pltpu.VMEM_SHARED((_NP, _H), jnp.float32)))


def _cnt_body(dst_hbm, ones_hbm, z_hbm, cnt_out,
              dst_a, dst_b, ones_v, sem_da, sem_db, sem_ka, sem_kb, tab_sh):
    c = lax.axis_index("c")
    s = lax.axis_index("s")
    wid = s * _NC + c
    r0 = s * _RPT
    ebase = wid * _EPT
    last = _CPT - 1

    def didx(j, buf, sem):
        j = jnp.minimum(j, last)
        pltpu.make_async_copy(dst_hbm.at[pl.ds(ebase + j * _CH, _CH)],
                              buf, sem).start()

    def wait_di(j, buf, sem):
        j = jnp.minimum(j, last)
        pltpu.make_async_copy(dst_hbm.at[pl.ds(ebase + j * _CH, _CH)],
                              buf, sem).wait()

    def start_k(dbuf, sem):
        pltpu.make_async_copy(ones_v, tab_sh.at[dbuf], sem).start(add=True)

    def wait_k(dbuf, sem):
        pltpu.make_async_copy(ones_v, tab_sh.at[dbuf], sem).wait()

    pltpu.sync_copy(z_hbm, ones_v)

    def zero_slab(j, carry):
        pltpu.sync_copy(ones_v, tab_sh.at[pl.ds(r0 + j * _CH, _CH)])
        return carry
    lax.fori_loop(0, _RPT // _CH, zero_slab, 0)
    pltpu.sync_copy(ones_hbm, ones_v)
    plsc.subcore_barrier()

    didx(0, dst_a, sem_da)
    didx(1, dst_b, sem_db)
    wait_di(0, dst_a, sem_da)
    start_k(dst_a, sem_ka)
    wait_di(1, dst_b, sem_db)
    start_k(dst_b, sem_kb)

    def body(k, carry):
        wait_k(dst_a, sem_ka)
        didx(2 * k + 2, dst_a, sem_da)
        wait_di(2 * k + 2, dst_a, sem_da)
        start_k(dst_a, sem_ka)
        wait_k(dst_b, sem_kb)
        didx(2 * k + 3, dst_b, sem_db)
        wait_di(2 * k + 3, dst_b, sem_db)
        start_k(dst_b, sem_kb)
        return carry
    lax.fori_loop(0, (_CPT - 1) // 2 - 1, body, 0)
    wait_k(dst_a, sem_ka)
    didx(last, dst_a, sem_da)
    wait_di(last, dst_a, sem_da)
    start_k(dst_a, sem_ka)
    wait_k(dst_b, sem_kb)
    wait_k(dst_a, sem_ka)
    plsc.subcore_barrier()

    def copy_out(j, carry):
        pltpu.sync_copy(tab_sh.at[pl.ds(r0 + j * _CH, _CH)], ones_v)
        pltpu.sync_copy(ones_v,
                        cnt_out.at[pl.ds(c * _NP + r0 + j * _CH, _CH)])
        return carry
    lax.fori_loop(0, _RPT // _CH, copy_out, 0)


_cnt_call = pl.kernel(
    _cnt_body,
    out_type=jax.ShapeDtypeStruct((_NC * _NP, _H), jnp.float32),
    mesh=plsc.VectorSubcoreMesh(core_axis_name="c", subcore_axis_name="s"),
    scratch_types=(pltpu.VMEM((_CH,), jnp.int32),
                   pltpu.VMEM((_CH,), jnp.int32),
                   pltpu.VMEM((_CH, _H), jnp.float32),
                   pltpu.SemaphoreType.DMA,
                   pltpu.SemaphoreType.DMA,
                   pltpu.SemaphoreType.DMA,
                   pltpu.SemaphoreType.DMA,
                   pltpu.VMEM_SHARED((_NP, _H), jnp.float32)))


def _pair_gather_body(h_hbm, idx_hbm, out_hbm, idx_v, rows_v, sem):
    c = lax.axis_index("c")
    s = lax.axis_index("s")
    wid = s * _NC + c
    gpt = (2 * _B) // _NW
    gch = 128
    def body(i, carry):
        base = wid * gpt + i * gch
        pltpu.sync_copy(idx_hbm.at[pl.ds(base, gch)], idx_v)
        pltpu.async_copy(h_hbm.at[idx_v], rows_v, sem).wait()
        pltpu.sync_copy(rows_v, out_hbm.at[pl.ds(base, gch)])
        return carry
    lax.fori_loop(0, gpt // gch, body, 0)


_pair_gather = pl.kernel(
    _pair_gather_body,
    out_type=jax.ShapeDtypeStruct((2 * _B, _H), jnp.float32),
    mesh=plsc.VectorSubcoreMesh(core_axis_name="c", subcore_axis_name="s"),
    scratch_types=(pltpu.VMEM((128,), jnp.int32),
                   pltpu.VMEM((128, _H), jnp.float32),
                   pltpu.SemaphoreType.DMA))


_DN = (((1,), (1,)), ((), ()))


def _emb_body(x_ref, w_ref, b_ref, o_ref):
    o_ref[...] = lax.dot_general(x_ref[...], w_ref[...], _DN,
                                 preferred_element_type=jnp.float32) + b_ref[...]


def _emb_call(x, w, b):
    grid = _N // _ROWS_TC
    return pl.pallas_call(
        _emb_body,
        grid=(grid,),
        in_specs=[pl.BlockSpec((_ROWS_TC, _H), lambda i: (i, 0)),
                  pl.BlockSpec((_H, _H), lambda i: (0, 0)),
                  pl.BlockSpec((1, _H), lambda i: (0, 0))],
        out_specs=pl.BlockSpec((_ROWS_TC, _H), lambda i: (i, 0)),
        out_shape=jax.ShapeDtypeStruct((_N, _H), jnp.float32),
    )(x, w, b)


def _sage_body(a0_ref, a1_ref, c0_ref, c1_ref, h_ref, wl_ref, bl_ref, wr_ref,
               o_ref):
    h = h_ref[...]
    agg = a0_ref[...] + a1_ref[...] + h
    cnt = c0_ref[...][:, :1] + c1_ref[...][:, :1] + 1.0
    mean = agg / cnt
    o = (lax.dot_general(mean, wl_ref[...], _DN,
                         preferred_element_type=jnp.float32)
         + bl_ref[...]
         + lax.dot_general(h, wr_ref[...], _DN,
                           preferred_element_type=jnp.float32))
    o_ref[...] = jnp.maximum(o, 0.0)


def _sage_call(a0, a1, c0, c1, h, wl, bl, wr):
    grid = _N // _ROWS_TC
    rspec = pl.BlockSpec((_ROWS_TC, _H), lambda i: (i, 0))
    cspec = pl.BlockSpec((_ROWS_TC, _H), lambda i: (i, 0))
    wspec = pl.BlockSpec((_H, _H), lambda i: (0, 0))
    return pl.pallas_call(
        _sage_body,
        grid=(grid,),
        in_specs=[rspec, rspec, cspec, cspec, rspec, wspec,
                  pl.BlockSpec((1, _H), lambda i: (0, 0)), wspec],
        out_specs=rspec,
        out_shape=jax.ShapeDtypeStruct((_N, _H), jnp.float32),
    )(a0, a1, c0, c1, h, wl, bl, wr)


def _mlp_body(s_ref, d_ref, w1_ref, b1_ref, w2_ref, b2_ref, o_ref):
    s = s_ref[...]
    d = d_ref[...]
    w1 = w1_ref[...]
    hid = (lax.dot_general(s, w1[:, 0:_H], _DN,
                           preferred_element_type=jnp.float32)
           + lax.dot_general(d, w1[:, _H:2 * _H], _DN,
                             preferred_element_type=jnp.float32)
           + lax.dot_general(s * d, w1[:, 2 * _H:3 * _H], _DN,
                             preferred_element_type=jnp.float32)
           + lax.dot_general(jnp.abs(s - d), w1[:, 3 * _H:4 * _H], _DN,
                             preferred_element_type=jnp.float32)
           + b1_ref[...])
    hid = jnp.maximum(hid, 0.0)
    z = jnp.sum(hid * w2_ref[...], axis=1, keepdims=True) + b2_ref[...]
    o_ref[...] = 1.0 / (1.0 + jnp.exp(-z))


def _mlp_call(s, d, w1, b1, w2, b2):
    grid = _B // _ROWS_MLP
    rspec = pl.BlockSpec((_ROWS_MLP, _H), lambda i: (i, 0))
    return pl.pallas_call(
        _mlp_body,
        grid=(grid,),
        in_specs=[rspec, rspec,
                  pl.BlockSpec((_H, 4 * _H), lambda i: (0, 0)),
                  pl.BlockSpec((1, _H), lambda i: (0, 0)),
                  pl.BlockSpec((1, _H), lambda i: (0, 0)),
                  pl.BlockSpec((1, 1), lambda i: (0, 0))],
        out_specs=pl.BlockSpec((_ROWS_MLP, 1), lambda i: (i, 0)),
        out_shape=jax.ShapeDtypeStruct((_B, 1), jnp.float32),
    )(s, d, w1, b1, w2, b2)


def kernel(x, edge_index, edge_type, src_idx, dst_idx, W_emb, b_emb,
           edge_table, W_edge0, b_edge0, Wl0, bl0, Wr0,
           W_edge1, b_edge1, Wl1, bl1, Wr1, W1, b1, W2, b2):
    src1 = edge_index[0]
    dst1 = edge_index[1]
    z_h = jnp.zeros((_CH, _H), jnp.float32)

    ones_blk = jnp.ones((_CH, _H), jnp.float32)
    cnt_p = _cnt_call(dst1, ones_blk, z_h)
    h0 = _emb_call(x, W_emb, b_emb.reshape(1, _H))

    agg_p = _seg(h0, src1, dst1, z_h)
    c0 = cnt_p[:_N]
    c1 = cnt_p[_NP:_NP + _N]
    h1 = _sage_call(agg_p[:_N], agg_p[_NP:_NP + _N], c0, c1, h0,
                    Wl0, bl0.reshape(1, _H), Wr0)

    agg_p2 = _seg(h1, src1, dst1, z_h)
    h2 = _sage_call(agg_p2[:_N], agg_p2[_NP:_NP + _N], c0, c1, h1,
                    Wl1, bl1.reshape(1, _H), Wr1)

    idx_all = jnp.concatenate([src_idx, dst_idx], axis=0)
    pair_emb = _pair_gather(h2, idx_all)
    out = _mlp_call(pair_emb[:_B], pair_emb[_B:], W1, b1.reshape(1, _H),
                    W2, b2.reshape(1, 1))
    return jnp.squeeze(out, axis=-1)

# --- scband reference (transcript-rebuilt; emitter-appended) ---
"""Pipeline reference for scband-temporal-graph-sage-21732534518206 (READ-ONLY COPY).

The authoritative reference and input builder live on the scoring server;
editing this copy changes nothing except your own understanding.
"""

import jax, jax.numpy as jnp
import numpy as np

N = 10000
E = 320000
D = 128
H = 128
NT = 249
B = 8192


def setup_inputs(seed: int = 0) -> dict:
    key = jax.random.key(seed)
    ks = jax.random.split(key, 24)
    s = 0.05
    inp = {}
    inp['x'] = jax.random.normal(ks[0], (N, D), jnp.float32)
    inp['edge_index'] = jax.random.randint(ks[1], (2, E), 0, N, jnp.int32)
    inp['edge_type'] = jax.random.randint(ks[2], (E,), 0, NT, jnp.int32)
    inp['src_idx'] = jax.random.randint(ks[3], (B,), 0, N, jnp.int32)
    inp['dst_idx'] = jax.random.randint(ks[4], (B,), 0, N, jnp.int32)
    # node embedding linear
    inp['W_emb'] = jax.random.normal(ks[5], (H, D), jnp.float32) * s
    inp['b_emb'] = jnp.zeros((H,), jnp.float32)
    # edge type embedding table
    inp['edge_table'] = jax.random.normal(ks[6], (NT, H), jnp.float32) * s
    # layer 0: edge_lin, SAGE lin_l (with bias), lin_r (no bias)
    inp['W_edge0'] = jax.random.normal(ks[7], (H, H), jnp.float32) * s
    inp['b_edge0'] = jnp.zeros((H,), jnp.float32)
    inp['Wl0'] = jax.random.normal(ks[8], (H, H), jnp.float32) * s
    inp['bl0'] = jnp.zeros((H,), jnp.float32)
    inp['Wr0'] = jax.random.normal(ks[9], (H, H), jnp.float32) * s
    # layer 1
    inp['W_edge1'] = jax.random.normal(ks[10], (H, H), jnp.float32) * s
    inp['b_edge1'] = jnp.zeros((H,), jnp.float32)
    inp['Wl1'] = jax.random.normal(ks[11], (H, H), jnp.float32) * s
    inp['bl1'] = jnp.zeros((H,), jnp.float32)
    inp['Wr1'] = jax.random.normal(ks[12], (H, H), jnp.float32) * s
    # link predictor MLP
    inp['W1'] = jax.random.normal(ks[13], (H, 4 * H), jnp.float32) * s
    inp['b1'] = jnp.zeros((H,), jnp.float32)
    inp['W2'] = jax.random.normal(ks[14], (1, H), jnp.float32) * s
    inp['b2'] = jnp.zeros((1,), jnp.float32)
    return inp


def _sage_layer(h, src, dst, n, W_edge, b_edge, Wl, bl, Wr, edge_emb):
    # CustomSAGEConv: edge_lin is computed but its output is discarded
    # (super().forward(x, edge_index) ignores edge_attr)
    _ea = edge_emb @ W_edge.T + b_edge  # faithful dead computation
    msg = h[src]
    agg = jax.ops.segment_sum(msg, dst, num_segments=n)
    cnt = jax.ops.segment_sum(jnp.ones((dst.shape[0],), h.dtype), dst, num_segments=n)
    mean = agg / jnp.maximum(cnt, 1.0)[:, None]
    out = mean @ Wl.T + bl + h @ Wr.T
    return out


def reference(x, edge_index, edge_type, src_idx, dst_idx, W_emb, b_emb, edge_table,
              W_edge0, b_edge0, Wl0, bl0, Wr0,
              W_edge1, b_edge1, Wl1, bl1, Wr1,
              W1, b1, W2, b2):
    n = x.shape[0]
    h = x @ W_emb.T + b_emb
    edge_emb = edge_table[edge_type]
    # add_self_loops inside each conv (applied to the original edge_index)
    loop = jnp.arange(n, dtype=edge_index.dtype)
    src = jnp.concatenate([edge_index[0], loop])
    dst = jnp.concatenate([edge_index[1], loop])
    h = _sage_layer(h, src, dst, n, W_edge0, b_edge0, Wl0, bl0, Wr0, edge_emb)
    h = jax.nn.relu(h)  # dropout = identity (eval mode)
    h = _sage_layer(h, src, dst, n, W_edge1, b_edge1, Wl1, bl1, Wr1, edge_emb)
    h = jax.nn.relu(h)
    s_emb = h[src_idx]
    d_emb = h[dst_idx]
    combined = jnp.concatenate([s_emb, d_emb, s_emb * d_emb, jnp.abs(s_emb - d_emb)], axis=1)
    hid = jax.nn.relu(combined @ W1.T + b1)
    out = jax.nn.sigmoid(hid @ W2.T + b2)
    return jnp.squeeze(out, axis=-1)

if __name__ == "__main__":
    import jax
    _d = setup_inputs()
    print(jax.jit(kernel)(*tuple(_d.values())))

</pallas_src>

<mosaic_0001>
#map = affine_map<(d0, d1) -> (0)>
#map1 = affine_map<(d0, d1) -> (0, 0)>
module attributes {stable_mosaic.version = 14 : i64} {
  func.func @_cnt_body(%arg0: i32, %arg1: i32, %arg2: memref<320000xi32, #tpu.memory_space<hbm>>, %arg3: memref<80x128xf32, #tpu.memory_space<hbm>>, %arg4: memref<80x128xf32, #tpu.memory_space<hbm>>, %arg5: memref<20480x128xf32, #tpu.memory_space<hbm>>, %arg6: memref<80xi32, #tpu.memory_space<vmem>>, %arg7: memref<80xi32, #tpu.memory_space<vmem>>, %arg8: memref<80x128xf32, #tpu.memory_space<vmem>>, %arg9: memref<!tpu.dma_semaphore, #tpu.memory_space<semaphore_mem>>, %arg10: memref<!tpu.dma_semaphore, #tpu.memory_space<semaphore_mem>>, %arg11: memref<!tpu.dma_semaphore, #tpu.memory_space<semaphore_mem>>, %arg12: memref<!tpu.dma_semaphore, #tpu.memory_space<semaphore_mem>>, %arg13: memref<10240x128xf32, #tpu.memory_space<vmem_shared>>) attributes {dimension_semantics = [#tpu.dimension_semantics<core_parallel>, #tpu.dimension_semantics<subcore_parallel>], iteration_bounds = array<i64: 2, 16>, scalar_prefetch = 0 : i64, scratch_operands = 8 : i64, tpu.core_type = #tpu.core_type<sc_vector_subcore>, window_params = [{transform_indices = #map}, {transform_indices = #map1}, {transform_indices = #map1}, {transform_indices = #map1}]} {
    %mul3A = arith.constant 2 : i32
    %mul3A_0 = arith.muli %arg1, %mul3A : i32
    %add3A = arith.addi %mul3A_0, %arg0 : i32
    %mul3A_1 = arith.constant 640 : i32
    %mul3A_2 = arith.muli %arg1, %mul3A_1 : i32
    %mul3A_3 = arith.constant 10000 : i32
    %mul3A_4 = arith.muli %add3A, %mul3A_3 : i32
    "tpu.region"() ({
      %run_scoped3A = tpu.sem_alloc : memref<!tpu.dma_semaphore, #tpu.memory_space<semaphore_mem>>
      tpu.enqueue_dma source(%arg4 : memref<80x128xf32, #tpu.memory_space<hbm>>) target(%arg8 : memref<80x128xf32, #tpu.memory_space<vmem>>) target_semaphore(%run_scoped3A : memref<!tpu.dma_semaphore, #tpu.memory_space<semaphore_mem>>)
      tpu.wait_dma2 semaphore(%run_scoped3A : memref<!tpu.dma_semaphore, #tpu.memory_space<semaphore_mem>>) src(%arg4 : memref<80x128xf32, #tpu.memory_space<hbm>>) dst(%arg8 : memref<80x128xf32, #tpu.memory_space<vmem>>)
      tpu.yield
    }) : () -> ()
    %scan3A = arith.constant 0 : i32
    %scan3A_5 = arith.constant 0 : i32
    %scan3A_6 = arith.constant 8 : i32
    %scan3A_7 = arith.addi %scan3A_5, %scan3A_6 : i32
    %scan3A_8 = arith.constant 1 : i32
    scf.for %scan3A_86 = %scan3A_5 to %scan3A_7 step %scan3A_8  : i32 {
      %mul3A_87 = arith.constant 80 : i32
      %mul3A_88 = arith.muli %scan3A_86, %mul3A_87 : i32
      %add3A_89 = arith.addi %mul3A_2, %mul3A_88 : i32
      "tpu.region"() ({
        %run_scoped3A = tpu.sem_alloc : memref<!tpu.dma_semaphore, #tpu.memory_space<semaphore_mem>>
        %dma_start3A_90 = arith.constant 0 : i32
        %dma_start3A_91 = tpu.memref_slice %arg13[%add3A_89, %dma_start3A_90] : memref<10240x128xf32, #tpu.memory_space<vmem_shared>> -> memref<80x128xf32, #tpu.memory_space<vmem_shared>>
        %dma_start3A_92 = arith.constant 0 : i32
        %dma_start3A_93 = tpu.memref_slice %arg13[%add3A_89, %dma_start3A_92] : memref<10240x128xf32, #tpu.memory_space<vmem_shared>> -> memref<80x128xf32, #tpu.memory_space<vmem_shared>>
        tpu.enqueue_dma source(%arg8 : memref<80x128xf32, #tpu.memory_space<vmem>>) target(%dma_start3A_93 : memref<80x128xf32, #tpu.memory_space<vmem_shared>>) target_semaphore(%run_scoped3A : memref<!tpu.dma_semaphore, #tpu.memory_space<semaphore_mem>>)
        %dma_wait3A_94 = arith.constant 0 : i32
        %dma_wait3A_95 = tpu.memref_slice %arg13[%add3A_89, %dma_wait3A_94] : memref<10240x128xf32, #tpu.memory_space<vmem_shared>> -> memref<80x128xf32, #tpu.memory_space<vmem_shared>>
        %dma_wait3A_96 = arith.constant 0 : i32
        %dma_wait3A_97 = tpu.memref_slice %arg13[%add3A_89, %dma_wait3A_96] : memref<10240x128xf32, #tpu.memory_space<vmem_shared>> -> memref<80x128xf32, #tpu.memory_space<vmem_shared>>
        tpu.wait_dma2 semaphore(%run_scoped3A : memref<!tpu.dma_semaphore, #tpu.memory_space<semaphore_mem>>) src(%arg8 : memref<80x128xf32, #tpu.memory_space<vmem>>) dst(%dma_wait3A_97 : memref<80x128xf32, #tpu.memory_space<vmem_shared>>)
        tpu.yield
      }) : () -> ()
    }
    %scan3A_9 = arith.constant 8 : i32
    "tpu.region"() ({
      %run_scoped3A = tpu.sem_alloc : memref<!tpu.dma_semaphore, #tpu.memory_space<semaphore_mem>>
      tpu.enqueue_dma source(%arg3 : memref<80x128xf32, #tpu.memory_space<hbm>>) target(%arg8 : memref<80x128xf32, #tpu.memory_space<vmem>>) target_semaphore(%run_scoped3A : memref<!tpu.dma_semaphore, #tpu.memory_space<semaphore_mem>>)
      tpu.wait_dma2 semaphore(%run_scoped3A : memref<!tpu.dma_semaphore, #tpu.memory_space<semaphore_mem>>) src(%arg3 : memref<80x128xf32, #tpu.memory_space<hbm>>) dst(%arg8 : memref<80x128xf32, #tpu.memory_space<vmem>>)
      tpu.yield
    }) : () -> ()
    %barrier3A = arith.constant 0 : index
    tpu.barrier barrier_id(%barrier3A)
    %min3A = arith.constant 0 : i32
    %min3A_10 = arith.constant 124 : i32
    %min3A_11 = arith.minsi %min3A, %min3A_10 : i32
    %mul3A_12 = arith.constant 80 : i32
    %mul3A_13 = arith.muli %min3A_11, %mul3A_12 : i32
    %add3A_14 = arith.addi %mul3A_4, %mul3A_13 : i32
    %dma_start3A = tpu.memref_slice %arg2[%add3A_14] : memref<320000xi32, #tpu.memory_space<hbm>> -> memref<80xi32, #tpu.memory_space<hbm>>
    %dma_start3A_15 = tpu.memref_slice %arg2[%add3A_14] : memref<320000xi32, #tpu.memory_space<hbm>> -> memref<80xi32, #tpu.memory_space<hbm>>
    tpu.enqueue_dma source(%dma_start3A_15 : memref<80xi32, #tpu.memory_space<hbm>>) target(%arg6 : memref<80xi32, #tpu.memory_space<vmem>>) target_semaphore(%arg9 : memref<!tpu.dma_semaphore, #tpu.memory_space<semaphore_mem>>)
    %min3A_16 = arith.constant 1 : i32
    %min3A_17 = arith.constant 124 : i32
    %min3A_18 = arith.minsi %min3A_16, %min3A_17 : i32
    %mul3A_19 = arith.constant 80 : i32
    %mul3A_20 = arith.muli %min3A_18, %mul3A_19 : i32
    %add3A_21 = arith.addi %mul3A_4, %mul3A_20 : i32
    %dma_start3A_22 = tpu.memref_slice %arg2[%add3A_21] : memref<320000xi32, #tpu.memory_space<hbm>> -> memref<80xi32, #tpu.memory_space<hbm>>
    %dma_start3A_23 = tpu.memref_slice %arg2[%add3A_21] : memref<320000xi32, #tpu.memory_space<hbm>> -> memref<80xi32, #tpu.memory_space<hbm>>
    tpu.enqueue_dma source(%dma_start3A_23 : memref<80xi32, #tpu.memory_space<hbm>>) target(%arg7 : memref<80xi32, #tpu.memory_space<vmem>>) target_semaphore(%arg10 : memref<!tpu.dma_semaphore, #tpu.memory_space<semaphore_mem>>)
    %min3A_24 = arith.constant 0 : i32
    %min3A_25 = arith.constant 124 : i32
    %min3A_26 = arith.minsi %min3A_24, %min3A_25 : i32
    %mul3A_27 = arith.constant 80 : i32
    %mul3A_28 = arith.muli %min3A_26, %mul3A_27 : i32
    %add3A_29 = arith.addi %mul3A_4, %mul3A_28 : i32
    %dma_wait3A = tpu.memref_slice %arg2[%add3A_29] : memref<320000xi32, #tpu.memory_space<hbm>> -> memref<80xi32, #tpu.memory_space<hbm>>
    %dma_wait3A_30 = tpu.memref_slice %arg2[%add3A_29] : memref<320000xi32, #tpu.memory_space<hbm>> -> memref<80xi32, #tpu.memory_space<hbm>>
    tpu.wait_dma2 semaphore(%arg9 : memref<!tpu.dma_semaphore, #tpu.memory_space<semaphore_mem>>) src(%dma_wait3A_30 : memref<80xi32, #tpu.memory_space<hbm>>) dst(%arg6 : memref<80xi32, #tpu.memory_space<vmem>>)
    %dma_start3A_31 = arith.constant 0 : i32
    %dma_start3A_32 = arith.constant 0 : i32
    %dma_start3A_33 = tpu.memref_slice %arg13[%dma_start3A_31, %dma_start3A_32] : memref<10240x128xf32, #tpu.memory_space<vmem_shared>> -> memref<10240x128xf32, #tpu.memory_space<vmem_shared>>
    tpu.enqueue_indirect_dma source(%arg8 : memref<80x128xf32, #tpu.memory_space<vmem>>) target(%dma_start3A_33 : memref<10240x128xf32, #tpu.memory_space<vmem_shared>>) offsets(%arg6 : memref<80xi32, #tpu.memory_space<vmem>>) semaphore(%arg11 : memref<!tpu.dma_semaphore, #tpu.memory_space<semaphore_mem>>) {add = true}
    %min3A_34 = arith.constant 1 : i32
    %min3A_35 = arith.constant 124 : i32
    %min3A_36 = arith.minsi %min3A_34, %min3A_35 : i32
    %mul3A_37 = arith.constant 80 : i32
    %mul3A_38 = arith.muli %min3A_36, %mul3A_37 : i32
    %add3A_39 = arith.addi %mul3A_4, %mul3A_38 : i32
    %dma_wait3A_40 = tpu.memref_slice %arg2[%add3A_39] : memref<320000xi32, #tpu.memory_space<hbm>> -> memref<80xi32, #tpu.memory_space<hbm>>
    %dma_wait3A_41 = tpu.memref_slice %arg2[%add3A_39] : memref<320000xi32, #tpu.memory_space<hbm>> -> memref<80xi32, #tpu.memory_space<hbm>>
    tpu.wait_dma2 semaphore(%arg10 : memref<!tpu.dma_semaphore, #tpu.memory_space<semaphore_mem>>) src(%dma_wait3A_41 : memref<80xi32, #tpu.memory_space<hbm>>) dst(%arg7 : memref<80xi32, #tpu.memory_space<vmem>>)
    %dma_start3A_42 = arith.constant 0 : i32
    %dma_start3A_43 = arith.constant 0 : i32
    %dma_start3A_44 = tpu.memref_slice %arg13[%dma_start3A_42, %dma_start3A_43] : memref<10240x128xf32, #tpu.memory_space<vmem_shared>> -> memref<10240x128xf32, #tpu.memory_space<vmem_shared>>
    tpu.enqueue_indirect_dma source(%arg8 : memref<80x128xf32, #tpu.memory_space<vmem>>) target(%dma_start3A_44 : memref<10240x128xf32, #tpu.memory_space<vmem_shared>>) offsets(%arg7 : memref<80xi32, #tpu.memory_space<vmem>>) semaphore(%arg12 : memref<!tpu.dma_semaphore, #tpu.memory_space<semaphore_mem>>) {add = true}
    %scan3A_45 = arith.constant 0 : i32
    %scan3A_46 = arith.constant 0 : i32
    %scan3A_47 = arith.constant 61 : i32
    %scan3A_48 = arith.addi %scan3A_46, %scan3A_47 : i32
    %scan3A_49 = arith.constant 1 : i32
    scf.for %scan3A_86 = %scan3A_46 to %scan3A_48 step %scan3A_49  : i32 {
      %dma_wait3A_87 = arith.constant 0 : i32
      %dma_wait3A_88 = arith.constant 0 : i32
      %dma_wait3A_89 = tpu.memref_slice %arg13[%dma_wait3A_87, %dma_wait3A_88] : memref<10240x128xf32, #tpu.memory_space<vmem_shared>> -> memref<10240x128xf32, #tpu.memory_space<vmem_shared>>
      tpu.wait_indirect_dma semaphore(%arg11 : memref<!tpu.dma_semaphore, #tpu.memory_space<semaphore_mem>>) src(%arg8 : memref<80x128xf32, #tpu.memory_space<vmem>>) dst(%dma_wait3A_89 : memref<10240x128xf32, #tpu.memory_space<vmem_shared>>)
      %mul3A_90 = arith.constant 2 : i32
      %mul3A_91 = arith.muli %mul3A_90, %scan3A_86 : i32
      %add3A_92 = arith.constant 2 : i32
      %add3A_93 = arith.addi %mul3A_91, %add3A_92 : i32
      %min3A_94 = arith.constant 124 : i32
      %min3A_95 = arith.minsi %add3A_93, %min3A_94 : i32
      %mul3A_96 = arith.constant 80 : i32
      %mul3A_97 = arith.muli %min3A_95, %mul3A_96 : i32
      %add3A_98 = arith.addi %mul3A_4, %mul3A_97 : i32
      %dma_start3A_99 = tpu.memref_slice %arg2[%add3A_98] : memref<320000xi32, #tpu.memory_space<hbm>> -> memref<80xi32, #tpu.memory_space<hbm>>
      %dma_start3A_100 = tpu.memref_slice %arg2[%add3A_98] : memref<320000xi32, #tpu.memory_space<hbm>> -> memref<80xi32, #tpu.memory_space<hbm>>
      tpu.enqueue_dma source(%dma_start3A_100 : memref<80xi32, #tpu.memory_space<hbm>>) target(%arg6 : memref<80xi32, #tpu.memory_space<vmem>>) target_semaphore(%arg9 : memref<!tpu.dma_semaphore, #tpu.memory_space<semaphore_mem>>)
      %mul3A_101 = arith.constant 2 : i32
      %mul3A_102 = arith.muli %mul3A_101, %scan3A_86 : i32
      %add3A_103 = arith.constant 2 : i32
      %add3A_104 = arith.addi %mul3A_102, %add3A_103 : i32
      %min3A_105 = arith.constant 124 : i32
      %min3A_106 = arith.minsi %add3A_104, %min3A_105 : i32
      %mul3A_107 = arith.constant 80 : i32
      %mul3A_108 = arith.muli %min3A_106, %mul3A_107 : i32
      %add3A_109 = arith.addi %mul3A_4, %mul3A_108 : i32
      %dma_wait3A_110 = tpu.memref_slice %arg2[%add3A_109] : memref<320000xi32, #tpu.memory_space<hbm>> -> memref<80xi32, #tpu.memory_space<hbm>>
      %dma_wait3A_111 = tpu.memref_slice %arg2[%add3A_109] : memref<320000xi32, #tpu.memory_space<hbm>> -> memref<80xi32, #tpu.memory_space<hbm>>
      tpu.wait_dma2 semaphore(%arg9 : memref<!tpu.dma_semaphore, #tpu.memory_space<semaphore_mem>>) src(%dma_wait3A_111 : memref<80xi32, #tpu.memory_space<hbm>>) dst(%arg6 : memref<80xi32, #tpu.memory_space<vmem>>)
      %dma_start3A_112 = arith.constant 0 : i32
      %dma_start3A_113 = arith.constant 0 : i32
      %dma_start3A_114 = tpu.memref_slice %arg13[%dma_start3A_112, %dma_start3A_113] : memref<10240x128xf32, #tpu.memory_space<vmem_shared>> -> memref<10240x128xf32, #tpu.memory_space<vmem_shared>>
      tpu.enqueue_indirect_dma source(%arg8 : memref<80x128xf32, #tpu.memory_space<vmem>>) target(%dma_start3A_114 : memref<10240x128xf32, #tpu.memory_space<vmem_shared>>) offsets(%arg6 : memref<80xi32, #tpu.memory_space<vmem>>) semaphore(%arg11 : memref<!tpu.dma_semaphore, #tpu.memory_space<semaphore_mem>>) {add = true}
      %dma_wait3A_115 = arith.constant 0 : i32
      %dma_wait3A_116 = arith.constant 0 : i32
      %dma_wait3A_117 = tpu.memref_slice %arg13[%dma_wait3A_115, %dma_wait3A_116] : memref<10240x128xf32, #tpu.memory_space<vmem_shared>> -> memref<10240x128xf32, #tpu.memory_space<vmem_shared>>
      tpu.wait_indirect_dma semaphore(%arg12 : memref<!tpu.dma_semaphore, #tpu.memory_space<semaphore_mem>>) src(%arg8 : memref<80x128xf32, #tpu.memory_space<vmem>>) dst(%dma_wait3A_117 : memref<10240x128xf32, #tpu.memory_space<vmem_shared>>)
      %mul3A_118 = arith.constant 2 : i32
      %mul3A_119 = arith.muli %mul3A_118, %scan3A_86 : i32
      %add3A_120 = arith.constant 3 : i32
      %add3A_121 = arith.addi %mul3A_119, %add3A_120 : i32
      %min3A_122 = arith.constant 124 : i32
      %min3A_123 = arith.minsi %add3A_121, %min3A_122 : i32
      %mul3A_124 = arith.constant 80 : i32
      %mul3A_125 = arith.muli %min3A_123, %mul3A_124 : i32
      %add3A_126 = arith.addi %mul3A_4, %mul3A_125 : i32
      %dma_start3A_127 = tpu.memref_slice %arg2[%add3A_126] : memref<320000xi32, #tpu.memory_space<hbm>> -> memref<80xi32, #tpu.memory_space<hbm>>
      %dma_start3A_128 = tpu.memref_slice %arg2[%add3A_126] : memref<320000xi32, #tpu.memory_space<hbm>> -> memref<80xi32, #tpu.memory_space<hbm>>
      tpu.enqueue_dma source(%dma_start3A_128 : memref<80xi32, #tpu.memory_space<hbm>>) target(%arg7 : memref<80xi32, #tpu.memory_space<vmem>>) target_semaphore(%arg10 : memref<!tpu.dma_semaphore, #tpu.memory_space<semaphore_mem>>)
      %mul3A_129 = arith.constant 2 : i32
      %mul3A_130 = arith.muli %mul3A_129, %scan3A_86 : i32
      %add3A_131 = arith.constant 3 : i32
      %add3A_132 = arith.addi %mul3A_130, %add3A_131 : i32
      %min3A_133 = arith.constant 124 : i32
      %min3A_134 = arith.minsi %add3A_132, %min3A_133 : i32
      %mul3A_135 = arith.constant 80 : i32
      %mul3A_136 = arith.muli %min3A_134, %mul3A_135 : i32
      %add3A_137 = arith.addi %mul3A_4, %mul3A_136 : i32
      %dma_wait3A_138 = tpu.memref_slice %arg2[%add3A_137] : memref<320000xi32, #tpu.memory_space<hbm>> -> memref<80xi32, #tpu.memory_space<hbm>>
      %dma_wait3A_139 = tpu.memref_slice %arg2[%add3A_137] : memref<320000xi32, #tpu.memory_space<hbm>> -> memref<80xi32, #tpu.memory_space<hbm>>
      tpu.wait_dma2 semaphore(%arg10 : memref<!tpu.dma_semaphore, #tpu.memory_space<semaphore_mem>>) src(%dma_wait3A_139 : memref<80xi32, #tpu.memory_space<hbm>>) dst(%arg7 : memref<80xi32, #tpu.memory_space<vmem>>)
      %dma_start3A_140 = arith.constant 0 : i32
      %dma_start3A_141 = arith.constant 0 : i32
      %dma_start3A_142 = tpu.memref_slice %arg13[%dma_start3A_140, %dma_start3A_141] : memref<10240x128xf32, #tpu.memory_space<vmem_shared>> -> memref<10240x128xf32, #tpu.memory_space<vmem_shared>>
      tpu.enqueue_indirect_dma source(%arg8 : memref<80x128xf32, #tpu.memory_space<vmem>>) target(%dma_start3A_142 : memref<10240x128xf32, #tpu.memory_space<vmem_shared>>) offsets(%arg7 : memref<80xi32, #tpu.memory_space<vmem>>) semaphore(%arg12 : memref<!tpu.dma_semaphore, #tpu.memory_space<semaphore_mem>>) {add = true}
    }
    %scan3A_50 = arith.constant 61 : i32
    %dma_wait3A_51 = arith.constant 0 : i32
    %dma_wait3A_52 = arith.constant 0 : i32
    %dma_wait3A_53 = tpu.memref_slice %arg13[%dma_wait3A_51, %dma_wait3A_52] : memref<10240x128xf32, #tpu.memory_space<vmem_shared>> -> memref<10240x128xf32, #tpu.memory_space<vmem_shared>>
    tpu.wait_indirect_dma semaphore(%arg11 : memref<!tpu.dma_semaphore, #tpu.memory_space<semaphore_mem>>) src(%arg8 : memref<80x128xf32, #tpu.memory_space<vmem>>) dst(%dma_wait3A_53 : memref<10240x128xf32, #tpu.memory_space<vmem_shared>>)
    %min3A_54 = arith.constant 124 : i32
    %min3A_55 = arith.constant 124 : i32
    %min3A_56 = arith.minsi %min3A_54, %min3A_55 : i32
    %mul3A_57 = arith.constant 80 : i32
    %mul3A_58 = arith.muli %min3A_56, %mul3A_57 : i32
    %add3A_59 = arith.addi %mul3A_4, %mul3A_58 : i32
    %dma_start3A_60 = tpu.memref_slice %arg2[%add3A_59] : memref<320000xi32, #tpu.memory_space<hbm>> -> memref<80xi32, #tpu.memory_space<hbm>>
    %dma_start3A_61 = tpu.memref_slice %arg2[%add3A_59] : memref<320000xi32, #tpu.memory_space<hbm>> -> memref<80xi32, #tpu.memory_space<hbm>>
    tpu.enqueue_dma source(%dma_start3A_61 : memref<80xi32, #tpu.memory_space<hbm>>) target(%arg6 : memref<80xi32, #tpu.memory_space<vmem>>) target_semaphore(%arg9 : memref<!tpu.dma_semaphore, #tpu.memory_space<semaphore_mem>>)
    %min3A_62 = arith.constant 124 : i32
    %min3A_63 = arith.constant 124 : i32
    %min3A_64 = arith.minsi %min3A_62, %min3A_63 : i32
    %mul3A_65 = arith.constant 80 : i32
    %mul3A_66 = arith.muli %min3A_64, %mul3A_65 : i32
    %add3A_67 = arith.addi %mul3A_4, %mul3A_66 : i32
    %dma_wait3A_68 = tpu.memref_slice %arg2[%add3A_67] : memref<320000xi32, #tpu.memory_space<hbm>> -> memref<80xi32, #tpu.memory_space<hbm>>
    %dma_wait3A_69 = tpu.memref_slice %arg2[%add3A_67] : memref<320000xi32, #tpu.memory_space<hbm>> -> memref<80xi32, #tpu.memory_space<hbm>>
    tpu.wait_dma2 semaphore(%arg9 : memref<!tpu.dma_semaphore, #tpu.memory_space<semaphore_mem>>) src(%dma_wait3A_69 : memref<80xi32, #tpu.memory_space<hbm>>) dst(%arg6 : memref<80xi32, #tpu.memory_space<vmem>>)
    %dma_start3A_70 = arith.constant 0 : i32
    %dma_start3A_71 = arith.constant 0 : i32
    %dma_start3A_72 = tpu.memref_slice %arg13[%dma_start3A_70, %dma_start3A_71] : memref<10240x128xf32, #tpu.memory_space<vmem_shared>> -> memref<10240x128xf32, #tpu.memory_space<vmem_shared>>
    tpu.enqueue_indirect_dma source(%arg8 : memref<80x128xf32, #tpu.memory_space<vmem>>) target(%dma_start3A_72 : memref<10240x128xf32, #tpu.memory_space<vmem_shared>>) offsets(%arg6 : memref<80xi32, #tpu.memory_space<vmem>>) semaphore(%arg11 : memref<!tpu.dma_semaphore, #tpu.memory_space<semaphore_mem>>) {add = true}
    %dma_wait3A_73 = arith.constant 0 : i32
    %dma_wait3A_74 = arith.constant 0 : i32
    %dma_wait3A_75 = tpu.memref_slice %arg13[%dma_wait3A_73, %dma_wait3A_74] : memref<10240x128xf32, #tpu.memory_space<vmem_shared>> -> memref<10240x128xf32, #tpu.memory_space<vmem_shared>>
    tpu.wait_indirect_dma semaphore(%arg12 : memref<!tpu.dma_semaphore, #tpu.memory_space<semaphore_mem>>) src(%arg8 : memref<80x128xf32, #tpu.memory_space<vmem>>) dst(%dma_wait3A_75 : memref<10240x128xf32, #tpu.memory_space<vmem_shared>>)
    %dma_wait3A_76 = arith.constant 0 : i32
    %dma_wait3A_77 = arith.constant 0 : i32
    %dma_wait3A_78 = tpu.memref_slice %arg13[%dma_wait3A_76, %dma_wait3A_77] : memref<10240x128xf32, #tpu.memory_space<vmem_shared>> -> memref<10240x128xf32, #tpu.memory_space<vmem_shared>>
    tpu.wait_indirect_dma semaphore(%arg11 : memref<!tpu.dma_semaphore, #tpu.memory_space<semaphore_mem>>) src(%arg8 : memref<80x128xf32, #tpu.memory_space<vmem>>) dst(%dma_wait3A_78 : memref<10240x128xf32, #tpu.memory_space<vmem_shared>>)
    %barrier3A_79 = arith.constant 0 : index
    tpu.barrier barrier_id(%barrier3A_79)
    %scan3A_80 = arith.constant 0 : i32
    %scan3A_81 = arith.constant 0 : i32
    %scan3A_82 = arith.constant 8 : i32
    %scan3A_83 = arith.addi %scan3A_81, %scan3A_82 : i32
    %scan3A_84 = arith.constant 1 : i32
    scf.for %scan3A_86 = %scan3A_81 to %scan3A_83 step %scan3A_84  : i32 {
      %mul3A_87 = arith.constant 80 : i32
      %mul3A_88 = arith.muli %scan3A_86, %mul3A_87 : i32
      %add3A_89 = arith.addi %mul3A_2, %mul3A_88 : i32
      "tpu.region"() ({
        %run_scoped3A = tpu.sem_alloc : memref<!tpu.dma_semaphore, #tpu.memory_space<semaphore_mem>>
        %dma_start3A_96 = arith.constant 0 : i32
        %dma_start3A_97 = tpu.memref_slice %arg13[%add3A_89, %dma_start3A_96] : memref<10240x128xf32, #tpu.memory_space<vmem_shared>> -> memref<80x128xf32, #tpu.memory_space<vmem_shared>>
        %dma_start3A_98 = arith.constant 0 : i32
        %dma_start3A_99 = tpu.memref_slice %arg13[%add3A_89, %dma_start3A_98] : memref<10240x128xf32, #tpu.memory_space<vmem_shared>> -> memref<80x128xf32, #tpu.memory_space<vmem_shared>>
        tpu.enqueue_dma source(%dma_start3A_99 : memref<80x128xf32, #tpu.memory_space<vmem_shared>>) target(%arg8 : memref<80x128xf32, #tpu.memory_space<vmem>>) target_semaphore(%run_scoped3A : memref<!tpu.dma_semaphore, #tpu.memory_space<semaphore_mem>>)
        %dma_wait3A_100 = arith.constant 0 : i32
        %dma_wait3A_101 = tpu.memref_slice %arg13[%add3A_89, %dma_wait3A_100] : memref<10240x128xf32, #tpu.memory_space<vmem_shared>> -> memref<80x128xf32, #tpu.memory_space<vmem_shared>>
        %dma_wait3A_102 = arith.constant 0 : i32
        %dma_wait3A_103 = tpu.memref_slice %arg13[%add3A_89, %dma_wait3A_102] : memref<10240x128xf32, #tpu.memory_space<vmem_shared>> -> memref<80x128xf32, #tpu.memory_space<vmem_shared>>
        tpu.wait_dma2 semaphore(%run_scoped3A : memref<!tpu.dma_semaphore, #tpu.memory_space<semaphore_mem>>) src(%dma_wait3A_103 : memref<80x128xf32, #tpu.memory_space<vmem_shared>>) dst(%arg8 : memref<80x128xf32, #tpu.memory_space<vmem>>)
        tpu.yield
      }) : () -> ()
      %mul3A_90 = arith.constant 10240 : i32
      %mul3A_91 = arith.muli %arg0, %mul3A_90 : i32
      %add3A_92 = arith.addi %mul3A_91, %mul3A_2 : i32
      %mul3A_93 = arith.constant 80 : i32
      %mul3A_94 = arith.muli %scan3A_86, %mul3A_93 : i32
      %add3A_95 = arith.addi %add3A_92, %mul3A_94 : i32
      "tpu.region"() ({
        %run_scoped3A = tpu.sem_alloc : memref<!tpu.dma_semaphore, #tpu.memory_space<semaphore_mem>>
        %dma_start3A_96 = arith.constant 0 : i32
        %dma_start3A_97 = tpu.memref_slice %arg5[%add3A_95, %dma_start3A_96] : memref<20480x128xf32, #tpu.memory_space<hbm>> -> memref<80x128xf32, #tpu.memory_space<hbm>>
        %dma_start3A_98 = arith.constant 0 : i32
        %dma_start3A_99 = tpu.memref_slice %arg5[%add3A_95, %dma_start3A_98] : memref<20480x128xf32, #tpu.memory_space<hbm>> -> memref<80x128xf32, #tpu.memory_space<hbm>>
        tpu.enqueue_dma source(%arg8 : memref<80x128xf32, #tpu.memory_space<vmem>>) target(%dma_start3A_99 : memref<80x128xf32, #tpu.memory_space<hbm>>) target_semaphore(%run_scoped3A : memref<!tpu.dma_semaphore, #tpu.memory_space<semaphore_mem>>)
        %dma_wait3A_100 = arith.constant 0 : i32
        %dma_wait3A_101 = tpu.memref_slice %arg5[%add3A_95, %dma_wait3A_100] : memref<20480x128xf32, #tpu.memory_space<hbm>> -> memref<80x128xf32, #tpu.memory_space<hbm>>
        %dma_wait3A_102 = arith.constant 0 : i32
        %dma_wait3A_103 = tpu.memref_slice %arg5[%add3A_95, %dma_wait3A_102] : memref<20480x128xf32, #tpu.memory_space<hbm>> -> memref<80x128xf32, #tpu.memory_space<hbm>>
        tpu.wait_dma2 semaphore(%run_scoped3A : memref<!tpu.dma_semaphore, #tpu.memory_space<semaphore_mem>>) src(%arg8 : memref<80x128xf32, #tpu.memory_space<vmem>>) dst(%dma_wait3A_103 : memref<80x128xf32, #tpu.memory_space<hbm>>)
        tpu.yield
      }) : () -> ()
    }
    %scan3A_85 = arith.constant 8 : i32
    return
  }
}

#map = affine_map<(d0, d1) -> (0, 0)>
#map1 = affine_map<(d0, d1) -> (0)>
module attributes {stable_mosaic.version = 14 : i64} {
  func.func @_seg_body(%arg0: i32, %arg1: i32, %arg2: memref<10000x128xf32, #tpu.memory_space<hbm>>, %arg3: memref<320000xi32, #tpu.memory_space<hbm>>, %arg4: memref<320000xi32, #tpu.memory_space<hbm>>, %arg5: memref<80x128xf32, #tpu.memory_space<hbm>>, %arg6: memref<20480x128xf32, #tpu.memory_space<hbm>>, %arg7: memref<80xi32, #tpu.memory_space<vmem>>, %arg8: memref<80xi32, #tpu.memory_space<vmem>>, %arg9: memref<80xi32, #tpu.memory_space<vmem>>, %arg10: memref<80xi32, #tpu.memory_space<vmem>>, %arg11: memref<80x128xf32, #tpu.memory_space<vmem>>, %arg12: memref<80x128xf32, #tpu.memory_space<vmem>>, %arg13: memref<!tpu.dma_semaphore, #tpu.memory_space<semaphore_mem>>, %arg14: memref<!tpu.dma_semaphore, #tpu.memory_space<semaphore_mem>>, %arg15: memref<!tpu.dma_semaphore, #tpu.memory_space<semaphore_mem>>, %arg16: memref<!tpu.dma_semaphore, #tpu.memory_space<semaphore_mem>>, %arg17: memref<!tpu.dma_semaphore, #tpu.memory_space<semaphore_mem>>, %arg18: memref<!tpu.dma_semaphore, #tpu.memory_space<semaphore_mem>>, %arg19: memref<10240x128xf32, #tpu.memory_space<vmem_shared>>) attributes {dimension_semantics = [#tpu.dimension_semantics<core_parallel>, #tpu.dimension_semantics<subcore_parallel>], iteration_bounds = array<i64: 2, 16>, scalar_prefetch = 0 : i64, scratch_operands = 13 : i64, tpu.core_type = #tpu.core_type<sc_vector_subcore>, window_params = [{transform_indices = #map}, {transform_indices = #map1}, {transform_indices = #map1}, {transform_indices = #map}, {transform_indices = #map}]} {
    %mul3A = arith.constant 2 : i32
    %mul3A_0 = arith.muli %arg1, %mul3A : i32
    %add3A = arith.addi %mul3A_0, %arg0 : i32
    %mul3A_1 = arith.constant 640 : i32
    %mul3A_2 = arith.muli %arg1, %mul3A_1 : i32
    %mul3A_3 = arith.constant 10000 : i32
    %mul3A_4 = arith.muli %add3A, %mul3A_3 : i32
    "tpu.region"() ({
      %run_scoped3A = tpu.sem_alloc : memref<!tpu.dma_semaphore, #tpu.memory_space<semaphore_mem>>
      tpu.enqueue_dma source(%arg5 : memref<80x128xf32, #tpu.memory_space<hbm>>) target(%arg11 : memref<80x128xf32, #tpu.memory_space<vmem>>) target_semaphore(%run_scoped3A : memref<!tpu.dma_semaphore, #tpu.memory_space<semaphore_mem>>)
      tpu.wait_dma2 semaphore(%run_scoped3A : memref<!tpu.dma_semaphore, #tpu.memory_space<semaphore_mem>>) src(%arg5 : memref<80x128xf32, #tpu.memory_space<hbm>>) dst(%arg11 : memref<80x128xf32, #tpu.memory_space<vmem>>)
      tpu.yield
    }) : () -> ()
    %scan3A = arith.constant 0 : i32
    %scan3A_5 = arith.constant 0 : i32
    %scan3A_6 = arith.constant 8 : i32
    %scan3A_7 = arith.addi %scan3A_5, %scan3A_6 : i32
    %scan3A_8 = arith.constant 1 : i32
    scf.for %scan3A_90 = %scan3A_5 to %scan3A_7 step %scan3A_8  : i32 {
      %mul3A_91 = arith.constant 80 : i32
      %mul3A_92 = arith.muli %scan3A_90, %mul3A_91 : i32
      %add3A_93 = arith.addi %mul3A_2, %mul3A_92 : i32
      "tpu.region"() ({
        %run_scoped3A = tpu.sem_alloc : memref<!tpu.dma_semaphore, #tpu.memory_space<semaphore_mem>>
        %dma_start3A_94 = arith.constant 0 : i32
        %dma_start3A_95 = tpu.memref_slice %arg19[%add3A_93, %dma_start3A_94] : memref<10240x128xf32, #tpu.memory_space<vmem_shared>> -> memref<80x128xf32, #tpu.memory_space<vmem_shared>>
        %dma_start3A_96 = arith.constant 0 : i32
        %dma_start3A_97 = tpu.memref_slice %arg19[%add3A_93, %dma_start3A_96] : memref<10240x128xf32, #tpu.memory_space<vmem_shared>> -> memref<80x128xf32, #tpu.memory_space<vmem_shared>>
        tpu.enqueue_dma source(%arg11 : memref<80x128xf32, #tpu.memory_space<vmem>>) target(%dma_start3A_97 : memref<80x128xf32, #tpu.memory_space<vmem_shared>>) target_semaphore(%run_scoped3A : memref<!tpu.dma_semaphore, #tpu.memory_space<semaphore_mem>>)
        %dma_wait3A_98 = arith.constant 0 : i32
        %dma_wait3A_99 = tpu.memref_slice %arg19[%add3A_93, %dma_wait3A_98] : memref<10240x128xf32, #tpu.memory_space<vmem_shared>> -> memref<80x128xf32, #tpu.memory_space<vmem_shared>>
        %dma_wait3A_100 = arith.constant 0 : i32
        %dma_wait3A_101 = tpu.memref_slice %arg19[%add3A_93, %dma_wait3A_100] : memref<10240x128xf32, #tpu.memory_space<vmem_shared>> -> memref<80x128xf32, #tpu.memory_space<vmem_shared>>
        tpu.wait_dma2 semaphore(%run_scoped3A : memref<!tpu.dma_semaphore, #tpu.memory_space<semaphore_mem>>) src(%arg11 : memref<80x128xf32, #tpu.memory_space<vmem>>) dst(%dma_wait3A_101 : memref<80x128xf32, #tpu.memory_space<vmem_shared>>)
        tpu.yield
      }) : () -> ()
    }
    %scan3A_9 = arith.constant 8 : i32
    %barrier3A = arith.constant 0 : index
    tpu.barrier barrier_id(%barrier3A)
    %min3A = arith.constant 0 : i32
    %min3A_10 = arith.constant 124 : i32
    %min3A_11 = arith.minsi %min3A, %min3A_10 : i32
    %mul3A_12 = arith.constant 80 : i32
    %mul3A_13 = arith.muli %min3A_11, %mul3A_12 : i32
    %add3A_14 = arith.addi %mul3A_4, %mul3A_13 : i32
    %dma_start3A = tpu.memref_slice %arg3[%add3A_14] : memref<320000xi32, #tpu.memory_space<hbm>> -> memref<80xi32, #tpu.memory_space<hbm>>
    %dma_start3A_15 = tpu.memref_slice %arg3[%add3A_14] : memref<320000xi32, #tpu.memory_space<hbm>> -> memref<80xi32, #tpu.memory_space<hbm>>
    tpu.enqueue_dma source(%dma_start3A_15 : memref<80xi32, #tpu.memory_space<hbm>>) target(%arg7 : memref<80xi32, #tpu.memory_space<vmem>>) target_semaphore(%arg13 : memref<!tpu.dma_semaphore, #tpu.memory_space<semaphore_mem>>)
    %min3A_16 = arith.constant 0 : i32
    %min3A_17 = arith.constant 124 : i32
    %min3A_18 = arith.minsi %min3A_16, %min3A_17 : i32
    %mul3A_19 = arith.constant 80 : i32
    %mul3A_20 = arith.muli %min3A_18, %mul3A_19 : i32
    %add3A_21 = arith.addi %mul3A_4, %mul3A_20 : i32
    %dma_start3A_22 = tpu.memref_slice %arg4[%add3A_21] : memref<320000xi32, #tpu.memory_space<hbm>> -> memref<80xi32, #tpu.memory_space<hbm>>
    %dma_start3A_23 = tpu.memref_slice %arg4[%add3A_21] : memref<320000xi32, #tpu.memory_space<hbm>> -> memref<80xi32, #tpu.memory_space<hbm>>
    tpu.enqueue_dma source(%dma_start3A_23 : memref<80xi32, #tpu.memory_space<hbm>>) target(%arg9 : memref<80xi32, #tpu.memory_space<vmem>>) target_semaphore(%arg15 : memref<!tpu.dma_semaphore, #tpu.memory_space<semaphore_mem>>)
    %min3A_24 = arith.constant 0 : i32
    %min3A_25 = arith.constant 124 : i32
    %min3A_26 = arith.minsi %min3A_24, %min3A_25 : i32
    %mul3A_27 = arith.constant 80 : i32
    %mul3A_28 = arith.muli %min3A_26, %mul3A_27 : i32
    %add3A_29 = arith.addi %mul3A_4, %mul3A_28 : i32
    %dma_wait3A = tpu.memref_slice %arg3[%add3A_29] : memref<320000xi32, #tpu.memory_space<hbm>> -> memref<80xi32, #tpu.memory_space<hbm>>
    %dma_wait3A_30 = tpu.memref_slice %arg3[%add3A_29] : memref<320000xi32, #tpu.memory_space<hbm>> -> memref<80xi32, #tpu.memory_space<hbm>>
    tpu.wait_dma2 semaphore(%arg13 : memref<!tpu.dma_semaphore, #tpu.memory_space<semaphore_mem>>) src(%dma_wait3A_30 : memref<80xi32, #tpu.memory_space<hbm>>) dst(%arg7 : memref<80xi32, #tpu.memory_space<vmem>>)
    %dma_start3A_31 = arith.constant 0 : i32
    %dma_start3A_32 = arith.constant 0 : i32
    %dma_start3A_33 = tpu.memref_slice %arg2[%dma_start3A_31, %dma_start3A_32] : memref<10000x128xf32, #tpu.memory_space<hbm>> -> memref<10000x128xf32, #tpu.memory_space<hbm>>
    tpu.enqueue_indirect_dma source(%dma_start3A_33 : memref<10000x128xf32, #tpu.memory_space<hbm>>) target(%arg11 : memref<80x128xf32, #tpu.memory_space<vmem>>) offsets(%arg7 : memref<80xi32, #tpu.memory_space<vmem>>) semaphore(%arg17 : memref<!tpu.dma_semaphore, #tpu.memory_space<semaphore_mem>>)
    %min3A_34 = arith.constant 1 : i32
    %min3A_35 = arith.constant 124 : i32
    %min3A_36 = arith.minsi %min3A_34, %min3A_35 : i32
    %mul3A_37 = arith.constant 80 : i32
    %mul3A_38 = arith.muli %min3A_36, %mul3A_37 : i32
    %add3A_39 = arith.addi %mul3A_4, %mul3A_38 : i32
    %dma_start3A_40 = tpu.memref_slice %arg3[%add3A_39] : memref<320000xi32, #tpu.memory_space<hbm>> -> memref<80xi32, #tpu.memory_space<hbm>>
    %dma_start3A_41 = tpu.memref_slice %arg3[%add3A_39] : memref<320000xi32, #tpu.memory_space<hbm>> -> memref<80xi32, #tpu.memory_space<hbm>>
    tpu.enqueue_dma source(%dma_start3A_41 : memref<80xi32, #tpu.memory_space<hbm>>) target(%arg8 : memref<80xi32, #tpu.memory_space<vmem>>) target_semaphore(%arg14 : memref<!tpu.dma_semaphore, #tpu.memory_space<semaphore_mem>>)
    %min3A_42 = arith.constant 1 : i32
    %min3A_43 = arith.constant 124 : i32
    %min3A_44 = arith.minsi %min3A_42, %min3A_43 : i32
    %mul3A_45 = arith.constant 80 : i32
    %mul3A_46 = arith.muli %min3A_44, %mul3A_45 : i32
    %add3A_47 = arith.addi %mul3A_4, %mul3A_46 : i32
    %dma_start3A_48 = tpu.memref_slice %arg4[%add3A_47] : memref<320000xi32, #tpu.memory_space<hbm>> -> memref<80xi32, #tpu.memory_space<hbm>>
    %dma_start3A_49 = tpu.memref_slice %arg4[%add3A_47] : memref<320000xi32, #tpu.memory_space<hbm>> -> memref<80xi32, #tpu.memory_space<hbm>>
    tpu.enqueue_dma source(%dma_start3A_49 : memref<80xi32, #tpu.memory_space<hbm>>) target(%arg10 : memref<80xi32, #tpu.memory_space<vmem>>) target_semaphore(%arg16 : memref<!tpu.dma_semaphore, #tpu.memory_space<semaphore_mem>>)
    %scan3A_50 = arith.constant 0 : i32
    %scan3A_51 = arith.constant 0 : i32
    %scan3A_52 = arith.constant 62 : i32
    %scan3A_53 = arith.addi %scan3A_51, %scan3A_52 : i32
    %scan3A_54 = arith.constant 1 : i32
    scf.for %scan3A_90 = %scan3A_51 to %scan3A_53 step %scan3A_54  : i32 {
      %mul3A_91 = arith.constant 2 : i32
      %mul3A_92 = arith.muli %mul3A_91, %scan3A_90 : i32
      %add3A_93 = arith.constant 1 : i32
      %add3A_94 = arith.addi %mul3A_92, %add3A_93 : i32
      %min3A_95 = arith.constant 124 : i32
      %min3A_96 = arith.minsi %add3A_94, %min3A_95 : i32
      %mul3A_97 = arith.constant 80 : i32
      %mul3A_98 = arith.muli %min3A_96, %mul3A_97 : i32
      %add3A_99 = arith.addi %mul3A_4, %mul3A_98 : i32
      %dma_wait3A_100 = tpu.memref_slice %arg3[%add3A_99] : memref<320000xi32, #tpu.memory_space<hbm>> -> memref<80xi32, #tpu.memory_space<hbm>>
      %dma_wait3A_101 = tpu.memref_slice %arg3[%add3A_99] : memref<320000xi32, #tpu.memory_space<hbm>> -> memref<80xi32, #tpu.memory_space<hbm>>
      tpu.wait_dma2 semaphore(%arg14 : memref<!tpu.dma_semaphore, #tpu.memory_space<semaphore_mem>>) src(%dma_wait3A_101 : memref<80xi32, #tpu.memory_space<hbm>>) dst(%arg8 : memref<80xi32, #tpu.memory_space<vmem>>)
      %dma_start3A_102 = arith.constant 0 : i32
      %dma_start3A_103 = arith.constant 0 : i32
      %dma_start3A_104 = tpu.memref_slice %arg2[%dma_start3A_102, %dma_start3A_103] : memref<10000x128xf32, #tpu.memory_space<hbm>> -> memref<10000x128xf32, #tpu.memory_space<hbm>>
      tpu.enqueue_indirect_dma source(%dma_start3A_104 : memref<10000x128xf32, #tpu.memory_space<hbm>>) target(%arg12 : memref<80x128xf32, #tpu.memory_space<vmem>>) offsets(%arg8 : memref<80xi32, #tpu.memory_space<vmem>>) semaphore(%arg18 : memref<!tpu.dma_semaphore, #tpu.memory_space<semaphore_mem>>)
      %dma_wait3A_105 = arith.constant 0 : i32
      %dma_wait3A_106 = arith.constant 0 : i32
      %dma_wait3A_107 = tpu.memref_slice %arg2[%dma_wait3A_105, %dma_wait3A_106] : memref<10000x128xf32, #tpu.memory_space<hbm>> -> memref<10000x128xf32, #tpu.memory_space<hbm>>
      tpu.wait_indirect_dma semaphore(%arg17 : memref<!tpu.dma_semaphore, #tpu.memory_space<semaphore_mem>>) src(%dma_wait3A_107 : memref<10000x128xf32, #tpu.memory_space<hbm>>) dst(%arg11 : memref<80x128xf32, #tpu.memory_space<vmem>>)
      %mul3A_108 = arith.constant 2 : i32
      %mul3A_109 = arith.muli %mul3A_108, %scan3A_90 : i32
      %add3A_110 = arith.constant 2 : i32
      %add3A_111 = arith.addi %mul3A_109, %add3A_110 : i32
      %min3A_112 = arith.constant 124 : i32
      %min3A_113 = arith.minsi %add3A_111, %min3A_112 : i32
      %mul3A_114 = arith.constant 80 : i32
      %mul3A_115 = arith.muli %min3A_113, %mul3A_114 : i32
      %add3A_116 = arith.addi %mul3A_4, %mul3A_115 : i32
      %dma_start3A_117 = tpu.memref_slice %arg3[%add3A_116] : memref<320000xi32, #tpu.memory_space<hbm>> -> memref<80xi32, #tpu.memory_space<hbm>>
      %dma_start3A_118 = tpu.memref_slice %arg3[%add3A_116] : memref<320000xi32, #tpu.memory_space<hbm>> -> memref<80xi32, #tpu.memory_space<hbm>>
      tpu.enqueue_dma source(%dma_start3A_118 : memref<80xi32, #tpu.memory_space<hbm>>) target(%arg7 : memref<80xi32, #tpu.memory_space<vmem>>) target_semaphore(%arg13 : memref<!tpu.dma_semaphore, #tpu.memory_space<semaphore_mem>>)
      %mul3A_119 = arith.constant 2 : i32
      %mul3A_120 = arith.muli %mul3A_119, %scan3A_90 : i32
      %min3A_121 = arith.constant 124 : i32
      %min3A_122 = arith.minsi %mul3A_120, %min3A_121 : i32
      %mul3A_123 = arith.constant 80 : i32
      %mul3A_124 = arith.muli %min3A_122, %mul3A_123 : i32
      %add3A_125 = arith.addi %mul3A_4, %mul3A_124 : i32
      %dma_wait3A_126 = tpu.memref_slice %arg4[%add3A_125] : memref<320000xi32, #tpu.memory_space<hbm>> -> memref<80xi32, #tpu.memory_space<hbm>>
      %dma_wait3A_127 = tpu.memref_slice %arg4[%add3A_125] : memref<320000xi32, #tpu.memory_space<hbm>> -> memref<80xi32, #tpu.memory_space<hbm>>
      tpu.wait_dma2 semaphore(%arg15 : memref<!tpu.dma_semaphore, #tpu.memory_space<semaphore_mem>>) src(%dma_wait3A_127 : memref<80xi32, #tpu.memory_space<hbm>>) dst(%arg9 : memref<80xi32, #tpu.memory_space<vmem>>)
      "tpu.region"() ({
        %run_scoped3A = tpu.sem_alloc : memref<!tpu.dma_semaphore, #tpu.memory_space<semaphore_mem>>
        %dma_start3A_189 = arith.constant 0 : i32
        %dma_start3A_190 = arith.constant 0 : i32
        %dma_start3A_191 = tpu.memref_slice %arg19[%dma_start3A_189, %dma_start3A_190] : memref<10240x128xf32, #tpu.memory_space<vmem_shared>> -> memref<10240x128xf32, #tpu.memory_space<vmem_shared>>
        tpu.enqueue_indirect_dma source(%arg11 : memref<80x128xf32, #tpu.memory_space<vmem>>) target(%dma_start3A_191 : memref<10240x128xf32, #tpu.memory_space<vmem_shared>>) offsets(%arg9 : memref<80xi32, #tpu.memory_space<vmem>>) semaphore(%run_scoped3A : memref<!tpu.dma_semaphore, #tpu.memory_space<semaphore_mem>>) {add = true}
        %dma_wait3A_192 = arith.constant 0 : i32
        %dma_wait3A_193 = arith.constant 0 : i32
        %dma_wait3A_194 = tpu.memref_slice %arg19[%dma_wait3A_192, %dma_wait3A_193] : memref<10240x128xf32, #tpu.memory_space<vmem_shared>> -> memref<10240x128xf32, #tpu.memory_space<vmem_shared>>
        tpu.wait_indirect_dma semaphore(%run_scoped3A : memref<!tpu.dma_semaphore, #tpu.memory_space<semaphore_mem>>) src(%arg11 : memref<80x128xf32, #tpu.memory_space<vmem>>) dst(%dma_wait3A_194 : memref<10240x128xf32, #tpu.memory_space<vmem_shared>>)
        tpu.yield
      }) : () -> ()
      %mul3A_128 = arith.constant 2 : i32
      %mul3A_129 = arith.muli %mul3A_128, %scan3A_90 : i32
      %add3A_130 = arith.constant 2 : i32
      %add3A_131 = arith.addi %mul3A_129, %add3A_130 : i32
      %min3A_132 = arith.constant 124 : i32
      %min3A_133 = arith.minsi %add3A_131, %min3A_132 : i32
      %mul3A_134 = arith.constant 80 : i32
      %mul3A_135 = arith.muli %min3A_133, %mul3A_134 : i32
      %add3A_136 = arith.addi %mul3A_4, %mul3A_135 : i32
      %dma_start3A_137 = tpu.memref_slice %arg4[%add3A_136] : memref<320000xi32, #tpu.memory_space<hbm>> -> memref<80xi32, #tpu.memory_space<hbm>>
      %dma_start3A_138 = tpu.memref_slice %arg4[%add3A_136] : memref<320000xi32, #tpu.memory_space<hbm>> -> memref<80xi32, #tpu.memory_space<hbm>>
      tpu.enqueue_dma source(%dma_start3A_138 : memref<80xi32, #tpu.memory_space<hbm>>) target(%arg9 : memref<80xi32, #tpu.memory_space<vmem>>) target_semaphore(%arg15 : memref<!tpu.dma_semaphore, #tpu.memory_space<semaphore_mem>>)
      %mul3A_139 = arith.constant 2 : i32
      %mul3A_140 = arith.muli %mul3A_139, %scan3A_90 : i32
      %add3A_141 = arith.constant 2 : i32
      %add3A_142 = arith.addi %mul3A_140, %add3A_141 : i32
      %min3A_143 = arith.constant 124 : i32
      %min3A_144 = arith.minsi %add3A_142, %min3A_143 : i32
      %mul3A_145 = arith.constant 80 : i32
      %mul3A_146 = arith.muli %min3A_144, %mul3A_145 : i32
      %add3A_147 = arith.addi %mul3A_4, %mul3A_146 : i32
      %dma_wait3A_148 = tpu.memref_slice %arg3[%add3A_147] : memref<320000xi32, #tpu.memory_space<hbm>> -> memref<80xi32, #tpu.memory_space<hbm>>
      %dma_wait3A_149 = tpu.memref_slice %arg3[%add3A_147] : memref<320000xi32, #tpu.memory_space<hbm>> -> memref<80xi32, #tpu.memory_space<hbm>>
      tpu.wait_dma2 semaphore(%arg13 : memref<!tpu.dma_semaphore, #tpu.memory_space<semaphore_mem>>) src(%dma_wait3A_149 : memref<80xi32, #tpu.memory_space<hbm>>) dst(%arg7 : memref<80xi32, #tpu.memory_space<vmem>>)
      %dma_start3A_150 = arith.constant 0 : i32
      %dma_start3A_151 = arith.constant 0 : i32
      %dma_start3A_152 = tpu.memref_slice %arg2[%dma_start3A_150, %dma_start3A_151] : memref<10000x128xf32, #tpu.memory_space<hbm>> -> memref<10000x128xf32, #tpu.memory_space<hbm>>
      tpu.enqueue_indirect_dma source(%dma_start3A_152 : memref<10000x128xf32, #tpu.memory_space<hbm>>) target(%arg11 : memref<80x128xf32, #tpu.memory_space<vmem>>) offsets(%arg7 : memref<80xi32, #tpu.memory_space<vmem>>) semaphore(%arg17 : memref<!tpu.dma_semaphore, #tpu.memory_space<semaphore_mem>>)
      %dma_wait3A_153 = arith.constant 0 : i32
      %dma_wait3A_154 = arith.constant 0 : i32
      %dma_wait3A_155 = tpu.memref_slice %arg2[%dma_wait3A_153, %dma_wait3A_154] : memref<10000x128xf32, #tpu.memory_space<hbm>> -> memref<10000x128xf32, #tpu.memory_space<hbm>>
      tpu.wait_indirect_dma semaphore(%arg18 : memref<!tpu.dma_semaphore, #tpu.memory_space<semaphore_mem>>) src(%dma_wait3A_155 : memref<10000x128xf32, #tpu.memory_space<hbm>>) dst(%arg12 : memref<80x128xf32, #tpu.memory_space<vmem>>)
      %mul3A_156 = arith.constant 2 : i32
      %mul3A_157 = arith.muli %mul3A_156, %scan3A_90 : i32
      %add3A_158 = arith.constant 3 : i32
      %add3A_159 = arith.addi %mul3A_157, %add3A_158 : i32
      %min3A_160 = arith.constant 124 : i32
      %min3A_161 = arith.minsi %add3A_159, %min3A_160 : i32
      %mul3A_162 = arith.constant 80 : i32
      %mul3A_163 = arith.muli %min3A_161, %mul3A_162 : i32
      %add3A_164 = arith.addi %mul3A_4, %mul3A_163 : i32
      %dma_start3A_165 = tpu.memref_slice %arg3[%add3A_164] : memref<320000xi32, #tpu.memory_space<hbm>> -> memref<80xi32, #tpu.memory_space<hbm>>
      %dma_start3A_166 = tpu.memref_slice %arg3[%add3A_164] : memref<320000xi32, #tpu.memory_space<hbm>> -> memref<80xi32, #tpu.memory_space<hbm>>
      tpu.enqueue_dma source(%dma_start3A_166 : memref<80xi32, #tpu.memory_space<hbm>>) target(%arg8 : memref<80xi32, #tpu.memory_space<vmem>>) target_semaphore(%arg14 : memref<!tpu.dma_semaphore, #tpu.memory_space<semaphore_mem>>)
      %mul3A_167 = arith.constant 2 : i32
      %mul3A_168 = arith.muli %mul3A_167, %scan3A_90 : i32
      %add3A_169 = arith.constant 1 : i32
      %add3A_170 = arith.addi %mul3A_168, %add3A_169 : i32
      %min3A_171 = arith.constant 124 : i32
      %min3A_172 = arith.minsi %add3A_170, %min3A_171 : i32
      %mul3A_173 = arith.constant 80 : i32
      %mul3A_174 = arith.muli %min3A_172, %mul3A_173 : i32
      %add3A_175 = arith.addi %mul3A_4, %mul3A_174 : i32
      %dma_wait3A_176 = tpu.memref_slice %arg4[%add3A_175] : memref<320000xi32, #tpu.memory_space<hbm>> -> memref<80xi32, #tpu.memory_space<hbm>>
      %dma_wait3A_177 = tpu.memref_slice %arg4[%add3A_175] : memref<320000xi32, #tpu.memory_space<hbm>> -> memref<80xi32, #tpu.memory_space<hbm>>
      tpu.wait_dma2 semaphore(%arg16 : memref<!tpu.dma_semaphore, #tpu.memory_space<semaphore_mem>>) src(%dma_wait3A_177 : memref<80xi32, #tpu.memory_space<hbm>>) dst(%arg10 : memref<80xi32, #tpu.memory_space<vmem>>)
      "tpu.region"() ({
        %run_scoped3A = tpu.sem_alloc : memref<!tpu.dma_semaphore, #tpu.memory_space<semaphore_mem>>
        %dma_start3A_189 = arith.constant 0 : i32
        %dma_start3A_190 = arith.constant 0 : i32
        %dma_start3A_191 = tpu.memref_slice %arg19[%dma_start3A_189, %dma_start3A_190] : memref<10240x128xf32, #tpu.memory_space<vmem_shared>> -> memref<10240x128xf32, #tpu.memory_space<vmem_shared>>
        tpu.enqueue_indirect_dma source(%arg12 : memref<80x128xf32, #tpu.memory_space<vmem>>) target(%dma_start3A_191 : memref<10240x128xf32, #tpu.memory_space<vmem_shared>>) offsets(%arg10 : memref<80xi32, #tpu.memory_space<vmem>>) semaphore(%run_scoped3A : memref<!tpu.dma_semaphore, #tpu.memory_space<semaphore_mem>>) {add = true}
        %dma_wait3A_192 = arith.constant 0 : i32
        %dma_wait3A_193 = arith.constant 0 : i32
        %dma_wait3A_194 = tpu.memref_slice %arg19[%dma_wait3A_192, %dma_wait3A_193] : memref<10240x128xf32, #tpu.memory_space<vmem_shared>> -> memref<10240x128xf32, #tpu.memory_space<vmem_shared>>
        tpu.wait_indirect_dma semaphore(%run_scoped3A : memref<!tpu.dma_semaphore, #tpu.memory_space<semaphore_mem>>) src(%arg12 : memref<80x128xf32, #tpu.memory_space<vmem>>) dst(%dma_wait3A_194 : memref<10240x128xf32, #tpu.memory_space<vmem_shared>>)
        tpu.yield
      }) : () -> ()
      %mul3A_178 = arith.constant 2 : i32
      %mul3A_179 = arith.muli %mul3A_178, %scan3A_90 : i32
      %add3A_180 = arith.constant 3 : i32
      %add3A_181 = arith.addi %mul3A_179, %add3A_180 : i32
      %min3A_182 = arith.constant 124 : i32
      %min3A_183 = arith.minsi %add3A_181, %min3A_182 : i32
      %mul3A_184 = arith.constant 80 : i32
      %mul3A_185 = arith.muli %min3A_183, %mul3A_184 : i32
      %add3A_186 = arith.addi %mul3A_4, %mul3A_185 : i32
      %dma_start3A_187 = tpu.memref_slice %arg4[%add3A_186] : memref<320000xi32, #tpu.memory_space<hbm>> -> memref<80xi32, #tpu.memory_space<hbm>>
      %dma_start3A_188 = tpu.memref_slice %arg4[%add3A_186] : memref<320000xi32, #tpu.memory_space<hbm>> -> memref<80xi32, #tpu.memory_space<hbm>>
      tpu.enqueue_dma source(%dma_start3A_188 : memref<80xi32, #tpu.memory_space<hbm>>) target(%arg10 : memref<80xi32, #tpu.memory_space<vmem>>) target_semaphore(%arg16 : memref<!tpu.dma_semaphore, #tpu.memory_space<semaphore_mem>>)
    }
    %scan3A_55 = arith.constant 62 : i32
    %dma_wait3A_56 = arith.constant 0 : i32
    %dma_wait3A_57 = arith.constant 0 : i32
    %dma_wait3A_58 = tpu.memref_slice %arg2[%dma_wait3A_56, %dma_wait3A_57] : memref<10000x128xf32, #tpu.memory_space<hbm>> -> memref<10000x128xf32, #tpu.memory_space<hbm>>
    tpu.wait_indirect_dma semaphore(%arg17 : memref<!tpu.dma_semaphore, #tpu.memory_space<semaphore_mem>>) src(%dma_wait3A_58 : memref<10000x128xf32, #tpu.memory_space<hbm>>) dst(%arg11 : memref<80x128xf32, #tpu.memory_space<vmem>>)
    %min3A_59 = arith.constant 124 : i32
    %min3A_60 = arith.constant 124 : i32
    %min3A_61 = arith.minsi %min3A_59, %min3A_60 : i32
    %mul3A_62 = arith.constant 80 : i32
    %mul3A_63 = arith.muli %min3A_61, %mul3A_62 : i32
    %add3A_64 = arith.addi %mul3A_4, %mul3A_63 : i32
    %dma_wait3A_65 = tpu.memref_slice %arg4[%add3A_64] : memref<320000xi32, #tpu.memory_space<hbm>> -> memref<80xi32, #tpu.memory_space<hbm>>
    %dma_wait3A_66 = tpu.memref_slice %arg4[%add3A_64] : memref<320000xi32, #tpu.memory_space<hbm>> -> memref<80xi32, #tpu.memory_space<hbm>>
    tpu.wait_dma2 semaphore(%arg15 : memref<!tpu.dma_semaphore, #tpu.memory_space<semaphore_mem>>) src(%dma_wait3A_66 : memref<80xi32, #tpu.memory_space<hbm>>) dst(%arg9 : memref<80xi32, #tpu.memory_space<vmem>>)
    "tpu.region"() ({
      %run_scoped3A = tpu.sem_alloc : memref<!tpu.dma_semaphore, #tpu.memory_space<semaphore_mem>>
      %dma_start3A_90 = arith.constant 0 : i32
      %dma_start3A_91 = arith.constant 0 : i32
      %dma_start3A_92 = tpu.memref_slice %arg19[%dma_start3A_90, %dma_start3A_91] : memref<10240x128xf32, #tpu.memory_space<vmem_shared>> -> memref<10240x128xf32, #tpu.memory_space<vmem_shared>>
      tpu.enqueue_indirect_dma source(%arg11 : memref<80x128xf32, #tpu.memory_space<vmem>>) target(%dma_start3A_92 : memref<10240x128xf32, #tpu.memory_space<vmem_shared>>) offsets(%arg9 : memref<80xi32, #tpu.memory_space<vmem>>) semaphore(%run_scoped3A : memref<!tpu.dma_semaphore, #tpu.memory_space<semaphore_mem>>) {add = true}
      %dma_wait3A_93 = arith.constant 0 : i32
      %dma_wait3A_94 = arith.constant 0 : i32
      %dma_wait3A_95 = tpu.memref_slice %arg19[%dma_wait3A_93, %dma_wait3A_94] : memref<10240x128xf32, #tpu.memory_space<vmem_shared>> -> memref<10240x128xf32, #tpu.memory_space<vmem_shared>>
      tpu.wait_indirect_dma semaphore(%run_scoped3A : memref<!tpu.dma_semaphore, #tpu.memory_space<semaphore_mem>>) src(%arg11 : memref<80x128xf32, #tpu.memory_space<vmem>>) dst(%dma_wait3A_95 : memref<10240x128xf32, #tpu.memory_space<vmem_shared>>)
      tpu.yield
    }) : () -> ()
    %min3A_67 = arith.constant 124 : i32
    %min3A_68 = arith.constant 124 : i32
    %min3A_69 = arith.minsi %min3A_67, %min3A_68 : i32
    %mul3A_70 = arith.constant 80 : i32
    %mul3A_71 = arith.muli %min3A_69, %mul3A_70 : i32
    %add3A_72 = arith.addi %mul3A_4, %mul3A_71 : i32
    %dma_wait3A_73 = tpu.memref_slice %arg3[%add3A_72] : memref<320000xi32, #tpu.memory_space<hbm>> -> memref<80xi32, #tpu.memory_space<hbm>>
    %dma_wait3A_74 = tpu.memref_slice %arg3[%add3A_72] : memref<320000xi32, #tpu.memory_space<hbm>> -> memref<80xi32, #tpu.memory_space<hbm>>
    tpu.wait_dma2 semaphore(%arg14 : memref<!tpu.dma_semaphore, #tpu.memory_space<semaphore_mem>>) src(%dma_wait3A_74 : memref<80xi32, #tpu.memory_space<hbm>>) dst(%arg8 : memref<80xi32, #tpu.memory_space<vmem>>)
    %min3A_75 = arith.constant 124 : i32
    %min3A_76 = arith.constant 124 : i32
    %min3A_77 = arith.minsi %min3A_75, %min3A_76 : i32
    %mul3A_78 = arith.constant 80 : i32
    %mul3A_79 = arith.muli %min3A_77, %mul3A_78 : i32
    %add3A_80 = arith.addi %mul3A_4, %mul3A_79 : i32
    %dma_wait3A_81 = tpu.memref_slice %arg4[%add3A_80] : memref<320000xi32, #tpu.memory_space<hbm>> -> memref<80xi32, #tpu.memory_space<hbm>>
    %dma_wait3A_82 = tpu.memref_slice %arg4[%add3A_80] : memref<320000xi32, #tpu.memory_space<hbm>> -> memref<80xi32, #tpu.memory_space<hbm>>
    tpu.wait_dma2 semaphore(%arg16 : memref<!tpu.dma_semaphore, #tpu.memory_space<semaphore_mem>>) src(%dma_wait3A_82 : memref<80xi32, #tpu.memory_space<hbm>>) dst(%arg10 : memref<80xi32, #tpu.memory_space<vmem>>)
    %barrier3A_83 = arith.constant 0 : index
    tpu.barrier barrier_id(%barrier3A_83)
    %scan3A_84 = arith.constant 0 : i32
    %scan3A_85 = arith.constant 0 : i32
    %scan3A_86 = arith.constant 8 : i32
    %scan3A_87 = arith.addi %scan3A_85, %scan3A_86 : i32
    %scan3A_88 = arith.constant 1 : i32
    scf.for %scan3A_90 = %scan3A_85 to %scan3A_87 step %scan3A_88  : i32 {
      %mul3A_91 = arith.constant 80 : i32
      %mul3A_92 = arith.muli %scan3A_90, %mul3A_91 : i32
      %add3A_93 = arith.addi %mul3A_2, %mul3A_92 : i32
      "tpu.region"() ({
        %run_scoped3A = tpu.sem_alloc : memref<!tpu.dma_semaphore, #tpu.memory_space<semaphore_mem>>
        %dma_start3A_100 = arith.constant 0 : i32
        %dma_start3A_101 = tpu.memref_slice %arg19[%add3A_93, %dma_start3A_100] : memref<10240x128xf32, #tpu.memory_space<vmem_shared>> -> memref<80x128xf32, #tpu.memory_space<vmem_shared>>
        %dma_start3A_102 = arith.constant 0 : i32
        %dma_start3A_103 = tpu.memref_slice %arg19[%add3A_93, %dma_start3A_102] : memref<10240x128xf32, #tpu.memory_space<vmem_shared>> -> memref<80x128xf32, #tpu.memory_space<vmem_shared>>
        tpu.enqueue_dma source(%dma_start3A_103 : memref<80x128xf32, #tpu.memory_space<vmem_shared>>) target(%arg11 : memref<80x128xf32, #tpu.memory_space<vmem>>) target_semaphore(%run_scoped3A : memref<!tpu.dma_semaphore, #tpu.memory_space<semaphore_mem>>)
        %dma_wait3A_104 = arith.constant 0 : i32
        %dma_wait3A_105 = tpu.memref_slice %arg19[%add3A_93, %dma_wait3A_104] : memref<10240x128xf32, #tpu.memory_space<vmem_shared>> -> memref<80x128xf32, #tpu.memory_space<vmem_shared>>
        %dma_wait3A_106 = arith.constant 0 : i32
        %dma_wait3A_107 = tpu.memref_slice %arg19[%add3A_93, %dma_wait3A_106] : memref<10240x128xf32, #tpu.memory_space<vmem_shared>> -> memref<80x128xf32, #tpu.memory_space<vmem_shared>>
        tpu.wait_dma2 semaphore(%run_scoped3A : memref<!tpu.dma_semaphore, #tpu.memory_space<semaphore_mem>>) src(%dma_wait3A_107 : memref<80x128xf32, #tpu.memory_space<vmem_shared>>) dst(%arg11 : memref<80x128xf32, #tpu.memory_space<vmem>>)
        tpu.yield
      }) : () -> ()
      %mul3A_94 = arith.constant 10240 : i32
      %mul3A_95 = arith.muli %arg0, %mul3A_94 : i32
      %add3A_96 = arith.addi %mul3A_95, %mul3A_2 : i32
      %mul3A_97 = arith.constant 80 : i32
      %mul3A_98 = arith.muli %scan3A_90, %mul3A_97 : i32
      %add3A_99 = arith.addi %add3A_96, %mul3A_98 : i32
      "tpu.region"() ({
        %run_scoped3A = tpu.sem_alloc : memref<!tpu.dma_semaphore, #tpu.memory_space<semaphore_mem>>
        %dma_start3A_100 = arith.constant 0 : i32
        %dma_start3A_101 = tpu.memref_slice %arg6[%add3A_99, %dma_start3A_100] : memref<20480x128xf32, #tpu.memory_space<hbm>> -> memref<80x128xf32, #tpu.memory_space<hbm>>
        %dma_start3A_102 = arith.constant 0 : i32
        %dma_start3A_103 = tpu.memref_slice %arg6[%add3A_99, %dma_start3A_102] : memref<20480x128xf32, #tpu.memory_space<hbm>> -> memref<80x128xf32, #tpu.memory_space<hbm>>
        tpu.enqueue_dma source(%arg11 : memref<80x128xf32, #tpu.memory_space<vmem>>) target(%dma_start3A_103 : memref<80x128xf32, #tpu.memory_space<hbm>>) target_semaphore(%run_scoped3A : memref<!tpu.dma_semaphore, #tpu.memory_space<semaphore_mem>>)
        %dma_wait3A_104 = arith.constant 0 : i32
        %dma_wait3A_105 = tpu.memref_slice %arg6[%add3A_99, %dma_wait3A_104] : memref<20480x128xf32, #tpu.memory_space<hbm>> -> memref<80x128xf32, #tpu.memory_space<hbm>>
        %dma_wait3A_106 = arith.constant 0 : i32
        %dma_wait3A_107 = tpu.memref_slice %arg6[%add3A_99, %dma_wait3A_106] : memref<20480x128xf32, #tpu.memory_space<hbm>> -> memref<80x128xf32, #tpu.memory_space<hbm>>
        tpu.wait_dma2 semaphore(%run_scoped3A : memref<!tpu.dma_semaphore, #tpu.memory_space<semaphore_mem>>) src(%arg11 : memref<80x128xf32, #tpu.memory_space<vmem>>) dst(%dma_wait3A_107 : memref<80x128xf32, #tpu.memory_space<hbm>>)
        tpu.yield
      }) : () -> ()
    }
    %scan3A_89 = arith.constant 8 : i32
    return
  }
}

#map = affine_map<(d0, d1) -> (0, 0)>
#map1 = affine_map<(d0, d1) -> (0)>
module attributes {stable_mosaic.version = 14 : i64} {
  func.func @_seg_body(%arg0: i32, %arg1: i32, %arg2: memref<10000x128xf32, #tpu.memory_space<hbm>>, %arg3: memref<320000xi32, #tpu.memory_space<hbm>>, %arg4: memref<320000xi32, #tpu.memory_space<hbm>>, %arg5: memref<80x128xf32, #tpu.memory_space<hbm>>, %arg6: memref<20480x128xf32, #tpu.memory_space<hbm>>, %arg7: memref<80xi32, #tpu.memory_space<vmem>>, %arg8: memref<80xi32, #tpu.memory_space<vmem>>, %arg9: memref<80xi32, #tpu.memory_space<vmem>>, %arg10: memref<80xi32, #tpu.memory_space<vmem>>, %arg11: memref<80x128xf32, #tpu.memory_space<vmem>>, %arg12: memref<80x128xf32, #tpu.memory_space<vmem>>, %arg13: memref<!tpu.dma_semaphore, #tpu.memory_space<semaphore_mem>>, %arg14: memref<!tpu.dma_semaphore, #tpu.memory_space<semaphore_mem>>, %arg15: memref<!tpu.dma_semaphore, #tpu.memory_space<semaphore_mem>>, %arg16: memref<!tpu.dma_semaphore, #tpu.memory_space<semaphore_mem>>, %arg17: memref<!tpu.dma_semaphore, #tpu.memory_space<semaphore_mem>>, %arg18: memref<!tpu.dma_semaphore, #tpu.memory_space<semaphore_mem>>, %arg19: memref<10240x128xf32, #tpu.memory_space<vmem_shared>>) attributes {dimension_semantics = [#tpu.dimension_semantics<core_parallel>, #tpu.dimension_semantics<subcore_parallel>], iteration_bounds = array<i64: 2, 16>, scalar_prefetch = 0 : i64, scratch_operands = 13 : i64, tpu.core_type = #tpu.core_type<sc_vector_subcore>, window_params = [{transform_indices = #map}, {transform_indices = #map1}, {transform_indices = #map1}, {transform_indices = #map}, {transform_indices = #map}]} {
    %mul3A = arith.constant 2 : i32
    %mul3A_0 = arith.muli %arg1, %mul3A : i32
    %add3A = arith.addi %mul3A_0, %arg0 : i32
    %mul3A_1 = arith.constant 640 : i32
    %mul3A_2 = arith.muli %arg1, %mul3A_1 : i32
    %mul3A_3 = arith.constant 10000 : i32
    %mul3A_4 = arith.muli %add3A, %mul3A_3 : i32
    "tpu.region"() ({
      %run_scoped3A = tpu.sem_alloc : memref<!tpu.dma_semaphore, #tpu.memory_space<semaphore_mem>>
      tpu.enqueue_dma source(%arg5 : memref<80x128xf32, #tpu.memory_space<hbm>>) target(%arg11 : memref<80x128xf32, #tpu.memory_space<vmem>>) target_semaphore(%run_scoped3A : memref<!tpu.dma_semaphore, #tpu.memory_space<semaphore_mem>>)
      tpu.wait_dma2 semaphore(%run_scoped3A : memref<!tpu.dma_semaphore, #tpu.memory_space<semaphore_mem>>) src(%arg5 : memref<80x128xf32, #tpu.memory_space<hbm>>) dst(%arg11 : memref<80x128xf32, #tpu.memory_space<vmem>>)
      tpu.yield
    }) : () -> ()
    %scan3A = arith.constant 0 : i32
    %scan3A_5 = arith.constant 0 : i32
    %scan3A_6 = arith.constant 8 : i32
    %scan3A_7 = arith.addi %scan3A_5, %scan3A_6 : i32
    %scan3A_8 = arith.constant 1 : i32
    scf.for %scan3A_90 = %scan3A_5 to %scan3A_7 step %scan3A_8  : i32 {
      %mul3A_91 = arith.constant 80 : i32
      %mul3A_92 = arith.muli %scan3A_90, %mul3A_91 : i32
      %add3A_93 = arith.addi %mul3A_2, %mul3A_92 : i32
      "tpu.region"() ({
        %run_scoped3A = tpu.sem_alloc : memref<!tpu.dma_semaphore, #tpu.memory_space<semaphore_mem>>
        %dma_start3A_94 = arith.constant 0 : i32
        %dma_start3A_95 = tpu.memref_slice %arg19[%add3A_93, %dma_start3A_94] : memref<10240x128xf32, #tpu.memory_space<vmem_shared>> -> memref<80x128xf32, #tpu.memory_space<vmem_shared>>
        %dma_start3A_96 = arith.constant 0 : i32
        %dma_start3A_97 = tpu.memref_slice %arg19[%add3A_93, %dma_start3A_96] : memref<10240x128xf32, #tpu.memory_space<vmem_shared>> -> memref<80x128xf32, #tpu.memory_space<vmem_shared>>
        tpu.enqueue_dma source(%arg11 : memref<80x128xf32, #tpu.memory_space<vmem>>) target(%dma_start3A_97 : memref<80x128xf32, #tpu.memory_space<vmem_shared>>) target_semaphore(%run_scoped3A : memref<!tpu.dma_semaphore, #tpu.memory_space<semaphore_mem>>)
        %dma_wait3A_98 = arith.constant 0 : i32
        %dma_wait3A_99 = tpu.memref_slice %arg19[%add3A_93, %dma_wait3A_98] : memref<10240x128xf32, #tpu.memory_space<vmem_shared>> -> memref<80x128xf32, #tpu.memory_space<vmem_shared>>
        %dma_wait3A_100 = arith.constant 0 : i32
        %dma_wait3A_101 = tpu.memref_slice %arg19[%add3A_93, %dma_wait3A_100] : memref<10240x128xf32, #tpu.memory_space<vmem_shared>> -> memref<80x128xf32, #tpu.memory_space<vmem_shared>>
        tpu.wait_dma2 semaphore(%run_scoped3A : memref<!tpu.dma_semaphore, #tpu.memory_space<semaphore_mem>>) src(%arg11 : memref<80x128xf32, #tpu.memory_space<vmem>>) dst(%dma_wait3A_101 : memref<80x128xf32, #tpu.memory_space<vmem_shared>>)
        tpu.yield
      }) : () -> ()
    }
    %scan3A_9 = arith.constant 8 : i32
    %barrier3A = arith.constant 0 : index
    tpu.barrier barrier_id(%barrier3A)
    %min3A = arith.constant 0 : i32
    %min3A_10 = arith.constant 124 : i32
    %min3A_11 = arith.minsi %min3A, %min3A_10 : i32
    %mul3A_12 = arith.constant 80 : i32
    %mul3A_13 = arith.muli %min3A_11, %mul3A_12 : i32
    %add3A_14 = arith.addi %mul3A_4, %mul3A_13 : i32
    %dma_start3A = tpu.memref_slice %arg3[%add3A_14] : memref<320000xi32, #tpu.memory_space<hbm>> -> memref<80xi32, #tpu.memory_space<hbm>>
    %dma_start3A_15 = tpu.memref_slice %arg3[%add3A_14] : memref<320000xi32, #tpu.memory_space<hbm>> -> memref<80xi32, #tpu.memory_space<hbm>>
    tpu.enqueue_dma source(%dma_start3A_15 : memref<80xi32, #tpu.memory_space<hbm>>) target(%arg7 : memref<80xi32, #tpu.memory_space<vmem>>) target_semaphore(%arg13 : memref<!tpu.dma_semaphore, #tpu.memory_space<semaphore_mem>>)
    %min3A_16 = arith.constant 0 : i32
    %min3A_17 = arith.constant 124 : i32
    %min3A_18 = arith.minsi %min3A_16, %min3A_17 : i32
    %mul3A_19 = arith.constant 80 : i32
    %mul3A_20 = arith.muli %min3A_18, %mul3A_19 : i32
    %add3A_21 = arith.addi %mul3A_4, %mul3A_20 : i32
    %dma_start3A_22 = tpu.memref_slice %arg4[%add3A_21] : memref<320000xi32, #tpu.memory_space<hbm>> -> memref<80xi32, #tpu.memory_space<hbm>>
    %dma_start3A_23 = tpu.memref_slice %arg4[%add3A_21] : memref<320000xi32, #tpu.memory_space<hbm>> -> memref<80xi32, #tpu.memory_space<hbm>>
    tpu.enqueue_dma source(%dma_start3A_23 : memref<80xi32, #tpu.memory_space<hbm>>) target(%arg9 : memref<80xi32, #tpu.memory_space<vmem>>) target_semaphore(%arg15 : memref<!tpu.dma_semaphore, #tpu.memory_space<semaphore_mem>>)
    %min3A_24 = arith.constant 0 : i32
    %min3A_25 = arith.constant 124 : i32
    %min3A_26 = arith.minsi %min3A_24, %min3A_25 : i32
    %mul3A_27 = arith.constant 80 : i32
    %mul3A_28 = arith.muli %min3A_26, %mul3A_27 : i32
    %add3A_29 = arith.addi %mul3A_4, %mul3A_28 : i32
    %dma_wait3A = tpu.memref_slice %arg3[%add3A_29] : memref<320000xi32, #tpu.memory_space<hbm>> -> memref<80xi32, #tpu.memory_space<hbm>>
    %dma_wait3A_30 = tpu.memref_slice %arg3[%add3A_29] : memref<320000xi32, #tpu.memory_space<hbm>> -> memref<80xi32, #tpu.memory_space<hbm>>
    tpu.wait_dma2 semaphore(%arg13 : memref<!tpu.dma_semaphore, #tpu.memory_space<semaphore_mem>>) src(%dma_wait3A_30 : memref<80xi32, #tpu.memory_space<hbm>>) dst(%arg7 : memref<80xi32, #tpu.memory_space<vmem>>)
    %dma_start3A_31 = arith.constant 0 : i32
    %dma_start3A_32 = arith.constant 0 : i32
    %dma_start3A_33 = tpu.memref_slice %arg2[%dma_start3A_31, %dma_start3A_32] : memref<10000x128xf32, #tpu.memory_space<hbm>> -> memref<10000x128xf32, #tpu.memory_space<hbm>>
    tpu.enqueue_indirect_dma source(%dma_start3A_33 : memref<10000x128xf32, #tpu.memory_space<hbm>>) target(%arg11 : memref<80x128xf32, #tpu.memory_space<vmem>>) offsets(%arg7 : memref<80xi32, #tpu.memory_space<vmem>>) semaphore(%arg17 : memref<!tpu.dma_semaphore, #tpu.memory_space<semaphore_mem>>)
    %min3A_34 = arith.constant 1 : i32
    %min3A_35 = arith.constant 124 : i32
    %min3A_36 = arith.minsi %min3A_34, %min3A_35 : i32
    %mul3A_37 = arith.constant 80 : i32
    %mul3A_38 = arith.muli %min3A_36, %mul3A_37 : i32
    %add3A_39 = arith.addi %mul3A_4, %mul3A_38 : i32
    %dma_start3A_40 = tpu.memref_slice %arg3[%add3A_39] : memref<320000xi32, #tpu.memory_space<hbm>> -> memref<80xi32, #tpu.memory_space<hbm>>
    %dma_start3A_41 = tpu.memref_slice %arg3[%add3A_39] : memref<320000xi32, #tpu.memory_space<hbm>> -> memref<80xi32, #tpu.memory_space<hbm>>
    tpu.enqueue_dma source(%dma_start3A_41 : memref<80xi32, #tpu.memory_space<hbm>>) target(%arg8 : memref<80xi32, #tpu.memory_space<vmem>>) target_semaphore(%arg14 : memref<!tpu.dma_semaphore, #tpu.memory_space<semaphore_mem>>)
    %min3A_42 = arith.constant 1 : i32
    %min3A_43 = arith.constant 124 : i32
    %min3A_44 = arith.minsi %min3A_42, %min3A_43 : i32
    %mul3A_45 = arith.constant 80 : i32
    %mul3A_46 = arith.muli %min3A_44, %mul3A_45 : i32
    %add3A_47 = arith.addi %mul3A_4, %mul3A_46 : i32
    %dma_start3A_48 = tpu.memref_slice %arg4[%add3A_47] : memref<320000xi32, #tpu.memory_space<hbm>> -> memref<80xi32, #tpu.memory_space<hbm>>
    %dma_start3A_49 = tpu.memref_slice %arg4[%add3A_47] : memref<320000xi32, #tpu.memory_space<hbm>> -> memref<80xi32, #tpu.memory_space<hbm>>
    tpu.enqueue_dma source(%dma_start3A_49 : memref<80xi32, #tpu.memory_space<hbm>>) target(%arg10 : memref<80xi32, #tpu.memory_space<vmem>>) target_semaphore(%arg16 : memref<!tpu.dma_semaphore, #tpu.memory_space<semaphore_mem>>)
    %scan3A_50 = arith.constant 0 : i32
    %scan3A_51 = arith.constant 0 : i32
    %scan3A_52 = arith.constant 62 : i32
    %scan3A_53 = arith.addi %scan3A_51, %scan3A_52 : i32
    %scan3A_54 = arith.constant 1 : i32
    scf.for %scan3A_90 = %scan3A_51 to %scan3A_53 step %scan3A_54  : i32 {
      %mul3A_91 = arith.constant 2 : i32
      %mul3A_92 = arith.muli %mul3A_91, %scan3A_90 : i32
      %add3A_93 = arith.constant 1 : i32
      %add3A_94 = arith.addi %mul3A_92, %add3A_93 : i32
      %min3A_95 = arith.constant 124 : i32
      %min3A_96 = arith.minsi %add3A_94, %min3A_95 : i32
      %mul3A_97 = arith.constant 80 : i32
      %mul3A_98 = arith.muli %min3A_96, %mul3A_97 : i32
      %add3A_99 = arith.addi %mul3A_4, %mul3A_98 : i32
      %dma_wait3A_100 = tpu.memref_slice %arg3[%add3A_99] : memref<320000xi32, #tpu.memory_space<hbm>> -> memref<80xi32, #tpu.memory_space<hbm>>
      %dma_wait3A_101 = tpu.memref_slice %arg3[%add3A_99] : memref<320000xi32, #tpu.memory_space<hbm>> -> memref<80xi32, #tpu.memory_space<hbm>>
      tpu.wait_dma2 semaphore(%arg14 : memref<!tpu.dma_semaphore, #tpu.memory_space<semaphore_mem>>) src(%dma_wait3A_101 : memref<80xi32, #tpu.memory_space<hbm>>) dst(%arg8 : memref<80xi32, #tpu.memory_space<vmem>>)
      %dma_start3A_102 = arith.constant 0 : i32
      %dma_start3A_103 = arith.constant 0 : i32
      %dma_start3A_104 = tpu.memref_slice %arg2[%dma_start3A_102, %dma_start3A_103] : memref<10000x128xf32, #tpu.memory_space<hbm>> -> memref<10000x128xf32, #tpu.memory_space<hbm>>
      tpu.enqueue_indirect_dma source(%dma_start3A_104 : memref<10000x128xf32, #tpu.memory_space<hbm>>) target(%arg12 : memref<80x128xf32, #tpu.memory_space<vmem>>) offsets(%arg8 : memref<80xi32, #tpu.memory_space<vmem>>) semaphore(%arg18 : memref<!tpu.dma_semaphore, #tpu.memory_space<semaphore_mem>>)
      %dma_wait3A_105 = arith.constant 0 : i32
      %dma_wait3A_106 = arith.constant 0 : i32
      %dma_wait3A_107 = tpu.memref_slice %arg2[%dma_wait3A_105, %dma_wait3A_106] : memref<10000x128xf32, #tpu.memory_space<hbm>> -> memref<10000x128xf32, #tpu.memory_space<hbm>>
      tpu.wait_indirect_dma semaphore(%arg17 : memref<!tpu.dma_semaphore, #tpu.memory_space<semaphore_mem>>) src(%dma_wait3A_107 : memref<10000x128xf32, #tpu.memory_space<hbm>>) dst(%arg11 : memref<80x128xf32, #tpu.memory_space<vmem>>)
      %mul3A_108 = arith.constant 2 : i32
      %mul3A_109 = arith.muli %mul3A_108, %scan3A_90 : i32
      %add3A_110 = arith.constant 2 : i32
      %add3A_111 = arith.addi %mul3A_109, %add3A_110 : i32
      %min3A_112 = arith.constant 124 : i32
      %min3A_113 = arith.minsi %add3A_111, %min3A_112 : i32
      %mul3A_114 = arith.constant 80 : i32
      %mul3A_115 = arith.muli %min3A_113, %mul3A_114 : i32
      %add3A_116 = arith.addi %mul3A_4, %mul3A_115 : i32
      %dma_start3A_117 = tpu.memref_slice %arg3[%add3A_116] : memref<320000xi32, #tpu.memory_space<hbm>> -> memref<80xi32, #tpu.memory_space<hbm>>
      %dma_start3A_118 = tpu.memref_slice %arg3[%add3A_116] : memref<320000xi32, #tpu.memory_space<hbm>> -> memref<80xi32, #tpu.memory_space<hbm>>
      tpu.enqueue_dma source(%dma_start3A_118 : memref<80xi32, #tpu.memory_space<hbm>>) target(%arg7 : memref<80xi32, #tpu.memory_space<vmem>>) target_semaphore(%arg13 : memref<!tpu.dma_semaphore, #tpu.memory_space<semaphore_mem>>)
      %mul3A_119 = arith.constant 2 : i32
      %mul3A_120 = arith.muli %mul3A_119, %scan3A_90 : i32
      %min3A_121 = arith.constant 124 : i32
      %min3A_122 = arith.minsi %mul3A_120, %min3A_121 : i32
      %mul3A_123 = arith.constant 80 : i32
      %mul3A_124 = arith.muli %min3A_122, %mul3A_123 : i32
      %add3A_125 = arith.addi %mul3A_4, %mul3A_124 : i32
      %dma_wait3A_126 = tpu.memref_slice %arg4[%add3A_125] : memref<320000xi32, #tpu.memory_space<hbm>> -> memref<80xi32, #tpu.memory_space<hbm>>
      %dma_wait3A_127 = tpu.memref_slice %arg4[%add3A_125] : memref<320000xi32, #tpu.memory_space<hbm>> -> memref<80xi32, #tpu.memory_space<hbm>>
      tpu.wait_dma2 semaphore(%arg15 : memref<!tpu.dma_semaphore, #tpu.memory_space<semaphore_mem>>) src(%dma_wait3A_127 : memref<80xi32, #tpu.memory_space<hbm>>) dst(%arg9 : memref<80xi32, #tpu.memory_space<vmem>>)
      "tpu.region"() ({
        %run_scoped3A = tpu.sem_alloc : memref<!tpu.dma_semaphore, #tpu.memory_space<semaphore_mem>>
        %dma_start3A_189 = arith.constant 0 : i32
        %dma_start3A_190 = arith.constant 0 : i32
        %dma_start3A_191 = tpu.memref_slice %arg19[%dma_start3A_189, %dma_start3A_190] : memref<10240x128xf32, #tpu.memory_space<vmem_shared>> -> memref<10240x128xf32, #tpu.memory_space<vmem_shared>>
        tpu.enqueue_indirect_dma source(%arg11 : memref<80x128xf32, #tpu.memory_space<vmem>>) target(%dma_start3A_191 : memref<10240x128xf32, #tpu.memory_space<vmem_shared>>) offsets(%arg9 : memref<80xi32, #tpu.memory_space<vmem>>) semaphore(%run_scoped3A : memref<!tpu.dma_semaphore, #tpu.memory_space<semaphore_mem>>) {add = true}
        %dma_wait3A_192 = arith.constant 0 : i32
        %dma_wait3A_193 = arith.constant 0 : i32
        %dma_wait3A_194 = tpu.memref_slice %arg19[%dma_wait3A_192, %dma_wait3A_193] : memref<10240x128xf32, #tpu.memory_space<vmem_shared>> -> memref<10240x128xf32, #tpu.memory_space<vmem_shared>>
        tpu.wait_indirect_dma semaphore(%run_scoped3A : memref<!tpu.dma_semaphore, #tpu.memory_space<semaphore_mem>>) src(%arg11 : memref<80x128xf32, #tpu.memory_space<vmem>>) dst(%dma_wait3A_194 : memref<10240x128xf32, #tpu.memory_space<vmem_shared>>)
        tpu.yield
      }) : () -> ()
      %mul3A_128 = arith.constant 2 : i32
      %mul3A_129 = arith.muli %mul3A_128, %scan3A_90 : i32
      %add3A_130 = arith.constant 2 : i32
      %add3A_131 = arith.addi %mul3A_129, %add3A_130 : i32
      %min3A_132 = arith.constant 124 : i32
      %min3A_133 = arith.minsi %add3A_131, %min3A_132 : i32
      %mul3A_134 = arith.constant 80 : i32
      %mul3A_135 = arith.muli %min3A_133, %mul3A_134 : i32
      %add3A_136 = arith.addi %mul3A_4, %mul3A_135 : i32
      %dma_start3A_137 = tpu.memref_slice %arg4[%add3A_136] : memref<320000xi32, #tpu.memory_space<hbm>> -> memref<80xi32, #tpu.memory_space<hbm>>
      %dma_start3A_138 = tpu.memref_slice %arg4[%add3A_136] : memref<320000xi32, #tpu.memory_space<hbm>> -> memref<80xi32, #tpu.memory_space<hbm>>
      tpu.enqueue_dma source(%dma_start3A_138 : memref<80xi32, #tpu.memory_space<hbm>>) target(%arg9 : memref<80xi32, #tpu.memory_space<vmem>>) target_semaphore(%arg15 : memref<!tpu.dma_semaphore, #tpu.memory_space<semaphore_mem>>)
      %mul3A_139 = arith.constant 2 : i32
      %mul3A_140 = arith.muli %mul3A_139, %scan3A_90 : i32
      %add3A_141 = arith.constant 2 : i32
      %add3A_142 = arith.addi %mul3A_140, %add3A_141 : i32
      %min3A_143 = arith.constant 124 : i32
      %min3A_144 = arith.minsi %add3A_142, %min3A_143 : i32
      %mul3A_145 = arith.constant 80 : i32
      %mul3A_146 = arith.muli %min3A_144, %mul3A_145 : i32
      %add3A_147 = arith.addi %mul3A_4, %mul3A_146 : i32
      %dma_wait3A_148 = tpu.memref_slice %arg3[%add3A_147] : memref<320000xi32, #tpu.memory_space<hbm>> -> memref<80xi32, #tpu.memory_space<hbm>>
      %dma_wait3A_149 = tpu.memref_slice %arg3[%add3A_147] : memref<320000xi32, #tpu.memory_space<hbm>> -> memref<80xi32, #tpu.memory_space<hbm>>
      tpu.wait_dma2 semaphore(%arg13 : memref<!tpu.dma_semaphore, #tpu.memory_space<semaphore_mem>>) src(%dma_wait3A_149 : memref<80xi32, #tpu.memory_space<hbm>>) dst(%arg7 : memref<80xi32, #tpu.memory_space<vmem>>)
      %dma_start3A_150 = arith.constant 0 : i32
      %dma_start3A_151 = arith.constant 0 : i32
      %dma_start3A_152 = tpu.memref_slice %arg2[%dma_start3A_150, %dma_start3A_151] : memref<10000x128xf32, #tpu.memory_space<hbm>> -> memref<10000x128xf32, #tpu.memory_space<hbm>>
      tpu.enqueue_indirect_dma source(%dma_start3A_152 : memref<10000x128xf32, #tpu.memory_space<hbm>>) target(%arg11 : memref<80x128xf32, #tpu.memory_space<vmem>>) offsets(%arg7 : memref<80xi32, #tpu.memory_space<vmem>>) semaphore(%arg17 : memref<!tpu.dma_semaphore, #tpu.memory_space<semaphore_mem>>)
      %dma_wait3A_153 = arith.constant 0 : i32
      %dma_wait3A_154 = arith.constant 0 : i32
      %dma_wait3A_155 = tpu.memref_slice %arg2[%dma_wait3A_153, %dma_wait3A_154] : memref<10000x128xf32, #tpu.memory_space<hbm>> -> memref<10000x128xf32, #tpu.memory_space<hbm>>
      tpu.wait_indirect_dma semaphore(%arg18 : memref<!tpu.dma_semaphore, #tpu.memory_space<semaphore_mem>>) src(%dma_wait3A_155 : memref<10000x128xf32, #tpu.memory_space<hbm>>) dst(%arg12 : memref<80x128xf32, #tpu.memory_space<vmem>>)
      %mul3A_156 = arith.constant 2 : i32
      %mul3A_157 = arith.muli %mul3A_156, %scan3A_90 : i32
      %add3A_158 = arith.constant 3 : i32
      %add3A_159 = arith.addi %mul3A_157, %add3A_158 : i32
      %min3A_160 = arith.constant 124 : i32
      %min3A_161 = arith.minsi %add3A_159, %min3A_160 : i32
      %mul3A_162 = arith.constant 80 : i32
      %mul3A_163 = arith.muli %min3A_161, %mul3A_162 : i32
      %add3A_164 = arith.addi %mul3A_4, %mul3A_163 : i32
      %dma_start3A_165 = tpu.memref_slice %arg3[%add3A_164] : memref<320000xi32, #tpu.memory_space<hbm>> -> memref<80xi32, #tpu.memory_space<hbm>>
      %dma_start3A_166 = tpu.memref_slice %arg3[%add3A_164] : memref<320000xi32, #tpu.memory_space<hbm>> -> memref<80xi32, #tpu.memory_space<hbm>>
      tpu.enqueue_dma source(%dma_start3A_166 : memref<80xi32, #tpu.memory_space<hbm>>) target(%arg8 : memref<80xi32, #tpu.memory_space<vmem>>) target_semaphore(%arg14 : memref<!tpu.dma_semaphore, #tpu.memory_space<semaphore_mem>>)
      %mul3A_167 = arith.constant 2 : i32
      %mul3A_168 = arith.muli %mul3A_167, %scan3A_90 : i32
      %add3A_169 = arith.constant 1 : i32
      %add3A_170 = arith.addi %mul3A_168, %add3A_169 : i32
      %min3A_171 = arith.constant 124 : i32
      %min3A_172 = arith.minsi %add3A_170, %min3A_171 : i32
      %mul3A_173 = arith.constant 80 : i32
      %mul3A_174 = arith.muli %min3A_172, %mul3A_173 : i32
      %add3A_175 = arith.addi %mul3A_4, %mul3A_174 : i32
      %dma_wait3A_176 = tpu.memref_slice %arg4[%add3A_175] : memref<320000xi32, #tpu.memory_space<hbm>> -> memref<80xi32, #tpu.memory_space<hbm>>
      %dma_wait3A_177 = tpu.memref_slice %arg4[%add3A_175] : memref<320000xi32, #tpu.memory_space<hbm>> -> memref<80xi32, #tpu.memory_space<hbm>>
      tpu.wait_dma2 semaphore(%arg16 : memref<!tpu.dma_semaphore, #tpu.memory_space<semaphore_mem>>) src(%dma_wait3A_177 : memref<80xi32, #tpu.memory_space<hbm>>) dst(%arg10 : memref<80xi32, #tpu.memory_space<vmem>>)
      "tpu.region"() ({
        %run_scoped3A = tpu.sem_alloc : memref<!tpu.dma_semaphore, #tpu.memory_space<semaphore_mem>>
        %dma_start3A_189 = arith.constant 0 : i32
        %dma_start3A_190 = arith.constant 0 : i32
        %dma_start3A_191 = tpu.memref_slice %arg19[%dma_start3A_189, %dma_start3A_190] : memref<10240x128xf32, #tpu.memory_space<vmem_shared>> -> memref<10240x128xf32, #tpu.memory_space<vmem_shared>>
        tpu.enqueue_indirect_dma source(%arg12 : memref<80x128xf32, #tpu.memory_space<vmem>>) target(%dma_start3A_191 : memref<10240x128xf32, #tpu.memory_space<vmem_shared>>) offsets(%arg10 : memref<80xi32, #tpu.memory_space<vmem>>) semaphore(%run_scoped3A : memref<!tpu.dma_semaphore, #tpu.memory_space<semaphore_mem>>) {add = true}
        %dma_wait3A_192 = arith.constant 0 : i32
        %dma_wait3A_193 = arith.constant 0 : i32
        %dma_wait3A_194 = tpu.memref_slice %arg19[%dma_wait3A_192, %dma_wait3A_193] : memref<10240x128xf32, #tpu.memory_space<vmem_shared>> -> memref<10240x128xf32, #tpu.memory_space<vmem_shared>>
        tpu.wait_indirect_dma semaphore(%run_scoped3A : memref<!tpu.dma_semaphore, #tpu.memory_space<semaphore_mem>>) src(%arg12 : memref<80x128xf32, #tpu.memory_space<vmem>>) dst(%dma_wait3A_194 : memref<10240x128xf32, #tpu.memory_space<vmem_shared>>)
        tpu.yield
      }) : () -> ()
      %mul3A_178 = arith.constant 2 : i32
      %mul3A_179 = arith.muli %mul3A_178, %scan3A_90 : i32
      %add3A_180 = arith.constant 3 : i32
      %add3A_181 = arith.addi %mul3A_179, %add3A_180 : i32
      %min3A_182 = arith.constant 124 : i32
      %min3A_183 = arith.minsi %add3A_181, %min3A_182 : i32
      %mul3A_184 = arith.constant 80 : i32
      %mul3A_185 = arith.muli %min3A_183, %mul3A_184 : i32
      %add3A_186 = arith.addi %mul3A_4, %mul3A_185 : i32
      %dma_start3A_187 = tpu.memref_slice %arg4[%add3A_186] : memref<320000xi32, #tpu.memory_space<hbm>> -> memref<80xi32, #tpu.memory_space<hbm>>
      %dma_start3A_188 = tpu.memref_slice %arg4[%add3A_186] : memref<320000xi32, #tpu.memory_space<hbm>> -> memref<80xi32, #tpu.memory_space<hbm>>
      tpu.enqueue_dma source(%dma_start3A_188 : memref<80xi32, #tpu.memory_space<hbm>>) target(%arg10 : memref<80xi32, #tpu.memory_space<vmem>>) target_semaphore(%arg16 : memref<!tpu.dma_semaphore, #tpu.memory_space<semaphore_mem>>)
    }
    %scan3A_55 = arith.constant 62 : i32
    %dma_wait3A_56 = arith.constant 0 : i32
    %dma_wait3A_57 = arith.constant 0 : i32
    %dma_wait3A_58 = tpu.memref_slice %arg2[%dma_wait3A_56, %dma_wait3A_57] : memref<10000x128xf32, #tpu.memory_space<hbm>> -> memref<10000x128xf32, #tpu.memory_space<hbm>>
    tpu.wait_indirect_dma semaphore(%arg17 : memref<!tpu.dma_semaphore, #tpu.memory_space<semaphore_mem>>) src(%dma_wait3A_58 : memref<10000x128xf32, #tpu.memory_space<hbm>>) dst(%arg11 : memref<80x128xf32, #tpu.memory_space<vmem>>)
    %min3A_59 = arith.constant 124 : i32
    %min3A_60 = arith.constant 124 : i32
    %min3A_61 = arith.minsi %min3A_59, %min3A_60 : i32
    %mul3A_62 = arith.constant 80 : i32
    %mul3A_63 = arith.muli %min3A_61, %mul3A_62 : i32
    %add3A_64 = arith.addi %mul3A_4, %mul3A_63 : i32
    %dma_wait3A_65 = tpu.memref_slice %arg4[%add3A_64] : memref<320000xi32, #tpu.memory_space<hbm>> -> memref<80xi32, #tpu.memory_space<hbm>>
    %dma_wait3A_66 = tpu.memref_slice %arg4[%add3A_64] : memref<320000xi32, #tpu.memory_space<hbm>> -> memref<80xi32, #tpu.memory_space<hbm>>
    tpu.wait_dma2 semaphore(%arg15 : memref<!tpu.dma_semaphore, #tpu.memory_space<semaphore_mem>>) src(%dma_wait3A_66 : memref<80xi32, #tpu.memory_space<hbm>>) dst(%arg9 : memref<80xi32, #tpu.memory_space<vmem>>)
    "tpu.region"() ({
      %run_scoped3A = tpu.sem_alloc : memref<!tpu.dma_semaphore, #tpu.memory_space<semaphore_mem>>
      %dma_start3A_90 = arith.constant 0 : i32
      %dma_start3A_91 = arith.constant 0 : i32
      %dma_start3A_92 = tpu.memref_slice %arg19[%dma_start3A_90, %dma_start3A_91] : memref<10240x128xf32, #tpu.memory_space<vmem_shared>> -> memref<10240x128xf32, #tpu.memory_space<vmem_shared>>
      tpu.enqueue_indirect_dma source(%arg11 : memref<80x128xf32, #tpu.memory_space<vmem>>) target(%dma_start3A_92 : memref<10240x128xf32, #tpu.memory_space<vmem_shared>>) offsets(%arg9 : memref<80xi32, #tpu.memory_space<vmem>>) semaphore(%run_scoped3A : memref<!tpu.dma_semaphore, #tpu.memory_space<semaphore_mem>>) {add = true}
      %dma_wait3A_93 = arith.constant 0 : i32
      %dma_wait3A_94 = arith.constant 0 : i32
      %dma_wait3A_95 = tpu.memref_slice %arg19[%dma_wait3A_93, %dma_wait3A_94] : memref<10240x128xf32, #tpu.memory_space<vmem_shared>> -> memref<10240x128xf32, #tpu.memory_space<vmem_shared>>
      tpu.wait_indirect_dma semaphore(%run_scoped3A : memref<!tpu.dma_semaphore, #tpu.memory_space<semaphore_mem>>) src(%arg11 : memref<80x128xf32, #tpu.memory_space<vmem>>) dst(%dma_wait3A_95 : memref<10240x128xf32, #tpu.memory_space<vmem_shared>>)
      tpu.yield
    }) : () -> ()
    %min3A_67 = arith.constant 124 : i32
    %min3A_68 = arith.constant 124 : i32
    %min3A_69 = arith.minsi %min3A_67, %min3A_68 : i32
    %mul3A_70 = arith.constant 80 : i32
    %mul3A_71 = arith.muli %min3A_69, %mul3A_70 : i32
    %add3A_72 = arith.addi %mul3A_4, %mul3A_71 : i32
    %dma_wait3A_73 = tpu.memref_slice %arg3[%add3A_72] : memref<320000xi32, #tpu.memory_space<hbm>> -> memref<80xi32, #tpu.memory_space<hbm>>
    %dma_wait3A_74 = tpu.memref_slice %arg3[%add3A_72] : memref<320000xi32, #tpu.memory_space<hbm>> -> memref<80xi32, #tpu.memory_space<hbm>>
    tpu.wait_dma2 semaphore(%arg14 : memref<!tpu.dma_semaphore, #tpu.memory_space<semaphore_mem>>) src(%dma_wait3A_74 : memref<80xi32, #tpu.memory_space<hbm>>) dst(%arg8 : memref<80xi32, #tpu.memory_space<vmem>>)
    %min3A_75 = arith.constant 124 : i32
    %min3A_76 = arith.constant 124 : i32
    %min3A_77 = arith.minsi %min3A_75, %min3A_76 : i32
    %mul3A_78 = arith.constant 80 : i32
    %mul3A_79 = arith.muli %min3A_77, %mul3A_78 : i32
    %add3A_80 = arith.addi %mul3A_4, %mul3A_79 : i32
    %dma_wait3A_81 = tpu.memref_slice %arg4[%add3A_80] : memref<320000xi32, #tpu.memory_space<hbm>> -> memref<80xi32, #tpu.memory_space<hbm>>
    %dma_wait3A_82 = tpu.memref_slice %arg4[%add3A_80] : memref<320000xi32, #tpu.memory_space<hbm>> -> memref<80xi32, #tpu.memory_space<hbm>>
    tpu.wait_dma2 semaphore(%arg16 : memref<!tpu.dma_semaphore, #tpu.memory_space<semaphore_mem>>) src(%dma_wait3A_82 : memref<80xi32, #tpu.memory_space<hbm>>) dst(%arg10 : memref<80xi32, #tpu.memory_space<vmem>>)
    %barrier3A_83 = arith.constant 0 : index
    tpu.barrier barrier_id(%barrier3A_83)
    %scan3A_84 = arith.constant 0 : i32
    %scan3A_85 = arith.constant 0 : i32
    %scan3A_86 = arith.constant 8 : i32
    %scan3A_87 = arith.addi %scan3A_85, %scan3A_86 : i32
    %scan3A_88 = arith.constant 1 : i32
    scf.for %scan3A_90 = %scan3A_85 to %scan3A_87 step %scan3A_88  : i32 {
      %mul3A_91 = arith.constant 80 : i32
      %mul3A_92 = arith.muli %scan3A_90, %mul3A_91 : i32
      %add3A_93 = arith.addi %mul3A_2, %mul3A_92 : i32
      "tpu.region"() ({
        %run_scoped3A = tpu.sem_alloc : memref<!tpu.dma_semaphore, #tpu.memory_space<semaphore_mem>>
        %dma_start3A_100 = arith.constant 0 : i32
        %dma_start3A_101 = tpu.memref_slice %arg19[%add3A_93, %dma_start3A_100] : memref<10240x128xf32, #tpu.memory_space<vmem_shared>> -> memref<80x128xf32, #tpu.memory_space<vmem_shared>>
        %dma_start3A_102 = arith.constant 0 : i32
        %dma_start3A_103 = tpu.memref_slice %arg19[%add3A_93, %dma_start3A_102] : memref<10240x128xf32, #tpu.memory_space<vmem_shared>> -> memref<80x128xf32, #tpu.memory_space<vmem_shared>>
        tpu.enqueue_dma source(%dma_start3A_103 : memref<80x128xf32, #tpu.memory_space<vmem_shared>>) target(%arg11 : memref<80x128xf32, #tpu.memory_space<vmem>>) target_semaphore(%run_scoped3A : memref<!tpu.dma_semaphore, #tpu.memory_space<semaphore_mem>>)
        %dma_wait3A_104 = arith.constant 0 : i32
        %dma_wait3A_105 = tpu.memref_slice %arg19[%add3A_93, %dma_wait3A_104] : memref<10240x128xf32, #tpu.memory_space<vmem_shared>> -> memref<80x128xf32, #tpu.memory_space<vmem_shared>>
        %dma_wait3A_106 = arith.constant 0 : i32
        %dma_wait3A_107 = tpu.memref_slice %arg19[%add3A_93, %dma_wait3A_106] : memref<10240x128xf32, #tpu.memory_space<vmem_shared>> -> memref<80x128xf32, #tpu.memory_space<vmem_shared>>
        tpu.wait_dma2 semaphore(%run_scoped3A : memref<!tpu.dma_semaphore, #tpu.memory_space<semaphore_mem>>) src(%dma_wait3A_107 : memref<80x128xf32, #tpu.memory_space<vmem_shared>>) dst(%arg11 : memref<80x128xf32, #tpu.memory_space<vmem>>)
        tpu.yield
      }) : () -> ()
      %mul3A_94 = arith.constant 10240 : i32
      %mul3A_95 = arith.muli %arg0, %mul3A_94 : i32
      %add3A_96 = arith.addi %mul3A_95, %mul3A_2 : i32
      %mul3A_97 = arith.constant 80 : i32
      %mul3A_98 = arith.muli %scan3A_90, %mul3A_97 : i32
      %add3A_99 = arith.addi %add3A_96, %mul3A_98 : i32
      "tpu.region"() ({
        %run_scoped3A = tpu.sem_alloc : memref<!tpu.dma_semaphore, #tpu.memory_space<semaphore_mem>>
        %dma_start3A_100 = arith.constant 0 : i32
        %dma_start3A_101 = tpu.memref_slice %arg6[%add3A_99, %dma_start3A_100] : memref<20480x128xf32, #tpu.memory_space<hbm>> -> memref<80x128xf32, #tpu.memory_space<hbm>>
        %dma_start3A_102 = arith.constant 0 : i32
        %dma_start3A_103 = tpu.memref_slice %arg6[%add3A_99, %dma_start3A_102] : memref<20480x128xf32, #tpu.memory_space<hbm>> -> memref<80x128xf32, #tpu.memory_space<hbm>>
        tpu.enqueue_dma source(%arg11 : memref<80x128xf32, #tpu.memory_space<vmem>>) target(%dma_start3A_103 : memref<80x128xf32, #tpu.memory_space<hbm>>) target_semaphore(%run_scoped3A : memref<!tpu.dma_semaphore, #tpu.memory_space<semaphore_mem>>)
        %dma_wait3A_104 = arith.constant 0 : i32
        %dma_wait3A_105 = tpu.memref_slice %arg6[%add3A_99, %dma_wait3A_104] : memref<20480x128xf32, #tpu.memory_space<hbm>> -> memref<80x128xf32, #tpu.memory_space<hbm>>
        %dma_wait3A_106 = arith.constant 0 : i32
        %dma_wait3A_107 = tpu.memref_slice %arg6[%add3A_99, %dma_wait3A_106] : memref<20480x128xf32, #tpu.memory_space<hbm>> -> memref<80x128xf32, #tpu.memory_space<hbm>>
        tpu.wait_dma2 semaphore(%run_scoped3A : memref<!tpu.dma_semaphore, #tpu.memory_space<semaphore_mem>>) src(%arg11 : memref<80x128xf32, #tpu.memory_space<vmem>>) dst(%dma_wait3A_107 : memref<80x128xf32, #tpu.memory_space<hbm>>)
        tpu.yield
      }) : () -> ()
    }
    %scan3A_89 = arith.constant 8 : i32
    return
  }
}

#map = affine_map<(d0, d1) -> (0, 0)>
#map1 = affine_map<(d0, d1) -> (0)>
module attributes {stable_mosaic.version = 14 : i64} {
  func.func @_pair_gather_body(%arg0: i32, %arg1: i32, %arg2: memref<10000x128xf32, #tpu.memory_space<hbm>>, %arg3: memref<16384xi32, #tpu.memory_space<hbm>>, %arg4: memref<16384x128xf32, #tpu.memory_space<hbm>>, %arg5: memref<128xi32, #tpu.memory_space<vmem>>, %arg6: memref<128x128xf32, #tpu.memory_space<vmem>>, %arg7: memref<!tpu.dma_semaphore, #tpu.memory_space<semaphore_mem>>) attributes {dimension_semantics = [#tpu.dimension_semantics<core_parallel>, #tpu.dimension_semantics<subcore_parallel>], iteration_bounds = array<i64: 2, 16>, scalar_prefetch = 0 : i64, scratch_operands = 3 : i64, tpu.core_type = #tpu.core_type<sc_vector_subcore>, window_params = [{transform_indices = #map}, {transform_indices = #map1}, {transform_indices = #map}]} {
    %mul3A = arith.constant 2 : i32
    %mul3A_0 = arith.muli %arg1, %mul3A : i32
    %add3A = arith.addi %mul3A_0, %arg0 : i32
    %scan3A = arith.constant 0 : i32
    %scan3A_1 = arith.constant 0 : i32
    %scan3A_2 = arith.constant 4 : i32
    %scan3A_3 = arith.addi %scan3A_1, %scan3A_2 : i32
    %scan3A_4 = arith.constant 1 : i32
    scf.for %scan3A_6 = %scan3A_1 to %scan3A_3 step %scan3A_4  : i32 {
      %mul3A_7 = arith.constant 512 : i32
      %mul3A_8 = arith.muli %add3A, %mul3A_7 : i32
      %mul3A_9 = arith.constant 128 : i32
      %mul3A_10 = arith.muli %scan3A_6, %mul3A_9 : i32
      %add3A_11 = arith.addi %mul3A_8, %mul3A_10 : i32
      "tpu.region"() ({
        %run_scoped3A = tpu.sem_alloc : memref<!tpu.dma_semaphore, #tpu.memory_space<semaphore_mem>>
        %dma_start3A_16 = tpu.memref_slice %arg3[%add3A_11] : memref<16384xi32, #tpu.memory_space<hbm>> -> memref<128xi32, #tpu.memory_space<hbm>>
        %dma_start3A_17 = tpu.memref_slice %arg3[%add3A_11] : memref<16384xi32, #tpu.memory_space<hbm>> -> memref<128xi32, #tpu.memory_space<hbm>>
        tpu.enqueue_dma source(%dma_start3A_17 : memref<128xi32, #tpu.memory_space<hbm>>) target(%arg5 : memref<128xi32, #tpu.memory_space<vmem>>) target_semaphore(%run_scoped3A : memref<!tpu.dma_semaphore, #tpu.memory_space<semaphore_mem>>)
        %dma_wait3A_18 = tpu.memref_slice %arg3[%add3A_11] : memref<16384xi32, #tpu.memory_space<hbm>> -> memref<128xi32, #tpu.memory_space<hbm>>
        %dma_wait3A_19 = tpu.memref_slice %arg3[%add3A_11] : memref<16384xi32, #tpu.memory_space<hbm>> -> memref<128xi32, #tpu.memory_space<hbm>>
        tpu.wait_dma2 semaphore(%run_scoped3A : memref<!tpu.dma_semaphore, #tpu.memory_space<semaphore_mem>>) src(%dma_wait3A_19 : memref<128xi32, #tpu.memory_space<hbm>>) dst(%arg5 : memref<128xi32, #tpu.memory_space<vmem>>)
        tpu.yield
      }) : () -> ()
      %dma_start3A = arith.constant 0 : i32
      %dma_start3A_12 = arith.constant 0 : i32
      %dma_start3A_13 = tpu.memref_slice %arg2[%dma_start3A, %dma_start3A_12] : memref<10000x128xf32, #tpu.memory_space<hbm>> -> memref<10000x128xf32, #tpu.memory_space<hbm>>
      tpu.enqueue_indirect_dma source(%dma_start3A_13 : memref<10000x128xf32, #tpu.memory_space<hbm>>) target(%arg6 : memref<128x128xf32, #tpu.memory_space<vmem>>) offsets(%arg5 : memref<128xi32, #tpu.memory_space<vmem>>) semaphore(%arg7 : memref<!tpu.dma_semaphore, #tpu.memory_space<semaphore_mem>>)
      %dma_wait3A = arith.constant 0 : i32
      %dma_wait3A_14 = arith.constant 0 : i32
      %dma_wait3A_15 = tpu.memref_slice %arg2[%dma_wait3A, %dma_wait3A_14] : memref<10000x128xf32, #tpu.memory_space<hbm>> -> memref<10000x128xf32, #tpu.memory_space<hbm>>
      tpu.wait_indirect_dma semaphore(%arg7 : memref<!tpu.dma_semaphore, #tpu.memory_space<semaphore_mem>>) src(%dma_wait3A_15 : memref<10000x128xf32, #tpu.memory_space<hbm>>) dst(%arg6 : memref<128x128xf32, #tpu.memory_space<vmem>>)
      "tpu.region"() ({
        %run_scoped3A = tpu.sem_alloc : memref<!tpu.dma_semaphore, #tpu.memory_space<semaphore_mem>>
        %dma_start3A_16 = arith.constant 0 : i32
        %dma_start3A_17 = tpu.memref_slice %arg4[%add3A_11, %dma_start3A_16] : memref<16384x128xf32, #tpu.memory_space<hbm>> -> memref<128x128xf32, #tpu.memory_space<hbm>>
        %dma_start3A_18 = arith.constant 0 : i32
        %dma_start3A_19 = tpu.memref_slice %arg4[%add3A_11, %dma_start3A_18] : memref<16384x128xf32, #tpu.memory_space<hbm>> -> memref<128x128xf32, #tpu.memory_space<hbm>>
        tpu.enqueue_dma source(%arg6 : memref<128x128xf32, #tpu.memory_space<vmem>>) target(%dma_start3A_19 : memref<128x128xf32, #tpu.memory_space<hbm>>) target_semaphore(%run_scoped3A : memref<!tpu.dma_semaphore, #tpu.memory_space<semaphore_mem>>)
        %dma_wait3A_20 = arith.constant 0 : i32
        %dma_wait3A_21 = tpu.memref_slice %arg4[%add3A_11, %dma_wait3A_20] : memref<16384x128xf32, #tpu.memory_space<hbm>> -> memref<128x128xf32, #tpu.memory_space<hbm>>
        %dma_wait3A_22 = arith.constant 0 : i32
        %dma_wait3A_23 = tpu.memref_slice %arg4[%add3A_11, %dma_wait3A_22] : memref<16384x128xf32, #tpu.memory_space<hbm>> -> memref<128x128xf32, #tpu.memory_space<hbm>>
        tpu.wait_dma2 semaphore(%run_scoped3A : memref<!tpu.dma_semaphore, #tpu.memory_space<semaphore_mem>>) src(%arg6 : memref<128x128xf32, #tpu.memory_space<vmem>>) dst(%dma_wait3A_23 : memref<128x128xf32, #tpu.memory_space<hbm>>)
        tpu.yield
      }) : () -> ()
    }
    %scan3A_5 = arith.constant 4 : i32
    return
  }
}

module attributes {stable_mosaic.version = 14 : i64} {
  func.func @_emb_body(%arg0: i32, %arg1: memref<1000x128xf32, #tpu.memory_space<vmem>>, %arg2: memref<128x128xf32, #tpu.memory_space<vmem>>, %arg3: memref<1x128xf32, #tpu.memory_space<vmem>>, %arg4: memref<1000x128xf32, #tpu.memory_space<vmem>>) attributes {dimension_semantics = [#tpu.dimension_semantics<arbitrary>], iteration_bounds = array<i64: 10>, scalar_prefetch = 0 : i64, scratch_operands = 0 : i64, tpu.core_type = #tpu.core_type<tc>, window_params = [{transform_indices = @transform_0, window_bounds = array<i64: 1000, 128>}, {pipeline_mode = #tpu.pipeline_mode<synchronous>, transform_indices = @transform_1, window_bounds = array<i64: 128, 128>}, {pipeline_mode = #tpu.pipeline_mode<synchronous>, transform_indices = @transform_2, window_bounds = array<i64: 1, 128>}, {transform_indices = @transform_3, window_bounds = array<i64: 1000, 128>}]} {
    %get3A = arith.constant 0 : index
    %get3A_0 = arith.constant 0 : index
    %get3A_1 = vector.load %arg1[%get3A, %get3A_0] : memref<1000x128xf32, #tpu.memory_space<vmem>>, vector<1000x128xf32>
    %get3A_2 = arith.constant 0 : index
    %get3A_3 = arith.constant 0 : index
    %get3A_4 = vector.load %arg2[%get3A_2, %get3A_3] : memref<128x128xf32, #tpu.memory_space<vmem>>, vector<128x128xf32>
    %dot_general3A = arith.constant dense<0.000000e+00> : vector<1000x128xf32>
    %dot_general3A_5 = tpu.matmul %get3A_1, %get3A_4, %dot_general3A {dimension_numbers = #tpu.dot_dimension_numbers<[1], [1], [0], [0], [0, 0, 1, 0], [], []>, transpose_lhs_hint = false} : vector<1000x128xf32>, vector<128x128xf32>, vector<1000x128xf32> -> vector<1000x128xf32>
    %get3A_6 = arith.constant 0 : index
    %get3A_7 = arith.constant 0 : index
    %get3A_8 = vector.load %arg3[%get3A_6, %get3A_7] : memref<1x128xf32, #tpu.memory_space<vmem>>, vector<1x128xf32>
    %add3A = vector.broadcast %get3A_8 : vector<1x128xf32> to vector<1000x128xf32>
    %add3A_9 = arith.addf %dot_general3A_5, %add3A : vector<1000x128xf32>
    %swap3A = arith.constant 0 : index
    %swap3A_10 = arith.constant 0 : index
    %swap3A_11 = vector.load %arg4[%swap3A, %swap3A_10] : memref<1000x128xf32, #tpu.memory_space<vmem>>, vector<1000x128xf32>
    tpu.vector_store %arg4[%swap3A, %swap3A_10], %add3A_9 {strides = array<i32>} : memref<1000x128xf32, #tpu.memory_space<vmem>>, vector<1000x128xf32>,
    return
  }
  func.func @transform_0(%arg0: i32) -> (i32, i32) {
    %c0_i32 = arith.constant 0 : i32
    %c0_i32_0 = arith.constant 0 : i32
    return %arg0, %c0_i32 : i32, i32
  }
  func.func @transform_1(%arg0: i32) -> (i32, i32) {
    %c0_i32 = arith.constant 0 : i32
    %c0_i32_0 = arith.constant 0 : i32
    %c0_i32_1 = arith.constant 0 : i32
    return %c0_i32, %c0_i32_0 : i32, i32
  }
  func.func @transform_2(%arg0: i32) -> (i32, i32) {
    %c0_i32 = arith.constant 0 : i32
    %c0_i32_0 = arith.constant 0 : i32
    %c0_i32_1 = arith.constant 0 : i32
    return %c0_i32, %c0_i32_0 : i32, i32
  }
  func.func @transform_3(%arg0: i32) -> (i32, i32) {
    %c0_i32 = arith.constant 0 : i32
    %c0_i32_0 = arith.constant 0 : i32
    return %arg0, %c0_i32 : i32, i32
  }
}

module attributes {stable_mosaic.version = 14 : i64} {
  func.func @_sage_body(%arg0: i32, %arg1: memref<1000x128xf32, #tpu.memory_space<vmem>>, %arg2: memref<1000x128xf32, #tpu.memory_space<vmem>>, %arg3: memref<1000x128xf32, #tpu.memory_space<vmem>>, %arg4: memref<1000x128xf32, #tpu.memory_space<vmem>>, %arg5: memref<1000x128xf32, #tpu.memory_space<vmem>>, %arg6: memref<128x128xf32, #tpu.memory_space<vmem>>, %arg7: memref<1x128xf32, #tpu.memory_space<vmem>>, %arg8: memref<128x128xf32, #tpu.memory_space<vmem>>, %arg9: memref<1000x128xf32, #tpu.memory_space<vmem>>) attributes {dimension_semantics = [#tpu.dimension_semantics<arbitrary>], iteration_bounds = array<i64: 10>, scalar_prefetch = 0 : i64, scratch_operands = 0 : i64, tpu.core_type = #tpu.core_type<tc>, window_params = [{transform_indices = @transform_0, window_bounds = array<i64: 1000, 128>}, {transform_indices = @transform_1, window_bounds = array<i64: 1000, 128>}, {transform_indices = @transform_2, window_bounds = array<i64: 1000, 128>}, {transform_indices = @transform_3, window_bounds = array<i64: 1000, 128>}, {transform_indices = @transform_4, window_bounds = array<i64: 1000, 128>}, {pipeline_mode = #tpu.pipeline_mode<synchronous>, transform_indices = @transform_5, window_bounds = array<i64: 128, 128>}, {pipeline_mode = #tpu.pipeline_mode<synchronous>, transform_indices = @transform_6, window_bounds = array<i64: 1, 128>}, {pipeline_mode = #tpu.pipeline_mode<synchronous>, transform_indices = @transform_7, window_bounds = array<i64: 128, 128>}, {transform_indices = @transform_8, window_bounds = array<i64: 1000, 128>}]} {
    %get3A = arith.constant 0 : index
    %get3A_0 = arith.constant 0 : index
    %get3A_1 = vector.load %arg5[%get3A, %get3A_0] : memref<1000x128xf32, #tpu.memory_space<vmem>>, vector<1000x128xf32>
    %get3A_2 = arith.constant 0 : index
    %get3A_3 = arith.constant 0 : index
    %get3A_4 = vector.load %arg1[%get3A_2, %get3A_3] : memref<1000x128xf32, #tpu.memory_space<vmem>>, vector<1000x128xf32>
    %get3A_5 = arith.constant 0 : index
    %get3A_6 = arith.constant 0 : index
    %get3A_7 = vector.load %arg2[%get3A_5, %get3A_6] : memref<1000x128xf32, #tpu.memory_space<vmem>>, vector<1000x128xf32>
    %add3A = arith.addf %get3A_4, %get3A_7 : vector<1000x128xf32>
    %add3A_8 = arith.addf %add3A, %get3A_1 : vector<1000x128xf32>
    %get3A_9 = arith.constant 0 : index
    %get3A_10 = arith.constant 0 : index
    %get3A_11 = vector.load %arg3[%get3A_9, %get3A_10] : memref<1000x128xf32, #tpu.memory_space<vmem>>, vector<1000x128xf32>
    %slice3A = vector.extract_strided_slice %get3A_11 {offsets = [0, 0], sizes = [1000, 1], strides = [1, 1]} : vector<1000x128xf32> to vector<1000x1xf32>
    %get3A_12 = arith.constant 0 : index
    %get3A_13 = arith.constant 0 : index
    %get3A_14 = vector.load %arg4[%get3A_12, %get3A_13] : memref<1000x128xf32, #tpu.memory_space<vmem>>, vector<1000x128xf32>
    %slice3A_15 = vector.extract_strided_slice %get3A_14 {offsets = [0, 0], sizes = [1000, 1], strides = [1, 1]} : vector<1000x128xf32> to vector<1000x1xf32>
    %add3A_16 = arith.addf %slice3A, %slice3A_15 : vector<1000x1xf32>
    %add3A_17 = arith.constant 1.000000e+00 : f32
    %add3A_18 = vector.broadcast %add3A_17 : f32 to vector<1000x1xf32>
    %add3A_19 = arith.addf %add3A_16, %add3A_18 : vector<1000x1xf32>
    %div3A = vector.broadcast %add3A_19 : vector<1000x1xf32> to vector<1000x128xf32>
    %div3A_20 = arith.divf %add3A_8, %div3A : vector<1000x128xf32>
    %get3A_21 = arith.constant 0 : index
    %get3A_22 = arith.constant 0 : index
    %get3A_23 = vector.load %arg6[%get3A_21, %get3A_22] : memref<128x128xf32, #tpu.memory_space<vmem>>, vector<128x128xf32>
    %dot_general3A = arith.constant dense<0.000000e+00> : vector<1000x128xf32>
    %dot_general3A_24 = tpu.matmul %div3A_20, %get3A_23, %dot_general3A {dimension_numbers = #tpu.dot_dimension_numbers<[1], [1], [0], [0], [0, 0, 1, 0], [], []>, transpose_lhs_hint = false} : vector<1000x128xf32>, vector<128x128xf32>, vector<1000x128xf32> -> vector<1000x128xf32>
    %get3A_25 = arith.constant 0 : index
    %get3A_26 = arith.constant 0 : index
    %get3A_27 = vector.load %arg7[%get3A_25, %get3A_26] : memref<1x128xf32, #tpu.memory_space<vmem>>, vector<1x128xf32>
    %add3A_28 = vector.broadcast %get3A_27 : vector<1x128xf32> to vector<1000x128xf32>
    %add3A_29 = arith.addf %dot_general3A_24, %add3A_28 : vector<1000x128xf32>
    %get3A_30 = arith.constant 0 : index
    %get3A_31 = arith.constant 0 : index
    %get3A_32 = vector.load %arg8[%get3A_30, %get3A_31] : memref<128x128xf32, #tpu.memory_space<vmem>>, vector<128x128xf32>
    %dot_general3A_33 = arith.constant dense<0.000000e+00> : vector<1000x128xf32>
    %dot_general3A_34 = tpu.matmul %get3A_1, %get3A_32, %dot_general3A_33 {dimension_numbers = #tpu.dot_dimension_numbers<[1], [1], [0], [0], [0, 0, 1, 0], [], []>, transpose_lhs_hint = false} : vector<1000x128xf32>, vector<128x128xf32>, vector<1000x128xf32> -> vector<1000x128xf32>
    %add3A_35 = arith.addf %add3A_29, %dot_general3A_34 : vector<1000x128xf32>
    %max3A = arith.constant 0.000000e+00 : f32
    %max3A_36 = vector.broadcast %max3A : f32 to vector<1000x128xf32>
    %max3A_37 = arith.maximumf %add3A_35, %max3A_36 : vector<1000x128xf32>
    %swap3A = arith.constant 0 : index
    %swap3A_38 = arith.constant 0 : index
    %swap3A_39 = vector.load %arg9[%swap3A, %swap3A_38] : memref<1000x128xf32, #tpu.memory_space<vmem>>, vector<1000x128xf32>
    tpu.vector_store %arg9[%swap3A, %swap3A_38], %max3A_37 {strides = array<i32>} : memref<1000x128xf32, #tpu.memory_space<vmem>>, vector<1000x128xf32>,
    return
  }
  func.func @transform_0(%arg0: i32) -> (i32, i32) {
    %c0_i32 = arith.constant 0 : i32
    %c0_i32_0 = arith.constant 0 : i32
    return %arg0, %c0_i32 : i32, i32
  }
  func.func @transform_1(%arg0: i32) -> (i32, i32) {
    %c0_i32 = arith.constant 0 : i32
    %c0_i32_0 = arith.constant 0 : i32
    return %arg0, %c0_i32 : i32, i32
  }
  func.func @transform_2(%arg0: i32) -> (i32, i32) {
    %c0_i32 = arith.constant 0 : i32
    %c0_i32_0 = arith.constant 0 : i32
    return %arg0, %c0_i32 : i32, i32
  }
  func.func @transform_3(%arg0: i32) -> (i32, i32) {
    %c0_i32 = arith.constant 0 : i32
    %c0_i32_0 = arith.constant 0 : i32
    return %arg0, %c0_i32 : i32, i32
  }
  func.func @transform_4(%arg0: i32) -> (i32, i32) {
    %c0_i32 = arith.constant 0 : i32
    %c0_i32_0 = arith.constant 0 : i32
    return %arg0, %c0_i32 : i32, i32
  }
  func.func @transform_5(%arg0: i32) -> (i32, i32) {
    %c0_i32 = arith.constant 0 : i32
    %c0_i32_0 = arith.constant 0 : i32
    %c0_i32_1 = arith.constant 0 : i32
    return %c0_i32, %c0_i32_0 : i32, i32
  }
  func.func @transform_6(%arg0: i32) -> (i32, i32) {
    %c0_i32 = arith.constant 0 : i32
    %c0_i32_0 = arith.constant 0 : i32
    %c0_i32_1 = arith.constant 0 : i32
    return %c0_i32, %c0_i32_0 : i32, i32
  }
  func.func @transform_7(%arg0: i32) -> (i32, i32) {
    %c0_i32 = arith.constant 0 : i32
    %c0_i32_0 = arith.constant 0 : i32
    %c0_i32_1 = arith.constant 0 : i32
    return %c0_i32, %c0_i32_0 : i32, i32
  }
  func.func @transform_8(%arg0: i32) -> (i32, i32) {
    %c0_i32 = arith.constant 0 : i32
    %c0_i32_0 = arith.constant 0 : i32
    return %arg0, %c0_i32 : i32, i32
  }
}

module attributes {stable_mosaic.version = 14 : i64} {
  func.func @_mlp_body(%arg0: i32, %arg1: memref<1024x128xf32, #tpu.memory_space<vmem>>, %arg2: memref<1024x128xf32, #tpu.memory_space<vmem>>, %arg3: memref<128x512xf32, #tpu.memory_space<vmem>>, %arg4: memref<1x128xf32, #tpu.memory_space<vmem>>, %arg5: memref<1x128xf32, #tpu.memory_space<vmem>>, %arg6: memref<1x1xf32, #tpu.memory_space<vmem>>, %arg7: memref<1024x1xf32, #tpu.memory_space<vmem>>) attributes {dimension_semantics = [#tpu.dimension_semantics<arbitrary>], iteration_bounds = array<i64: 8>, scalar_prefetch = 0 : i64, scratch_operands = 0 : i64, tpu.core_type = #tpu.core_type<tc>, window_params = [{transform_indices = @transform_0, window_bounds = array<i64: 1024, 128>}, {transform_indices = @transform_1, window_bounds = array<i64: 1024, 128>}, {pipeline_mode = #tpu.pipeline_mode<synchronous>, transform_indices = @transform_2, window_bounds = array<i64: 128, 512>}, {pipeline_mode = #tpu.pipeline_mode<synchronous>, transform_indices = @transform_3, window_bounds = array<i64: 1, 128>}, {pipeline_mode = #tpu.pipeline_mode<synchronous>, transform_indices = @transform_4, window_bounds = array<i64: 1, 128>}, {pipeline_mode = #tpu.pipeline_mode<synchronous>, transform_indices = @transform_5, window_bounds = array<i64: 1, 1>}, {transform_indices = @transform_6, window_bounds = array<i64: 1024, 1>}]} {
    %get3A = arith.constant 0 : index
    %get3A_0 = arith.constant 0 : index
    %get3A_1 = vector.load %arg1[%get3A, %get3A_0] : memref<1024x128xf32, #tpu.memory_space<vmem>>, vector<1024x128xf32>
    %get3A_2 = arith.constant 0 : index
    %get3A_3 = arith.constant 0 : index
    %get3A_4 = vector.load %arg2[%get3A_2, %get3A_3] : memref<1024x128xf32, #tpu.memory_space<vmem>>, vector<1024x128xf32>
    %get3A_5 = arith.constant 0 : index
    %get3A_6 = arith.constant 0 : index
    %get3A_7 = vector.load %arg3[%get3A_5, %get3A_6] : memref<128x512xf32, #tpu.memory_space<vmem>>, vector<128x512xf32>
    %slice3A = vector.extract_strided_slice %get3A_7 {offsets = [0, 0], sizes = [128, 128], strides = [1, 1]} : vector<128x512xf32> to vector<128x128xf32>
    %dot_general3A = arith.constant dense<0.000000e+00> : vector<1024x128xf32>
    %dot_general3A_8 = tpu.matmul %get3A_1, %slice3A, %dot_general3A {dimension_numbers = #tpu.dot_dimension_numbers<[1], [1], [0], [0], [0, 0, 1, 0], [], []>, transpose_lhs_hint = false} : vector<1024x128xf32>, vector<128x128xf32>, vector<1024x128xf32> -> vector<1024x128xf32>
    %slice3A_9 = vector.extract_strided_slice %get3A_7 {offsets = [0, 128], sizes = [128, 128], strides = [1, 1]} : vector<128x512xf32> to vector<128x128xf32>
    %dot_general3A_10 = arith.constant dense<0.000000e+00> : vector<1024x128xf32>
    %dot_general3A_11 = tpu.matmul %get3A_4, %slice3A_9, %dot_general3A_10 {dimension_numbers = #tpu.dot_dimension_numbers<[1], [1], [0], [0], [0, 0, 1, 0], [], []>, transpose_lhs_hint = false} : vector<1024x128xf32>, vector<128x128xf32>, vector<1024x128xf32> -> vector<1024x128xf32>
    %add3A = arith.addf %dot_general3A_8, %dot_general3A_11 : vector<1024x128xf32>
    %mul3A = arith.mulf %get3A_1, %get3A_4 : vector<1024x128xf32>
    %slice3A_12 = vector.extract_strided_slice %get3A_7 {offsets = [0, 256], sizes = [128, 128], strides = [1, 1]} : vector<128x512xf32> to vector<128x128xf32>
    %dot_general3A_13 = arith.constant dense<0.000000e+00> : vector<1024x128xf32>
    %dot_general3A_14 = tpu.matmul %mul3A, %slice3A_12, %dot_general3A_13 {dimension_numbers = #tpu.dot_dimension_numbers<[1], [1], [0], [0], [0, 0, 1, 0], [], []>, transpose_lhs_hint = false} : vector<1024x128xf32>, vector<128x128xf32>, vector<1024x128xf32> -> vector<1024x128xf32>
    %add3A_15 = arith.addf %add3A, %dot_general3A_14 : vector<1024x128xf32>
    %sub3A = arith.subf %get3A_1, %get3A_4 : vector<1024x128xf32>
    %abs3A = math.absf %sub3A : vector<1024x128xf32>
    %slice3A_16 = vector.extract_strided_slice %get3A_7 {offsets = [0, 384], sizes = [128, 128], strides = [1, 1]} : vector<128x512xf32> to vector<128x128xf32>
    %dot_general3A_17 = arith.constant dense<0.000000e+00> : vector<1024x128xf32>
    %dot_general3A_18 = tpu.matmul %abs3A, %slice3A_16, %dot_general3A_17 {dimension_numbers = #tpu.dot_dimension_numbers<[1], [1], [0], [0], [0, 0, 1, 0], [], []>, transpose_lhs_hint = false} : vector<1024x128xf32>, vector<128x128xf32>, vector<1024x128xf32> -> vector<1024x128xf32>
    %add3A_19 = arith.addf %add3A_15, %dot_general3A_18 : vector<1024x128xf32>
    %get3A_20 = arith.constant 0 : index
    %get3A_21 = arith.constant 0 : index
    %get3A_22 = vector.load %arg4[%get3A_20, %get3A_21] : memref<1x128xf32, #tpu.memory_space<vmem>>, vector<1x128xf32>
    %add3A_23 = vector.broadcast %get3A_22 : vector<1x128xf32> to vector<1024x128xf32>
    %add3A_24 = arith.addf %add3A_19, %add3A_23 : vector<1024x128xf32>
    %max3A = arith.constant 0.000000e+00 : f32
    %max3A_25 = vector.broadcast %max3A : f32 to vector<1024x128xf32>
    %max3A_26 = arith.maximumf %add3A_24, %max3A_25 : vector<1024x128xf32>
    %get3A_27 = arith.constant 0 : index
    %get3A_28 = arith.constant 0 : index
    %get3A_29 = vector.load %arg5[%get3A_27, %get3A_28] : memref<1x128xf32, #tpu.memory_space<vmem>>, vector<1x128xf32>
    %mul3A_30 = vector.broadcast %get3A_29 : vector<1x128xf32> to vector<1024x128xf32>
    %mul3A_31 = arith.mulf %max3A_26, %mul3A_30 : vector<1024x128xf32>
    %reduce_sum3A = arith.constant dense<0.000000e+00> : vector<1024xf32>
    %reduce_sum3A_32 = vector.multi_reduction <add>, %mul3A_31, %reduce_sum3A [1] : vector<1024x128xf32> to vector<1024xf32>
    %broadcast_in_dim3A = vector.shape_cast %reduce_sum3A_32 : vector<1024xf32> to vector<1024x1xf32>
    %get3A_33 = arith.constant 0 : index
    %get3A_34 = arith.constant 0 : index
    %get3A_35 = vector.load %arg6[%get3A_33, %get3A_34] : memref<1x1xf32, #tpu.memory_space<vmem>>, vector<1x1xf32>
    %add3A_36 = vector.broadcast %get3A_35 : vector<1x1xf32> to vector<1024x1xf32>
    %add3A_37 = arith.addf %broadcast_in_dim3A, %add3A_36 : vector<1024x1xf32>
    %neg3A = arith.constant 0.000000e+00 : f32
    %neg3A_38 = vector.broadcast %neg3A : f32 to vector<1024x1xf32>
    %neg3A_39 = arith.subf %neg3A_38, %add3A_37 : vector<1024x1xf32>
    %exp3A = math.exp %neg3A_39 : vector<1024x1xf32>
    %add3A_40 = arith.constant 1.000000e+00 : f32
    %add3A_41 = vector.broadcast %add3A_40 : f32 to vector<1024x1xf32>
    %add3A_42 = arith.addf %add3A_41, %exp3A : vector<1024x1xf32>
    %div3A = arith.constant 1.000000e+00 : f32
    %div3A_43 = vector.broadcast %div3A : f32 to vector<1024x1xf32>
    %div3A_44 = arith.divf %div3A_43, %add3A_42 : vector<1024x1xf32>
    %swap3A = arith.constant 0 : index
    %swap3A_45 = arith.constant 0 : index
    %swap3A_46 = vector.load %arg7[%swap3A, %swap3A_45] : memref<1024x1xf32, #tpu.memory_space<vmem>>, vector<1024x1xf32>
    tpu.vector_store %arg7[%swap3A, %swap3A_45], %div3A_44 {strides = array<i32>} : memref<1024x1xf32, #tpu.memory_space<vmem>>, vector<1024x1xf32>,
    return
  }
  func.func @transform_0(%arg0: i32) -> (i32, i32) {
    %c0_i32 = arith.constant 0 : i32
    %c0_i32_0 = arith.constant 0 : i32
    return %arg0, %c0_i32 : i32, i32
  }
  func.func @transform_1(%arg0: i32) -> (i32, i32) {
    %c0_i32 = arith.constant 0 : i32
    %c0_i32_0 = arith.constant 0 : i32
    return %arg0, %c0_i32 : i32, i32
  }
  func.func @transform_2(%arg0: i32) -> (i32, i32) {
    %c0_i32 = arith.constant 0 : i32
    %c0_i32_0 = arith.constant 0 : i32
    %c0_i32_1 = arith.constant 0 : i32
    return %c0_i32, %c0_i32_0 : i32, i32
  }
  func.func @transform_3(%arg0: i32) -> (i32, i32) {
    %c0_i32 = arith.constant 0 : i32
    %c0_i32_0 = arith.constant 0 : i32
    %c0_i32_1 = arith.constant 0 : i32
    return %c0_i32, %c0_i32_0 : i32, i32
  }
  func.func @transform_4(%arg0: i32) -> (i32, i32) {
    %c0_i32 = arith.constant 0 : i32
    %c0_i32_0 = arith.constant 0 : i32
    %c0_i32_1 = arith.constant 0 : i32
    return %c0_i32, %c0_i32_0 : i32, i32
  }
  func.func @transform_5(%arg0: i32) -> (i32, i32) {
    %c0_i32 = arith.constant 0 : i32
    %c0_i32_0 = arith.constant 0 : i32
    %c0_i32_1 = arith.constant 0 : i32
    return %c0_i32, %c0_i32_0 : i32, i32
  }
  func.func @transform_6(%arg0: i32) -> (i32, i32) {
    %c0_i32 = arith.constant 0 : i32
    %c0_i32_0 = arith.constant 0 : i32
    return %arg0, %c0_i32 : i32, i32
  }
}

</mosaic_0001>

<sc_bundles>
// kernel: kernel.10.cloned.1.call-start
scs
__scs_entry_jumppad:
0x0: {  	(pc) =	sbr.rel $0x88, $3  }
0x1: {  	(tag) =	ssettag $0x0;
	lr =	simm.s32 $0x1  }
0x2: {  	[smem:$0x3F91] =	sst lr;
	_ =	strace $0xD0000000  }
0x3: {  	_ = 	snop  }
0x4: {  	_ = 	snop  }
0x5: {  	_ = 	snop  }
0x6: {  	_ = 	snop  }
0x7: {  	_ = 	snop  }
__scs_overlays_trampoline_lowered:
0x8: {  	[smem:$0x3FA0] =	sst s0  }
0x9: {  	[smem:$0x3FA1] =	sst s1  }
0xa: {  	[smem:$0x3FA2] =	sst s2  }
0xb: {  	[smem:$0x3FA3] =	sst s3  }
0xc: {  	[smem:$0x3FA4] =	sst s4  }
0xd: {  	[smem:$0x3FA5] =	sst s5  }
0xe: {  	[smem:$0x3FA6] =	sst s6  }
0xf: {  	[smem:$0x3FA7] =	sst s7  }
0x10: {  	[smem:$0x3FA8] =	sst s8  }
0x11: {  	[smem:$0x3FA9] =	sst s9;
	s0 =	simm.s32 @!p0 $0x0  }
0x12: {  	s1 =	sld [smem:$0x3F8F];
	s0 =	simm.s32 @p0 $0x1  }
0x13: {  	[smem:$0x3FAA] =	sst s0;
	s0 =	simm.s32 @!p1 $0x0  }
0x14: {  	s2 =	sld [smem:$0x3F8E];
	s0 =	simm.s32 @p1 $0x1  }
0x15: {  	[smem:$0x3FAB] =	sst s0;
	s0 =	simm.s32 @!p2 $0x0  }
0x16: {  	s3 =	sld [smem:$0x3FDB];
	s0 =	simm.s32 @p2 $0x1  }
0x17: {  	s4 =	simm.s32 $0x1BF5;
	[smem:$0x3FAD] =	sst s0  }
0x18: {  	s0 =	sld [smem:$0x3F90];
	_ =	swait.ge [sflag:s4], $0x0  }
0x19: {  	s7 =	sld [smem:$0x3F91]  }
0x1a: {  	s8 =	sadd.s32 $0xFFFFE003, lr  }
0x1b: {  	s9 =	sadd.s32 $0xFFFFFEF7, lr;
	s5 =	simm.s32 $0xFFFFFFFF;
	p2 =	slt.u32 s8, $0xFFFFF086  }
0x1c: {  	p1 =	slt.u32 s9, $0xF7A;
	s5 =	simm.s32 @!p2 $0x0  }
0x1d: {  	s5 =	simm.s32 @p1 $0x1;
	p0 =	seq.s32 s7, s2  }
0x1e: {  	s7 =	smul.u32 @!p0 $0xF7A, s2;
	p2 =	seq.s32 @!p0 s5, $0x0  }
0x1f: {  	s9 =	smul.u32 $0xF7A, s1;
	s8 =	simm.s32 @!p0 $0x1BF5;
	p2 =	por !p2, p0  }
0x20: {  	[sflag:s8] =	ssyncset.s32 @!p0 $0xFFFFF086;
	s6 =	sadd.s32 @!p0 s3, s7;
	s7 =	simm.s32 @!p0 $0x108  }
0x21: {  	s3 =	sadd.s32 s3, s9;
	s6 =	sadd.s32 @!p0 $0x88, s6;
	s7 =	simm.s32 @p2 $0x1082  }
0x22: {  	[simem:s7], [sflag:s8] =	dma.local @!p0 [hbm:s6], $0xF7A  }
0x23: {  	s9 =	sor.u32 $0xD0000000, s2;
	s6 =	simm.s32 $0x108;
	_ =	swait.ge @!p0 [sflag:s8], $0x0  }
0x24: {  	s3 =	sadd.s32 $0x88, s3;
	s6 =	simm.s32 @!p1 $0x1082;
	[sflag:s4] =	ssyncset.s32 $0xFFFFF086  }
0x25: {  	[simem:s6], [sflag:s4] =	dma.local [hbm:s3], $0xF7A  }
0x26: {  	[smem:$0x3F91] =	sst s1;
	(tag) =	ssettag s2;
	_ =	strace s9  }
0x27: {  	s1 =	sld [smem:$0x3FA1]  }
0x28: {  	s2 =	sld [smem:$0x3FA2]  }
0x29: {  	s4 =	sld [smem:$0x3FA4]  }
0x2a: {  	p0 =	seq.s32 s5, $0x0;
	s5 =	sld [smem:$0x3FA5]  }
0x2b: {  	s6 =	sld [smem:$0x3FA6]  }
0x2c: {  	s7 =	sld [smem:$0x3FA7]  }
0x2d: {  	s3 =	simm.s32 $0x108;
	s8 =	sld [smem:$0x3FA8]  }
0x2e: {  	s3 =	simm.s32 @!p0 $0x1082;
	s9 =	sld [smem:$0x3FA9]  }
0x2f: {  	lr =	sadd.s32 s0, s3;
	s0 =	sld [smem:$0x3FA0]  }
0x30: {  	s3 =	sld [smem:$0x3FA3]  }
0x31: {  	[smem:$0x3FAC] =	sst s10  }
0x32: {  	s10 =	sld [smem:$0x3FAA];
	_ =	sdelay $0x3  }
0x33: {  	p0 =	seq.s32 s10, $0x1;
	s10 =	sld [smem:$0x3FAC];
	_ =	sdelay $0x3  }
0x34: {  	[smem:$0x3FAC] =	sst s10  }
0x35: {  	s10 =	sld [smem:$0x3FAB];
	_ =	sdelay $0x3  }
0x36: {  	p1 =	seq.s32 s10, $0x1;
	s10 =	sld [smem:$0x3FAC];
	_ =	sdelay $0x3  }
0x37: {  	[smem:$0x3FAC] =	sst s10  }
0x38: {  	s10 =	sld [smem:$0x3FAD]  }
0x39: {  	_ = 	snop;
	(pc) =	sbr.ind lr, $3  }
0x3a: {  	_ = 	snop  }
0x3b: {  	_ = 	snop  }
0x3c: {  	p2 =	seq.s32 s10, $0x1;
	s10 =	sld [smem:$0x3FAC]  }
0x3d: {  	_ =	shalt  }
0x3e: {  	_ =	shalt  }
0x3f: {  	_ =	shalt  }
0x40: {  	_ =	shalt  }
0x41: {  	_ =	shalt  }
0x42: {  	_ =	shalt  }
0x43: {  	_ =	shalt  }
0x44: {  	_ =	shalt  }
0x45: {  	_ =	shalt  }
0x46: {  	_ =	shalt  }
0x47: {  	_ =	shalt  }
0x48: {  	_ =	shalt  }
0x49: {  	_ =	shalt  }
0x4a: {  	_ =	shalt  }
0x4b: {  	_ =	shalt  }
0x4c: {  	_ =	shalt  }
0x4d: {  	_ =	shalt  }
0x4e: {  	_ =	shalt  }
0x4f: {  	_ =	shalt  }
0x50: {  	_ =	shalt  }
0x51: {  	_ =	shalt  }
0x52: {  	_ =	shalt  }
0x53: {  	_ =	shalt  }
0x54: {  	_ =	shalt  }
0x55: {  	_ =	shalt  }
0x56: {  	_ =	shalt  }
0x57: {  	_ =	shalt  }
0x58: {  	_ =	shalt  }
0x59: {  	_ =	shalt  }
0x5a: {  	_ =	shalt  }
0x5b: {  	_ =	shalt  }
0x5c: {  	_ =	shalt  }
0x5d: {  	_ =	shalt  }
0x5e: {  	_ =	shalt  }
0x5f: {  	_ =	shalt  }
0x60: {  	_ =	shalt  }
0x61: {  	_ =	shalt  }
0x62: {  	_ =	shalt  }
0x63: {  	_ =	shalt  }
0x64: {  	_ =	shalt  }
0x65: {  	_ =	shalt  }
0x66: {  	_ =	shalt  }
0x67: {  	_ =	shalt  }
0x68: {  	_ =	shalt  }
0x69: {  	_ =	shalt  }
0x6a: {  	_ =	shalt  }
0x6b: {  	_ =	shalt  }
0x6c: {  	_ =	shalt  }
0x6d: {  	_ =	shalt  }
0x6e: {  	_ =	shalt  }
0x6f: {  	_ =	shalt  }
0x70: {  	_ =	shalt  }
0x71: {  	_ =	shalt  }
0x72: {  	_ =	shalt  }
0x73: {  	_ =	shalt  }
0x74: {  	_ =	shalt  }
0x75: {  	_ =	shalt  }
0x76: {  	_ =	shalt  }
0x77: {  	_ =	shalt  }
0x78: {  	_ =	shalt  }
0x79: {  	_ =	shalt  }
0x7a: {  	_ =	shalt  }
0x7b: {  	_ =	shalt  }
0x7c: {  	_ =	shalt  }
0x7d: {  	_ =	shalt  }
0x7e: {  	_ =	shalt  }
0x7f: {  	_ =	shalt  }
0x80: {  	_ =	shalt  }
0x81: {  	_ =	shalt  }
0x82: {  	_ =	shalt  }
0x83: {  	_ =	shalt  }
0x84: {  	_ =	shalt  }
0x85: {  	_ =	shalt  }
0x86: {  	_ =	shalt  }
0x87: {  	_ =	shalt  }
.Lfunc_end0:
.L_simem_size_0:
called_computation_lowered:
.L_overlay_start_0:
0x88: {  	s2 =	sld [smem:$0x3FD9]  }
0x89: {  	s3 =	sld [smem:$0x3FFE];
	_ =	sdelay $0x1  }
0x8a: {  	s1 =	srdreg.scid  }
0x8b: {  	s0 =	sand.u32 $0x1, s1  }
0x8c: {  	s17 =	sshll.u32 s0, $0xA;
	s2 =	sadd.s32 s3, s2  }
0x8d: {  	s2 =	sadd.s32 s2, s17  }
0x8e: {  	[smem:$0x3FB8] =	sst s2  }
0x8f: {  	_ = 	snop  }
0x90: {  	(tm) =	ssettm $0x1  }
0x91: {  	s18 =	sld [smem:$0x3FFB];
	_ =	sdelay $0x3  }
0x92: {  	_ =	strace s18  }
0x93: {  	s2 =	sld [smem:$0x3FFC];
	_ =	sdelay $0x3  }
0x94: {  	_ =	strace s2  }
0x95: {  	s2 =	sld [smem:$0x3FFD];
	_ =	sdelay $0x3  }
0x96: {  	_ =	strace s2  }
0x97: {  	_ =	strace $0x8FFFFFFF  }
0x98: {  	s19 =	sld [smem:$0x3FDB];
	_ =	sdelay $0x1  }
0x99: {  	s20 =	simm.s32 $_scs_section_size  }
0x9a: {  	s4 =	simm.s32 $_size__tile_overlayer_lowered;
	s5 =	simm.s32 $_tile_overlayer_lowered  }
0x9b: {  	s6 =	simm.s32 $0x1BFF;
	s21 =	sshll.u32 s5, $0x1;
	s3 =	sadd.s32 s20, s19  }
0x9c: {  	s22 =	simm.s32 $0x0;
	s4 =	sshll.u32 s4, $0x1;
	s5 =	sadd.s32 s21, s3  }
0x9d: {  	[timem:s22], [sflag:s6] =	dma.local [hbm:s5], s4  }
0x9e: {  	_ =	swait.ge [sflag:s6], s4  }
0x9f: {  	s4 =	ssub.s32 $0x0, s4;
	[sflag:s6] =	ssyncset.done $0x0  }
0xa0: {  	[sflag:s6] =	ssyncadd.s32 s4;
	_ =	sdelay $0x1  }
0xa1: {  	s23 =	simm.s32 $0x1B8B  }
0xa2: {  	_ =	swait.ge [sflag:s23], $0x1  }
0xa3: {  	[sflag:s23] =	ssyncset.done $0x0  }
0xa4: {  	[sflag:s23] =	ssyncadd.s32 $0xFFFFFFFF  }
0xa5: {  	s4 =	sld [smem:$0x0]  }
0xa6: {  	s5 =	sand.u32 $0xFFFFFFFE, s1  }
0xa7: {  	p0 =	sne.s32 s1, s5  }
0xa8: {  	s5 =	sshll.u32 @p0 s5, $0xE  }
0xa9: {  	s5 =	sadd.s32 @p0 $0x11B8D, s5;
	s6 =	sshll.u32 @p0 s4, $0x11  }
0xaa: {  	s5 =	sor.u32 @p0 s6, s5  }
0xab: {  	[sflag:s5] =	ssyncadd.remote.s32 @p0 $0x1;
	_ =	sdelay $0x1  }
0xac: {  	s5 =	simm.s32 @p0 $0x1B8D  }
0xad: {  	_ =	swait.eq @p0 [sflag:s5], $0x1  }
0xae: {  	[sflag:s5] =	ssyncadd.s32 @p0 $0xFFFFFFFF  }
0xaf: {  	s6 =	sshll.u32 @!p0 s1, $0xE  }
0xb0: {  	s6 =	sor.u32 @!p0 $0x4000, s6;
	s5 =	simm.s32 @!p0 $0x1B8D  }
0xb1: {  	s4 =	sshll.u32 @!p0 s4, $0x11;
	s6 =	sadd.s32 @!p0 $0x11B8D, s6;
	_ =	swait.eq @!p0 [sflag:s5], $0x1  }
0xb2: {  	s4 =	sor.u32 @!p0 s4, s6;
	[sflag:s5] =	ssyncadd.s32 @!p0 $0xFFFFFFFF  }
0xb3: {  	s25 =	simm.s32 $0x1B8E;
	s24 =	sld [smem:$0x3FFE];
	[sflag:s4] =	ssyncadd.remote.s32 @!p0 $0x1  }
0xb4: {  	s26 =	simm.s32 $execute0_lowered;
	[smem:$0x3FD2] =	sst s25  }
0xb5: {  	s5 =	sshll.u32 s26, $0x1;
	_ =	strace $0x80000049;
	[dreg:$0x1] =	wrdreg $0xFFFFFFFF  }
0xb6: {  	s28 =	simm.s32 $_size_execute0_lowered;
	s3 =	sadd.s32 s3, s5;
	[dreg:$0x0] =	wrdreg $0x0  }
0xb7: {  	s5 =	sshll.u32 s28, $0x1;
	[dreg:$0x2] =	wrdreg s3  }
0xb8: {  	[dreg:$0x3] =	wrdreg s5  }
0xb9: {  	[dreg:$0x4] =	wrdreg $0xC0  }
0xba: {  	_ =	task [dreg:s22], $0x5FFFF  }
0xbb: {  	[dreg:$0x1] =	wrdreg $0xFFFFFFFF  }
0xbc: {  	[dreg:$0x0] =	wrdreg $0x60  }
0xbd: {  	[dreg:$0x2] =	wrdreg s24  }
0xbe: {  	[dreg:$0x3] =	wrdreg $0x29000  }
0xbf: {  	[dreg:$0x4] =	wrdreg $0x9  }
0xc0: {  	_ =	task.clear_ibuf [dreg:s22], $0x5FFFF;
	_ =	strace $0x90000049  }
0xc1: {  	s29 =	simm.s32 $0x9;
	_ =	strace $0x8000004B  }
0xc2: {  	_ =	swait.ge [sflag:s29], $0x1  }
0xc3: {  	[sflag:s29] =	ssyncadd.s32 $0xFFFFFFFF  }
0xc4: {  	_ =	strace $0x9000004B  }
0xc5: {  	_ =	sfence  }
0xc6: {  	s30 =	sld [smem:$0x0];
	_ =	sdelay $0x2  }
0xc7: {  	s31 =	sshll.u32 s1, $0xD;
	s1 =	sshrl.u32 s1, $0x2  }
0xc8: {  	s4 =	sand.u32 $0x4000, s31;
	s1 =	sadd.s32 s1, s30  }
0xc9: {  	s0 =	sor.u32 s4, s0;
	s1 =	sshll.u32 s1, $0x11  }
0xca: {  	s0 =	sor.u32 s1, s0  }
0xcb: {  	s0 =	sadd.s32 $0x8F2B, s0  }
0xcc: {  	[sflag:s0] =	ssyncadd.remote.s32 $0x1  }
0xcd: {  	_ =	sfence.sel $0xFFFF  }
0xce: {  	[dreg:$0x0] =	wrdreg $0xFFFFFFFF;
	(pc) =	sbr.abs _section_cstart, $3  }
0xcf: {  	[dreg:$0x1] =	wrdreg $0xFFFFFFFF  }
0xd0: {  	_ =	task.clear_ibuf [dreg:s22], $0x2FFFF;
	_ =	strace $0x9FFFFFFF  }
0xd1: {  	(tm) =	ssettm $0x7FFFFFFF  }
tec
execute0_lowered:
.L_overlay_start_1:
0x0: {  	(tag) =	ssettag $0x1  }
0x1: {  	s0 =	rddreg [dreg:$0x0]  }
0x2: {  	s2 =	rddreg [dreg:$0x1]  }
0x3: {  	s1 =	srdreg.scid;
	s11 =	stileid.u32  }
0x4: {  	s3 =	simm.s32 $0x0;
	s30 =	simm.s32 $0x100;
	s31 =	simm.s32 $0x5  }
0x5: {  	s1 =	sand.u32 $0x1, s1;
	s5 =	smul.u32 $0x280, s11;
	[smem:$0x7FF] =	sst s3  }
0x6: {  	s7 =	sshll.u32 s11, $0x1;
	s4 =	sadd.s32 $0x2A00, s0;
	s9 =	smul.u32 $0x50000, s11  }
0x7: {  	s8 =	sadd.s32 $0x8DE00, s0;
	s17 =	sadd.s32 $0x3D800, s0;
	s23 =	smul.u32 $0x4E20, s11  }
0x8: {  	s11 =	simm.s32 $0x0;
	_ =	strace $0x8000004A;
	[dreg:$0x3] =	wrdreg s8  }
0x9: {  	s6 =	smul.u32 $0x2800, s1;
	s7 =	sor.u32 s1, s7;
	[dreg:$0x4] =	wrdreg s17  }
0xa: {  	s18 =	ssub.s32 $0x2, s1;
	s1 =	smul.u32 $0x2710, s1;
	s8 =	simm.s32 $0x3  }
0xb: {  	s16 =	smul.u32 $0x2710, s7;
	s19 =	sshrl.u32 s18, $0x1;
	s22 =	sshrl.u32 s9, $0x2  }
0xc: {  	s9 =	simm.s32 $0x4;
	s5 =	sadd.s32 s6, s5;
	s20 =	ssub.s32 s18, s19  }
0xd: {  	s10 =	sadd.s32 s22, s2;
	s1 =	sadd.s32 s1, s23;
	s5 =	sshll.u32 s5, $0x4  }
0xe: {  	s6 =	sshrl.u32 s16, $0x3;
	s12 =	sadd.s32 $0x2800, s10;
	s13 =	sadd.s32 $0x5000, s10  }
0xf: {  	s14 =	sadd.s32 $0x7800, s10;
	s15 =	sadd.s32 $0xA000, s10;
	s6 =	sadd.s32 s4, s6  }
0x10: {  	s0 =	sadd.s32 s5, s0;
	s5 =	smax.u32 s20, $0x1;
	[dreg:$0x5] =	wrdreg s6  }
0x11: {  	s28 =	sadd.s32 $0xF000, s10;
	s21 =	sadd.s32 $0xA, s6;
	[dreg:$0x8] =	wrdreg s5  }
0x12: {  	s29 =	sadd.s32 $0x11800, s10;
	s6 =	sadd.s32 $0x4D8, s6;
	[dreg:$0x6] =	wrdreg s21  }
0x13: {  	s24 =	sadd.s32 $0x8E400, s0;
	s25 =	sadd.s32 $0x8E900, s0;
	[dreg:$0x7] =	wrdreg s6  }
0x14: {  	s26 =	sadd.s32 $0x8EE00, s0;
	s19 =	sadd.s32 $0x8F300, s0;
	[dreg:$0x9] =	wrdreg s24  }
0x15: {  	s20 =	sadd.s32 $0x8F800, s0;
	s5 =	sadd.s32 $0xF0, s1;
	[dreg:$0xa] =	wrdreg s25  }
0x16: {  	s22 =	sadd.s32 $0x90200, s0;
	s23 =	sadd.s32 $0x90700, s0;
	[dreg:$0xb] =	wrdreg s26  }
0x17: {  	s21 =	sadd.s32 $0x8FD00, s0;
	s5 =	sshrl.u32 s5, $0x3;
	s25 =	sadd.s32 $0xA0, s1  }
0x18: {  	s26 =	sadd.s32 $0xC800, s10;
	s0 =	simm.s32 $0x80;
	s1 =	simm.s32 $0x1  }
0x19: {  	s6 =	simm.s32 $0x2;
	s24 =	sadd.s32 s5, s4;
	s5 =	simm.s32 $0x50  }
.LBB2_1:
0x1a: {  	s7 =	rddreg [dreg:$0x4]  }
0x1b: {  	[tilespmem:s30], [sflag:$0x5] =	stream.linear.gather [hbm4b:s7+s3], $0x2800, $0x38;
	[tilespmem:$0x16900] =	vst v63  }
0x1c: {  	_ =	swait.ge [sflag:s31], $0x2800  }
0x1d: {  	[sflag:s31] =	ssyncset.done $0x0  }
0x1e: {  	[sflag:s31] =	ssyncadd.s32 $0xFFFFD800  }
0x1f: {  	[spmem:s10] =	stream.linear.scatter [tilespmem:s30], [sflag:$0x5], $0x2800, $0x38;
	[tilespmem:$0x16900] =	vst v63  }
0x20: {  	_ =	swait.ge [sflag:s31], $0x2800  }
0x21: {  	[sflag:s31] =	ssyncset.done $0x0  }
0x22: {  	[sflag:s31] =	ssyncadd.s32 $0xFFFFD800  }
0x23: {  	[spmem:s12] =	stream.linear.scatter [tilespmem:s30], [sflag:$0x5], $0x2800, $0x38;
	[tilespmem:$0x16900] =	vst v63  }
0x24: {  	_ =	swait.ge [sflag:s31], $0x2800  }
0x25: {  	[sflag:s31] =	ssyncset.done $0x0  }
0x26: {  	[sflag:s31] =	ssyncadd.s32 $0xFFFFD800  }
0x27: {  	[spmem:s13] =	stream.linear.scatter [tilespmem:s30], [sflag:$0x5], $0x2800, $0x38;
	[tilespmem:$0x16900] =	vst v63  }
0x28: {  	_ =	swait.ge [sflag:s31], $0x2800  }
0x29: {  	[sflag:s31] =	ssyncset.done $0x0  }
0x2a: {  	[sflag:s31] =	ssyncadd.s32 $0xFFFFD800  }
0x2b: {  	[spmem:s14] =	stream.linear.scatter [tilespmem:s30], [sflag:$0x5], $0x2800, $0x38;
	[tilespmem:$0x16900] =	vst v63  }
0x2c: {  	_ =	swait.ge [sflag:s31], $0x2800  }
0x2d: {  	[sflag:s31] =	ssyncset.done $0x0  }
0x2e: {  	[sflag:s31] =	ssyncadd.s32 $0xFFFFD800  }
0x2f: {  	[spmem:s15] =	stream.linear.scatter [tilespmem:s30], [sflag:$0x5], $0x2800, $0x38;
	[tilespmem:$0x16900] =	vst v63  }
0x30: {  	_ =	swait.ge [sflag:s31], $0x2800  }
0x31: {  	[sflag:s31] =	ssyncset.done $0x0  }
0x32: {  	[sflag:s31] =	ssyncadd.s32 $0xFFFFD800  }
0x33: {  	[spmem:s26] =	stream.linear.scatter [tilespmem:s30], [sflag:$0x5], $0x2800, $0x38;
	[tilespmem:$0x16900] =	vst v63  }
0x34: {  	_ =	swait.ge [sflag:s31], $0x2800  }
0x35: {  	[sflag:s31] =	ssyncset.done $0x0  }
0x36: {  	[sflag:s31] =	ssyncadd.s32 $0xFFFFD800  }
0x37: {  	[spmem:s28] =	stream.linear.scatter [tilespmem:s30], [sflag:$0x5], $0x2800, $0x38;
	[tilespmem:$0x16900] =	vst v63  }
0x38: {  	_ =	swait.ge [sflag:s31], $0x2800  }
0x39: {  	[sflag:s31] =	ssyncset.done $0x0  }
0x3a: {  	[sflag:s31] =	ssyncadd.s32 $0xFFFFD800  }
0x3b: {  	[spmem:s29] =	stream.linear.scatter [tilespmem:s30], [sflag:$0x5], $0x2800, $0x38;
	[tilespmem:$0x16900] =	vst v63  }
0x3c: {  	_ =	swait.ge [sflag:s31], $0x2800  }
0x3d: {  	[sflag:s31] =	ssyncset.done $0x0  }
0x3e: {  	s18 =	rddreg [dreg:$0x3];
	[sflag:s31] =	ssyncadd.s32 $0xFFFFD800  }
0x3f: {  	[tilespmem:s30], [sflag:$0x5] =	stream.linear.gather [hbm4b:s18+s3], $0x2800, $0x38;
	[tilespmem:$0x16900] =	vst v63  }
0x40: {  	_ =	swait.ge [sflag:s31], $0x2800  }
0x41: {  	[sflag:s31] =	ssyncset.done $0x0  }
0x42: {  	[sflag:s31] =	ssyncadd.s32 $0xFFFFD800  }
0x43: {  	[bflag:$0x0] =	sbarrier.arrive $0xFFFF  }
0x44: {  	s16 =	rddreg [dreg:$0x5]  }
0x45: {  	[tilespmem:s3], [sflag:$0x1] =	stream.linear.gather [hbm4b:s16+s3], $0x50, $0x38;
	[tilespmem:$0x16900] =	vst v63  }
0x46: {  	s17 =	rddreg [dreg:$0x6]  }
0x47: {  	[tilespmem:s0], [sflag:$0x2] =	stream.linear.gather [hbm4b:s17+s3], $0x50, $0x38;
	[tilespmem:$0x16900] =	vst v63  }
0x48: {  	_ =	swait.ge [sflag:s1], $0x50  }
0x49: {  	[sflag:s1] =	ssyncset.done $0x0  }
0x4a: {  	[sflag:s1] =	ssyncadd.s32 $0xFFFFFFB0  }
0x4b: {  	[spmem:s2] =	stream.indirect.scatter.add.f32 [tilespmem:s30], [sflag:$0x3], $0x80, s3, s5, $0xb8;
	[tilespmem:$0x16900] =	vst v63  }
0x4c: {  	_ =	swait.ge [sflag:s6], $0x50  }
0x4d: {  	[sflag:s6] =	ssyncset.done $0x0  }
0x4e: {  	[sflag:s6] =	ssyncadd.s32 $0xFFFFFFB0  }
0x4f: {  	[spmem:s2] =	stream.indirect.scatter.add.f32 [tilespmem:s30], [sflag:$0x4], $0x80, s0, s5, $0xb8;
	[tilespmem:$0x16900] =	vst v63  }
0x50: {  	_ =	swait.ge [sflag:s8], $0x2800  }
0x51: {  	s16 =	sshrl.u32 s25, $0x3;
	[sflag:s8] =	ssyncset.done $0x0  }
0x52: {  	s16 =	sadd.s32 s4, s16;
	[sflag:s8] =	ssyncadd.s32 $0xFFFFD800  }
0x53: {  	[tilespmem:s3], [sflag:$0x1] =	stream.linear.gather [hbm4b:s16+s3], $0x50, $0x38;
	[tilespmem:$0x16900] =	vst v63  }
0x54: {  	_ =	swait.ge [sflag:s1], $0x50  }
0x55: {  	[sflag:s1] =	ssyncset.done $0x0  }
0x56: {  	[sflag:s1] =	ssyncadd.s32 $0xFFFFFFB0  }
0x57: {  	[spmem:s2] =	stream.indirect.scatter.add.f32 [tilespmem:s30], [sflag:$0x3], $0x80, s3, s5, $0xb8;
	[tilespmem:$0x16900] =	vst v63  }
0x58: {  	_ =	swait.ge [sflag:s9], $0x2800  }
0x59: {  	[sflag:s9] =	ssyncset.done $0x0  }
0x5a: {  	s18 =	sadd.s32 $0x0, s24;
	[sflag:s9] =	ssyncadd.s32 $0xFFFFD800  }
0x5b: {  	[tilespmem:s0], [sflag:$0x2] =	stream.linear.gather [hbm4b:s18+s3], $0x50, $0x38;
	[tilespmem:$0x16900] =	vst v63  }
0x5c: {  	_ =	swait.ge [sflag:s6], $0x50  }
0x5d: {  	[sflag:s6] =	ssyncset.done $0x0  }
0x5e: {  	s17 =	sadd.s32 $0xA0, s25;
	s16 =	simm.s32 $0x14;
	[sflag:s6] =	ssyncadd.s32 $0xFFFFFFB0  }
.LBB2_2:
0x5f: {  	[spmem:s2] =	stream.indirect.scatter.add.f32 [tilespmem:s30], [sflag:$0x4], $0x80, s0, s5, $0xb8;
	[tilespmem:$0x16900] =	vst v63  }
0x60: {  	s18 =	smov.u32 s16  }
0x61: {  	p0 =	sne.s32 s16, $0x4B0;
	s16 =	sadd.s32 $0x14, s16;
	_ =	swait.ge [sflag:s8], $0x2800  }
0x62: {  	s7 =	sshrl.u32 s17, $0x3;
	[sflag:s8] =	ssyncset.done $0x0  }
0x63: {  	s7 =	sadd.s32 s4, s7;
	[sflag:s8] =	ssyncadd.s32 $0xFFFFD800  }
0x64: {  	[tilespmem:s3], [sflag:$0x1] =	stream.linear.gather [hbm4b:s7+s3], $0x50, $0x38;
	[tilespmem:$0x16900] =	vst v63  }
0x65: {  	_ =	swait.ge [sflag:s1], $0x50  }
0x66: {  	[sflag:s1] =	ssyncset.done $0x0  }
0x67: {  	[sflag:s1] =	ssyncadd.s32 $0xFFFFFFB0  }
0x68: {  	[spmem:s2] =	stream.indirect.scatter.add.f32 [tilespmem:s30], [sflag:$0x3], $0x80, s3, s5, $0xb8;
	[tilespmem:$0x16900] =	vst v63  }
0x69: {  	_ =	swait.ge [sflag:s9], $0x2800  }
0x6a: {  	[sflag:s9] =	ssyncset.done $0x0  }
.Ltmp0:
0x6b: {  	s7 =	sadd.s32 s18, s24;
	[sflag:s9] =	ssyncadd.s32 $0xFFFFD800;
	(pc) =	sbr.rel @p0 .LBB2_2-.Ltmp0, $4  }
0x6c: {  	[tilespmem:s0], [sflag:$0x2] =	stream.linear.gather [hbm4b:s7+s3], $0x50, $0x38;
	[tilespmem:$0x16900] =	vst v63  }
0x6d: {  	_ =	swait.ge [sflag:s6], $0x50  }
0x6e: {  	[sflag:s6] =	ssyncset.done $0x0  }
0x6f: {  	s17 =	sadd.s32 $0xA0, s17;
	[sflag:s6] =	ssyncadd.s32 $0xFFFFFFB0  }
0x70: {  	[spmem:s2] =	stream.indirect.scatter.add.f32 [tilespmem:s30], [sflag:$0x4], $0x80, s0, s5, $0xb8;
	[tilespmem:$0x16900] =	vst v63  }
0x71: {  	_ =	swait.ge [sflag:s8], $0x2800  }
0x72: {  	[sflag:s8] =	ssyncset.done $0x0  }
0x73: {  	s7 =	rddreg [dreg:$0x7];
	[sflag:s8] =	ssyncadd.s32 $0xFFFFD800  }
0x74: {  	[tilespmem:s3], [sflag:$0x1] =	stream.linear.gather [hbm4b:s7+s3], $0x50, $0x38;
	[tilespmem:$0x16900] =	vst v63  }
0x75: {  	_ =	swait.ge [sflag:s1], $0x50  }
0x76: {  	[sflag:s1] =	ssyncset.done $0x0  }
0x77: {  	[sflag:s1] =	ssyncadd.s32 $0xFFFFFFB0  }
0x78: {  	[spmem:s2] =	stream.indirect.scatter.add.f32 [tilespmem:s30], [sflag:$0x3], $0x80, s3, s5, $0xb8;
	[tilespmem:$0x16900] =	vst v63  }
0x79: {  	_ =	swait.ge [sflag:s9], $0x2800  }
0x7a: {  	[sflag:s9] =	ssyncset.done $0x0  }
0x7b: {  	[sflag:s9] =	ssyncadd.s32 $0xFFFFD800  }
0x7c: {  	_ =	swait.ge [sflag:s8], $0x2800  }
0x7d: {  	[sflag:s8] =	ssyncset.done $0x0  }
0x7e: {  	[sflag:s8] =	ssyncadd.s32 $0xFFFFD800  }
0x7f: {  	[bflag:$0x0] =	sbarrier.arrive $0xFFFF  }
0x80: {  	[tilespmem:s30], [sflag:$0x5] =	stream.linear.gather [spmem:s10], $0x2800, $0x38;
	[tilespmem:$0x16900] =	vst v63  }
0x81: {  	_ =	swait.ge [sflag:s31], $0x2800  }
0x82: {  	[sflag:s31] =	ssyncset.done $0x0  }
0x83: {  	s18 =	rddreg [dreg:$0x9];
	[sflag:s31] =	ssyncadd.s32 $0xFFFFD800  }
0x84: {  	[hbm4b:s18+s3] =	stream.linear.scatter [tilespmem:s30], [sflag:$0x5], $0x2800, $0x38;
	[tilespmem:$0x16900] =	vst v63  }
0x85: {  	_ =	swait.ge [sflag:s31], $0x2800  }
0x86: {  	[sflag:s31] =	ssyncset.done $0x0  }
0x87: {  	[sflag:s31] =	ssyncadd.s32 $0xFFFFD800  }
0x88: {  	[tilespmem:s30], [sflag:$0x5] =	stream.linear.gather [spmem:s12], $0x2800, $0x38;
	[tilespmem:$0x16900] =	vst v63  }
0x89: {  	_ =	swait.ge [sflag:s31], $0x2800  }
0x8a: {  	[sflag:s31] =	ssyncset.done $0x0  }
0x8b: {  	s16 =	rddreg [dreg:$0xa];
	[sflag:s31] =	ssyncadd.s32 $0xFFFFD800  }
0x8c: {  	[hbm4b:s16+s3] =	stream.linear.scatter [tilespmem:s30], [sflag:$0x5], $0x2800, $0x38;
	[tilespmem:$0x16900] =	vst v63  }
0x8d: {  	_ =	swait.ge [sflag:s31], $0x2800  }
0x8e: {  	[sflag:s31] =	ssyncset.done $0x0  }
0x8f: {  	[sflag:s31] =	ssyncadd.s32 $0xFFFFD800  }
0x90: {  	[tilespmem:s30], [sflag:$0x5] =	stream.linear.gather [spmem:s13], $0x2800, $0x38;
	[tilespmem:$0x16900] =	vst v63  }
0x91: {  	_ =	swait.ge [sflag:s31], $0x2800  }
0x92: {  	[sflag:s31] =	ssyncset.done $0x0  }
0x93: {  	s17 =	rddreg [dreg:$0xb];
	[sflag:s31] =	ssyncadd.s32 $0xFFFFD800  }
0x94: {  	[hbm4b:s17+s3] =	stream.linear.scatter [tilespmem:s30], [sflag:$0x5], $0x2800, $0x38;
	[tilespmem:$0x16900] =	vst v63  }
0x95: {  	_ =	swait.ge [sflag:s31], $0x2800  }
0x96: {  	[sflag:s31] =	ssyncset.done $0x0  }
0x97: {  	[sflag:s31] =	ssyncadd.s32 $0xFFFFD800  }
0x98: {  	[tilespmem:s30], [sflag:$0x5] =	stream.linear.gather [spmem:s14], $0x2800, $0x38;
	[tilespmem:$0x16900] =	vst v63  }
0x99: {  	_ =	swait.ge [sflag:s31], $0x2800  }
0x9a: {  	[sflag:s31] =	ssyncset.done $0x0  }
0x9b: {  	[sflag:s31] =	ssyncadd.s32 $0xFFFFD800  }
0x9c: {  	[hbm4b:s19+s3] =	stream.linear.scatter [tilespmem:s30], [sflag:$0x5], $0x2800, $0x38;
	[tilespmem:$0x16900] =	vst v63  }
0x9d: {  	_ =	swait.ge [sflag:s31], $0x2800  }
0x9e: {  	[sflag:s31] =	ssyncset.done $0x0  }
0x9f: {  	[sflag:s31] =	ssyncadd.s32 $0xFFFFD800  }
0xa0: {  	[tilespmem:s30], [sflag:$0x5] =	stream.linear.gather [spmem:s15], $0x2800, $0x38;
	[tilespmem:$0x16900] =	vst v63  }
0xa1: {  	_ =	swait.ge [sflag:s31], $0x2800  }
0xa2: {  	[sflag:s31] =	ssyncset.done $0x0  }
0xa3: {  	[sflag:s31] =	ssyncadd.s32 $0xFFFFD800  }
0xa4: {  	[hbm4b:s20+s3] =	stream.linear.scatter [tilespmem:s30], [sflag:$0x5], $0x2800, $0x38;
	[tilespmem:$0x16900] =	vst v63  }
0xa5: {  	_ =	swait.ge [sflag:s31], $0x2800  }
0xa6: {  	[sflag:s31] =	ssyncset.done $0x0  }
0xa7: {  	[sflag:s31] =	ssyncadd.s32 $0xFFFFD800  }
0xa8: {  	[tilespmem:s30], [sflag:$0x5] =	stream.linear.gather [spmem:s26], $0x2800, $0x38;
	[tilespmem:$0x16900] =	vst v63  }
0xa9: {  	_ =	swait.ge [sflag:s31], $0x2800  }
0xaa: {  	[sflag:s31] =	ssyncset.done $0x0  }
0xab: {  	[sflag:s31] =	ssyncadd.s32 $0xFFFFD800  }
0xac: {  	[hbm4b:s21+s3] =	stream.linear.scatter [tilespmem:s30], [sflag:$0x5], $0x2800, $0x38;
	[tilespmem:$0x16900] =	vst v63  }
0xad: {  	_ =	swait.ge [sflag:s31], $0x2800  }
0xae: {  	[sflag:s31] =	ssyncset.done $0x0  }
0xaf: {  	[sflag:s31] =	ssyncadd.s32 $0xFFFFD800  }
0xb0: {  	[tilespmem:s30], [sflag:$0x5] =	stream.linear.gather [spmem:s28], $0x2800, $0x38;
	[tilespmem:$0x16900] =	vst v63  }
0xb1: {  	_ =	swait.ge [sflag:s31], $0x2800  }
0xb2: {  	[sflag:s31] =	ssyncset.done $0x0  }
0xb3: {  	[sflag:s31] =	ssyncadd.s32 $0xFFFFD800  }
0xb4: {  	[hbm4b:s22+s3] =	stream.linear.scatter [tilespmem:s30], [sflag:$0x5], $0x2800, $0x38;
	[tilespmem:$0x16900] =	vst v63  }
0xb5: {  	_ =	swait.ge [sflag:s31], $0x2800  }
0xb6: {  	[sflag:s31] =	ssyncset.done $0x0  }
0xb7: {  	[sflag:s31] =	ssyncadd.s32 $0xFFFFD800  }
0xb8: {  	[tilespmem:s30], [sflag:$0x5] =	stream.linear.gather [spmem:s29], $0x2800, $0x38;
	[tilespmem:$0x16900] =	vst v63  }
0xb9: {  	_ =	swait.ge [sflag:s31], $0x2800  }
0xba: {  	[sflag:s31] =	ssyncset.done $0x0  }
0xbb: {  	[sflag:s31] =	ssyncadd.s32 $0xFFFFD800  }
0xbc: {  	[hbm4b:s23+s3] =	stream.linear.scatter [tilespmem:s30], [sflag:$0x5], $0x2800, $0x38;
	[tilespmem:$0x16900] =	vst v63  }
0xbd: {  	_ =	swait.ge [sflag:s31], $0x2800  }
0xbe: {  	s11 =	sadd.s32 $0x1, s11;
	s18 =	rddreg [dreg:$0x8]  }
0xbf: {  	p0 =	sne.s32 s11, s18  }
.Ltmp1:
0xc0: {  	_ = 	snop;
	(pc) =	sbr.rel @p0 .LBB2_1-.Ltmp1, $3  }
0xc1: {  	_ =	sdelay $0x1  }
0xc2: {  	[sflag:s31] =	ssyncset.done $0x0  }
0xc3: {  	[sflag:s31] =	ssyncadd.s32 $0xFFFFD800  }
0xc4: {  	_ =	sfence.sel $0x180000  }
0xc5: {  	[bflag:$0x0] =	sbarrier.arrive $0xFFFF  }
0xc6: {  	_ =	strace $0x9000004A  }
0xc7: {  	s0 =	stileid.u32;
	[bflag:$0x2] =	sbarrier.arrive $0xFFFF  }
0xc8: {  	p0 =	sne.s32 s0, $0x0;
	s0 =	rddreg [dreg:$0x2]  }
0xc9: {  	s0 =	sadd.s32 @!p0 $0x100000, s0  }
0xca: {  	[sflag:s0] =	ssyncadd.tile.s32 @!p0 $0x1;
	_ =	shalt  }
.Lfunc_end2:
_tile_overlayer_lowered:
.L_overlay_start_2:
0xcb: {  	(tag) =	ssettag $0x2  }
0xcc: {  	s0 =	rddreg [dreg:$0x0];
	s2 =	stileid.u32  }
0xcd: {  	s1 =	rddreg [dreg:$0x1];
	p0 =	sne.s32 s2, $0x0  }
0xce: {  	s3 =	rddreg [dreg:$0x2];
	[bflag:$0x3] =	sbarrier.arrive $0xFFFF;
	s2 =	simm.s32 @!p0 $0x1C05  }
0xcf: {  	[timem:s3], [sflag:s2] =	dma.local @!p0 [hbm:s0], s1  }
0xd0: {  	s0 =	simm.s32 @!p0 $0x5  }
0xd1: {  	_ =	swait.ge @!p0 [sflag:s0], s1  }
0xd2: {  	s1 =	ssub.s32 @!p0 $0x0, s1;
	[sflag:s0] =	ssyncset.done @!p0 $0x0  }
0xd3: {  	[sflag:s0] =	ssyncadd.s32 @!p0 s1  }
0xd4: {  	[bflag:$0x3] =	sbarrier.arrive $0xFFFF  }
0xd5: {  	_ =	shalt  }

// kernel: kernel.13.cloned.1.call-start
scs
__scs_entry_jumppad:
0x0: {  	(pc) =	sbr.rel $0x88, $3  }
0x1: {  	(tag) =	ssettag $0x0;
	lr =	simm.s32 $0x1  }
0x2: {  	[smem:$0x3F91] =	sst lr;
	_ =	strace $0xD0000000  }
0x3: {  	_ = 	snop  }
0x4: {  	_ = 	snop  }
0x5: {  	_ = 	snop  }
0x6: {  	_ = 	snop  }
0x7: {  	_ = 	snop  }
__scs_overlays_trampoline_lowered:
0x8: {  	[smem:$0x3FA0] =	sst s0  }
0x9: {  	[smem:$0x3FA1] =	sst s1  }
0xa: {  	[smem:$0x3FA2] =	sst s2  }
0xb: {  	[smem:$0x3FA3] =	sst s3  }
0xc: {  	[smem:$0x3FA4] =	sst s4  }
0xd: {  	[smem:$0x3FA5] =	sst s5  }
0xe: {  	[smem:$0x3FA6] =	sst s6  }
0xf: {  	[smem:$0x3FA7] =	sst s7  }
0x10: {  	[smem:$0x3FA8] =	sst s8  }
0x11: {  	[smem:$0x3FA9] =	sst s9;
	s0 =	simm.s32 @!p0 $0x0  }
0x12: {  	s1 =	sld [smem:$0x3F8F];
	s0 =	simm.s32 @p0 $0x1  }
0x13: {  	[smem:$0x3FAA] =	sst s0;
	s0 =	simm.s32 @!p1 $0x0  }
0x14: {  	s2 =	sld [smem:$0x3F8E];
	s0 =	simm.s32 @p1 $0x1  }
0x15: {  	[smem:$0x3FAB] =	sst s0;
	s0 =	simm.s32 @!p2 $0x0  }
0x16: {  	s3 =	sld [smem:$0x3FDB];
	s0 =	simm.s32 @p2 $0x1  }
0x17: {  	s4 =	simm.s32 $0x1BF5;
	[smem:$0x3FAD] =	sst s0  }
0x18: {  	s0 =	sld [smem:$0x3F90];
	_ =	swait.ge [sflag:s4], $0x0  }
0x19: {  	s7 =	sld [smem:$0x3F91]  }
0x1a: {  	s8 =	sadd.s32 $0xFFFFE003, lr  }
0x1b: {  	s9 =	sadd.s32 $0xFFFFFEF7, lr;
	s5 =	simm.s32 $0xFFFFFFFF;
	p2 =	slt.u32 s8, $0xFFFFF086  }
0x1c: {  	p1 =	slt.u32 s9, $0xF7A;
	s5 =	simm.s32 @!p2 $0x0  }
0x1d: {  	s5 =	simm.s32 @p1 $0x1;
	p0 =	seq.s32 s7, s2  }
0x1e: {  	s7 =	smul.u32 @!p0 $0xF7A, s2;
	p2 =	seq.s32 @!p0 s5, $0x0  }
0x1f: {  	s9 =	smul.u32 $0xF7A, s1;
	s8 =	simm.s32 @!p0 $0x1BF5;
	p2 =	por !p2, p0  }
0x20: {  	[sflag:s8] =	ssyncset.s32 @!p0 $0xFFFFF086;
	s6 =	sadd.s32 @!p0 s3, s7;
	s7 =	simm.s32 @!p0 $0x108  }
0x21: {  	s3 =	sadd.s32 s3, s9;
	s6 =	sadd.s32 @!p0 $0x88, s6;
	s7 =	simm.s32 @p2 $0x1082  }
0x22: {  	[simem:s7], [sflag:s8] =	dma.local @!p0 [hbm:s6], $0xF7A  }
0x23: {  	s9 =	sor.u32 $0xD0000000, s2;
	s6 =	simm.s32 $0x108;
	_ =	swait.ge @!p0 [sflag:s8], $0x0  }
0x24: {  	s3 =	sadd.s32 $0x88, s3;
	s6 =	simm.s32 @!p1 $0x1082;
	[sflag:s4] =	ssyncset.s32 $0xFFFFF086  }
0x25: {  	[simem:s6], [sflag:s4] =	dma.local [hbm:s3], $0xF7A  }
0x26: {  	[smem:$0x3F91] =	sst s1;
	(tag) =	ssettag s2;
	_ =	strace s9  }
0x27: {  	s1 =	sld [smem:$0x3FA1]  }
0x28: {  	s2 =	sld [smem:$0x3FA2]  }
0x29: {  	s4 =	sld [smem:$0x3FA4]  }
0x2a: {  	p0 =	seq.s32 s5, $0x0;
	s5 =	sld [smem:$0x3FA5]  }
0x2b: {  	s6 =	sld [smem:$0x3FA6]  }
0x2c: {  	s7 =	sld [smem:$0x3FA7]  }
0x2d: {  	s3 =	simm.s32 $0x108;
	s8 =	sld [smem:$0x3FA8]  }
0x2e: {  	s3 =	simm.s32 @!p0 $0x1082;
	s9 =	sld [smem:$0x3FA9]  }
0x2f: {  	lr =	sadd.s32 s0, s3;
	s0 =	sld [smem:$0x3FA0]  }
0x30: {  	s3 =	sld [smem:$0x3FA3]  }
0x31: {  	[smem:$0x3FAC] =	sst s10  }
0x32: {  	s10 =	sld [smem:$0x3FAA];
	_ =	sdelay $0x3  }
0x33: {  	p0 =	seq.s32 s10, $0x1;
	s10 =	sld [smem:$0x3FAC];
	_ =	sdelay $0x3  }
0x34: {  	[smem:$0x3FAC] =	sst s10  }
0x35: {  	s10 =	sld [smem:$0x3FAB];
	_ =	sdelay $0x3  }
0x36: {  	p1 =	seq.s32 s10, $0x1;
	s10 =	sld [smem:$0x3FAC];
	_ =	sdelay $0x3  }
0x37: {  	[smem:$0x3FAC] =	sst s10  }
0x38: {  	s10 =	sld [smem:$0x3FAD]  }
0x39: {  	_ = 	snop;
	(pc) =	sbr.ind lr, $3  }
0x3a: {  	_ = 	snop  }
0x3b: {  	_ = 	snop  }
0x3c: {  	p2 =	seq.s32 s10, $0x1;
	s10 =	sld [smem:$0x3FAC]  }
0x3d: {  	_ =	shalt  }
0x3e: {  	_ =	shalt  }
0x3f: {  	_ =	shalt  }
0x40: {  	_ =	shalt  }
0x41: {  	_ =	shalt  }
0x42: {  	_ =	shalt  }
0x43: {  	_ =	shalt  }
0x44: {  	_ =	shalt  }
0x45: {  	_ =	shalt  }
0x46: {  	_ =	shalt  }
0x47: {  	_ =	shalt  }
0x48: {  	_ =	shalt  }
0x49: {  	_ =	shalt  }
0x4a: {  	_ =	shalt  }
0x4b: {  	_ =	shalt  }
0x4c: {  	_ =	shalt  }
0x4d: {  	_ =	shalt  }
0x4e: {  	_ =	shalt  }
0x4f: {  	_ =	shalt  }
0x50: {  	_ =	shalt  }
0x51: {  	_ =	shalt  }
0x52: {  	_ =	shalt  }
0x53: {  	_ =	shalt  }
0x54: {  	_ =	shalt  }
0x55: {  	_ =	shalt  }
0x56: {  	_ =	shalt  }
0x57: {  	_ =	shalt  }
0x58: {  	_ =	shalt  }
0x59: {  	_ =	shalt  }
0x5a: {  	_ =	shalt  }
0x5b: {  	_ =	shalt  }
0x5c: {  	_ =	shalt  }
0x5d: {  	_ =	shalt  }
0x5e: {  	_ =	shalt  }
0x5f: {  	_ =	shalt  }
0x60: {  	_ =	shalt  }
0x61: {  	_ =	shalt  }
0x62: {  	_ =	shalt  }
0x63: {  	_ =	shalt  }
0x64: {  	_ =	shalt  }
0x65: {  	_ =	shalt  }
0x66: {  	_ =	shalt  }
0x67: {  	_ =	shalt  }
0x68: {  	_ =	shalt  }
0x69: {  	_ =	shalt  }
0x6a: {  	_ =	shalt  }
0x6b: {  	_ =	shalt  }
0x6c: {  	_ =	shalt  }
0x6d: {  	_ =	shalt  }
0x6e: {  	_ =	shalt  }
0x6f: {  	_ =	shalt  }
0x70: {  	_ =	shalt  }
0x71: {  	_ =	shalt  }
0x72: {  	_ =	shalt  }
0x73: {  	_ =	shalt  }
0x74: {  	_ =	shalt  }
0x75: {  	_ =	shalt  }
0x76: {  	_ =	shalt  }
0x77: {  	_ =	shalt  }
0x78: {  	_ =	shalt  }
0x79: {  	_ =	shalt  }
0x7a: {  	_ =	shalt  }
0x7b: {  	_ =	shalt  }
0x7c: {  	_ =	shalt  }
0x7d: {  	_ =	shalt  }
0x7e: {  	_ =	shalt  }
0x7f: {  	_ =	shalt  }
0x80: {  	_ =	shalt  }
0x81: {  	_ =	shalt  }
0x82: {  	_ =	shalt  }
0x83: {  	_ =	shalt  }
0x84: {  	_ =	shalt  }
0x85: {  	_ =	shalt  }
0x86: {  	_ =	shalt  }
0x87: {  	_ =	shalt  }
.Lfunc_end0:
.L_simem_size_0:
called_computation.1_lowered:
.L_overlay_start_0:
0x88: {  	s2 =	sld [smem:$0x3FD9]  }
0x89: {  	s3 =	sld [smem:$0x3FFE];
	_ =	sdelay $0x1  }
0x8a: {  	s1 =	srdreg.scid  }
0x8b: {  	s0 =	sand.u32 $0x1, s1  }
0x8c: {  	s16 =	sshll.u32 s0, $0xA;
	s2 =	sadd.s32 s3, s2  }
0x8d: {  	s2 =	sadd.s32 s2, s16  }
0x8e: {  	[smem:$0x3FB8] =	sst s2  }
0x8f: {  	_ = 	snop  }
0x90: {  	(tm) =	ssettm $0x1  }
0x91: {  	s17 =	sld [smem:$0x3FFB];
	_ =	sdelay $0x3  }
0x92: {  	_ =	strace s17  }
0x93: {  	s2 =	sld [smem:$0x3FFC];
	_ =	sdelay $0x3  }
0x94: {  	_ =	strace s2  }
0x95: {  	s2 =	sld [smem:$0x3FFD];
	_ =	sdelay $0x3  }
0x96: {  	_ =	strace s2  }
0x97: {  	_ =	strace $0x8FFFFFFF  }
0x98: {  	s18 =	sld [smem:$0x3FDB];
	_ =	sdelay $0x1  }
0x99: {  	s19 =	simm.s32 $_scs_section_size  }
0x9a: {  	s4 =	simm.s32 $_size__tile_overlayer_lowered;
	s5 =	simm.s32 $_tile_overlayer_lowered  }
0x9b: {  	s22 =	simm.s32 $0x1BFF;
	s21 =	sshll.u32 s5, $0x1;
	s2 =	sadd.s32 s19, s18  }
0x9c: {  	s6 =	simm.s32 $0x0;
	s20 =	sshll.u32 s4, $0x1;
	s4 =	sadd.s32 s21, s2  }
0x9d: {  	[timem:s6], [sflag:s22] =	dma.local [hbm:s4], s20  }
0x9e: {  	_ =	swait.ge [sflag:s22], s20  }
0x9f: {  	s3 =	ssub.s32 $0x0, s20;
	[sflag:s22] =	ssyncset.done $0x0  }
0xa0: {  	[sflag:s22] =	ssyncadd.s32 s3;
	_ =	sdelay $0x1  }
0xa1: {  	s23 =	simm.s32 $0x1B8B  }
0xa2: {  	_ =	swait.ge [sflag:s23], $0x1  }
0xa3: {  	[sflag:s23] =	ssyncset.done $0x0  }
0xa4: {  	s25 =	simm.s32 $0x1B8E;
	s24 =	sld [smem:$0x3FFE];
	[sflag:s23] =	ssyncadd.s32 $0xFFFFFFFF  }
0xa5: {  	s26 =	simm.s32 $execute0_lowered;
	[smem:$0x3FD2] =	sst s25  }
0xa6: {  	s4 =	sshll.u32 s26, $0x1;
	_ =	strace $0x80000046;
	[dreg:$0x1] =	wrdreg $0xFFFFFFFF  }
0xa7: {  	s28 =	simm.s32 $_size_execute0_lowered;
	s2 =	sadd.s32 s2, s4;
	[dreg:$0x0] =	wrdreg $0x0  }
0xa8: {  	s4 =	sshll.u32 s28, $0x1;
	[dreg:$0x2] =	wrdreg s2  }
0xa9: {  	[dreg:$0x3] =	wrdreg s4  }
0xaa: {  	[dreg:$0x4] =	wrdreg $0xC0  }
0xab: {  	_ =	task [dreg:s6], $0x5FFFF  }
0xac: {  	[dreg:$0x1] =	wrdreg $0xFFFFFFFF  }
0xad: {  	[dreg:$0x0] =	wrdreg $0x60  }
0xae: {  	[dreg:$0x2] =	wrdreg s24  }
0xaf: {  	[dreg:$0x3] =	wrdreg $0x52000  }
0xb0: {  	[dreg:$0x4] =	wrdreg $0xA  }
0xb1: {  	_ =	task.clear_ibuf [dreg:s6], $0x5FFFF;
	_ =	strace $0x90000046  }
0xb2: {  	s29 =	simm.s32 $0xA;
	_ =	strace $0x80000048  }
0xb3: {  	_ =	swait.ge [sflag:s29], $0x1  }
0xb4: {  	[sflag:s29] =	ssyncadd.s32 $0xFFFFFFFF  }
0xb5: {  	_ =	strace $0x90000048  }
0xb6: {  	_ =	sfence  }
0xb7: {  	s30 =	sld [smem:$0x0];
	_ =	sdelay $0x2  }
0xb8: {  	s31 =	sshll.u32 s1, $0xD;
	s1 =	sshrl.u32 s1, $0x2  }
0xb9: {  	s3 =	sand.u32 $0x4000, s31;
	s1 =	sadd.s32 s1, s30  }
0xba: {  	s0 =	sor.u32 s3, s0;
	s1 =	sshll.u32 s1, $0x11  }
0xbb: {  	s0 =	sor.u32 s1, s0  }
0xbc: {  	s0 =	sadd.s32 $0x8F2B, s0  }
0xbd: {  	[sflag:s0] =	ssyncadd.remote.s32 $0x1  }
0xbe: {  	_ =	sfence.sel $0xFFFF  }
0xbf: {  	[dreg:$0x0] =	wrdreg $0xFFFFFFFF;
	(pc) =	sbr.abs _section_cstart, $3  }
0xc0: {  	[dreg:$0x1] =	wrdreg $0xFFFFFFFF  }
0xc1: {  	_ =	task.clear_ibuf [dreg:s6], $0x2FFFF;
	_ =	strace $0x9FFFFFFF  }
0xc2: {  	(tm) =	ssettm $0x7FFFFFFF  }
0xc3: {  	_ =	shalt  }
tec
execute0_lowered:
.L_overlay_start_1:
0x0: {  	(tag) =	ssettag $0x1  }
0x1: {  	s0 =	rddreg [dreg:$0x0]  }
0x2: {  	s2 =	rddreg [dreg:$0x1];
	s3 =	simm.s32 $0x0;
	s1 =	srdreg.scid  }
0x3: {  	s11 =	stileid.u32;
	[smem:$0x7FF] =	sst s3  }
0x4: {  	s1 =	sand.u32 $0x1, s1;
	s7 =	smul.u32 $0x280, s11;
	s4 =	sadd.s32 $0x16600, s0  }
0x5: {  	s5 =	sadd.s32 $0xC800, s0;
	s9 =	sshll.u32 s11, $0x1;
	s25 =	smul.u32 $0x50000, s11  }
0x6: {  	s6 =	sadd.s32 $0x2A00, s0;
	s10 =	sadd.s32 $0x3D800, s0;
	s14 =	smul.u32 $0x4E20, s11  }
0x7: {  	s11 =	simm.s32 $0x1;
	_ =	strace $0x80000047;
	s8 =	smul.u32 $0x2800, s1  }
0x8: {  	s22 =	sor.u32 s1, s9;
	s23 =	ssub.s32 $0x2, s1;
	[dreg:$0x3] =	wrdreg s10  }
0x9: {  	s1 =	smul.u32 $0x2710, s1;
	s24 =	sshrl.u32 s23, $0x1;
	s9 =	sshrl.u32 s25, $0x2  }
0xa: {  	s7 =	sadd.s32 s8, s7;
	s8 =	smul.u32 $0x2710, s22;
	s31 =	sadd.s32 s9, s2  }
0xb: {  	s1 =	sadd.s32 s1, s14;
	s9 =	simm.s32 $0x7;
	s14 =	simm.s32 $0x0  }
0xc: {  	s7 =	sshll.u32 s7, $0x4;
	s28 =	sadd.s32 $0x5000, s31;
	s8 =	sshrl.u32 s8, $0x3  }
0xd: {  	s29 =	sadd.s32 $0x7800, s31;
	s0 =	sadd.s32 s7, s0;
	s26 =	sadd.s32 s5, s8  }
0xe: {  	s7 =	ssub.s32 s23, s24;
	s12 =	sadd.s32 s6, s8;
	[dreg:$0x4] =	wrdreg s26  }
0xf: {  	s30 =	sadd.s32 $0xA000, s31;
	s7 =	smax.u32 s7, $0x1;
	[dreg:$0x5] =	wrdreg s12  }
0x10: {  	s23 =	sadd.s32 $0xF0, s1;
	s17 =	sadd.s32 $0x3DE00, s0;
	[dreg:$0x8] =	wrdreg s7  }
0x11: {  	s13 =	sadd.s32 $0xA, s8;
	s18 =	sadd.s32 $0x3E300, s0;
	[dreg:$0xb] =	wrdreg s17  }
0x12: {  	s8 =	sadd.s32 $0x4D8, s8;
	s19 =	sadd.s32 $0x3E800, s0;
	[dreg:$0xc] =	wrdreg s18  }
0x13: {  	s20 =	sadd.s32 $0x3ED00, s0;
	s21 =	sadd.s32 $0x3F200, s0;
	[dreg:$0xd] =	wrdreg s19  }
0x14: {  	s22 =	sadd.s32 $0x3F700, s0;
	s24 =	sadd.s32 $0x3FC00, s0;
	[dreg:$0xe] =	wrdreg s20  }
0x15: {  	s0 =	sadd.s32 $0x40100, s0;
	s25 =	sshrl.u32 s23, $0x3;
	[dreg:$0xf] =	wrdreg s21  }
0x16: {  	s23 =	simm.s32 $0x4;
	s12 =	sadd.s32 s5, s13;
	[dreg:$0x10] =	wrdreg s22  }
0x17: {  	s10 =	sadd.s32 s6, s13;
	s15 =	sadd.s32 s5, s8;
	[dreg:$0x11] =	wrdreg s24  }
0x18: {  	s16 =	sadd.s32 s6, s8;
	[dreg:$0x12] =	wrdreg s0;
	s24 =	sadd.s32 s25, s6  }
0x19: {  	s25 =	sadd.s32 s25, s5;
	s26 =	sadd.s32 $0xA0, s1;
	[dreg:$0x6] =	wrdreg s12  }
0x1a: {  	s0 =	sadd.s32 $0xF000, s31;
	s1 =	sadd.s32 $0x11800, s31;
	[dreg:$0x7] =	wrdreg s10  }
0x1b: {  	s8 =	simm.s32 $0x200;
	s13 =	simm.s32 $0x50;
	[dreg:$0x9] =	wrdreg s15  }
0x1c: {  	s17 =	simm.s32 $0x180;
	s18 =	simm.s32 $0x2;
	[dreg:$0xa] =	wrdreg s16  }
0x1d: {  	s19 =	simm.s32 $0x2A00;
	s20 =	simm.s32 $0x5;
	[dreg:$0x13] =	wrdreg s26  }
0x1e: {  	s21 =	simm.s32 $0x3;
	s22 =	simm.s32 $0x6;
	[dreg:$0x15] =	wrdreg s0  }
0x1f: {  	s26 =	sadd.s32 $0x2800, s31;
	s12 =	sadd.s32 $0xC800, s31;
	[dreg:$0x16] =	wrdreg s1  }
0x20: {  	s10 =	simm.s32 $0x100;
	s16 =	simm.s32 $0x80;
	[dreg:$0x14] =	wrdreg s12  }
.LBB2_1:
0x21: {  	s15 =	rddreg [dreg:$0x3]  }
0x22: {  	[tilespmem:s8], [sflag:$0x7] =	stream.linear.gather [hbm4b:s15+s3], $0x2800, $0x38;
	[tilespmem:$0x19200] =	vst v63  }
0x23: {  	_ =	swait.ge [sflag:s9], $0x2800  }
0x24: {  	[sflag:s9] =	ssyncset.done $0x0  }
0x25: {  	[sflag:s9] =	ssyncadd.s32 $0xFFFFD800  }
0x26: {  	[spmem:s31] =	stream.linear.scatter [tilespmem:s8], [sflag:$0x7], $0x2800, $0x38;
	[tilespmem:$0x19200] =	vst v63  }
0x27: {  	_ =	swait.ge [sflag:s9], $0x2800  }
0x28: {  	[sflag:s9] =	ssyncset.done $0x0  }
0x29: {  	[sflag:s9] =	ssyncadd.s32 $0xFFFFD800  }
0x2a: {  	[spmem:s26] =	stream.linear.scatter [tilespmem:s8], [sflag:$0x7], $0x2800, $0x38;
	[tilespmem:$0x19200] =	vst v63  }
0x2b: {  	_ =	swait.ge [sflag:s9], $0x2800  }
0x2c: {  	[sflag:s9] =	ssyncset.done $0x0  }
0x2d: {  	[sflag:s9] =	ssyncadd.s32 $0xFFFFD800  }
0x2e: {  	[spmem:s28] =	stream.linear.scatter [tilespmem:s8], [sflag:$0x7], $0x2800, $0x38;
	[tilespmem:$0x19200] =	vst v63  }
0x2f: {  	_ =	swait.ge [sflag:s9], $0x2800  }
0x30: {  	[sflag:s9] =	ssyncset.done $0x0  }
0x31: {  	[sflag:s9] =	ssyncadd.s32 $0xFFFFD800  }
0x32: {  	[spmem:s29] =	stream.linear.scatter [tilespmem:s8], [sflag:$0x7], $0x2800, $0x38;
	[tilespmem:$0x19200] =	vst v63  }
0x33: {  	_ =	swait.ge [sflag:s9], $0x2800  }
0x34: {  	[sflag:s9] =	ssyncset.done $0x0  }
0x35: {  	[sflag:s9] =	ssyncadd.s32 $0xFFFFD800  }
0x36: {  	[spmem:s30] =	stream.linear.scatter [tilespmem:s8], [sflag:$0x7], $0x2800, $0x38;
	[tilespmem:$0x19200] =	vst v63  }
0x37: {  	_ =	swait.ge [sflag:s9], $0x2800  }
0x38: {  	[sflag:s9] =	ssyncset.done $0x0  }
0x39: {  	s15 =	smov.u32 s12;
	[sflag:s9] =	ssyncadd.s32 $0xFFFFD800  }
0x3a: {  	[spmem:s15] =	stream.linear.scatter [tilespmem:s8], [sflag:$0x7], $0x2800, $0x38;
	[tilespmem:$0x19200] =	vst v63  }
0x3b: {  	_ =	swait.ge [sflag:s9], $0x2800  }
0x3c: {  	s7 =	smov.u32 s31;
	[sflag:s9] =	ssyncset.done $0x0  }
0x3d: {  	s31 =	smov.u32 s26;
	s26 =	smov.u32 s0;
	[sflag:s9] =	ssyncadd.s32 $0xFFFFD800  }
0x3e: {  	[spmem:s26] =	stream.linear.scatter [tilespmem:s8], [sflag:$0x7], $0x2800, $0x38;
	[tilespmem:$0x19200] =	vst v63  }
0x3f: {  	_ =	swait.ge [sflag:s9], $0x2800  }
0x40: {  	[sflag:s9] =	ssyncset.done $0x0  }
0x41: {  	s0 =	smov.u32 s28;
	s28 =	smov.u32 s1;
	[sflag:s9] =	ssyncadd.s32 $0xFFFFD800  }
0x42: {  	[spmem:s28] =	stream.linear.scatter [tilespmem:s8], [sflag:$0x7], $0x2800, $0x38;
	[tilespmem:$0x19200] =	vst v63  }
0x43: {  	_ =	swait.ge [sflag:s9], $0x2800  }
0x44: {  	[sflag:s9] =	ssyncset.done $0x0  }
0x45: {  	[sflag:s9] =	ssyncadd.s32 $0xFFFFD800  }
0x46: {  	[bflag:$0x0] =	sbarrier.arrive $0xFFFF  }
0x47: {  	s1 =	smov.u32 s29;
	s29 =	rddreg [dreg:$0x4]  }
0x48: {  	[tilespmem:s3], [sflag:$0x1] =	stream.linear.gather [hbm4b:s29+s3], $0x50, $0x38;
	[tilespmem:$0x19200] =	vst v63  }
0x49: {  	s12 =	smov.u32 s30;
	s30 =	rddreg [dreg:$0x5]  }
0x4a: {  	[tilespmem:s10], [sflag:$0x3] =	stream.linear.gather [hbm4b:s30+s3], $0x50, $0x38;
	[tilespmem:$0x19200] =	vst v63  }
0x4b: {  	_ =	swait.ge [sflag:s11], $0x50  }
0x4c: {  	[sflag:s11] =	ssyncset.done $0x0  }
0x4d: {  	[sflag:s11] =	ssyncadd.s32 $0xFFFFFFB0  }
0x4e: {  	[tilespmem:s8], [sflag:$0x5] =	stream.indirect.gather [hbm4b:s4+s13], $0x80, s3, s13, $0xb8;
	[tilespmem:$0x19200] =	vst v63  }
0x4f: {  	s26 =	rddreg [dreg:$0x6]  }
0x50: {  	[tilespmem:s16], [sflag:$0x2] =	stream.linear.gather [hbm4b:s26+s3], $0x50, $0x38;
	[tilespmem:$0x19200] =	vst v63  }
0x51: {  	s29 =	rddreg [dreg:$0x7]  }
0x52: {  	[tilespmem:s17], [sflag:$0x4] =	stream.linear.gather [hbm4b:s29+s3], $0x50, $0x38;
	[tilespmem:$0x19200] =	vst v63  }
0x53: {  	_ =	swait.ge [sflag:s18], $0x50  }
0x54: {  	[sflag:s18] =	ssyncset.done $0x0  }
0x55: {  	[sflag:s18] =	ssyncadd.s32 $0xFFFFFFB0  }
0x56: {  	[tilespmem:s19], [sflag:$0x6] =	stream.indirect.gather [hbm4b:s4+s13], $0x80, s16, s13, $0xb8;
	[tilespmem:$0x19200] =	vst v63  }
0x57: {  	_ =	swait.ge [sflag:s20], $0x2800  }
0x58: {  	s29 =	rddreg [dreg:$0x13]  }
0x59: {  	[sflag:s20] =	ssyncset.done $0x0;
	s15 =	sshrl.u32 s29, $0x3  }
0x5a: {  	[sflag:s20] =	ssyncadd.s32 $0xFFFFD800;
	s30 =	sadd.s32 s5, s15  }
0x5b: {  	[tilespmem:s3], [sflag:$0x1] =	stream.linear.gather [hbm4b:s30+s3], $0x50, $0x38;
	[tilespmem:$0x19200] =	vst v63  }
0x5c: {  	_ =	swait.ge [sflag:s21], $0x50  }
0x5d: {  	[sflag:s21] =	ssyncset.done $0x0  }
0x5e: {  	[sflag:s21] =	ssyncadd.s32 $0xFFFFFFB0  }
0x5f: {  	[spmem:s2] =	stream.indirect.scatter.add.f32 [tilespmem:s8], [sflag:$0x7], $0x80, s10, s13, $0xb8;
	[tilespmem:$0x19200] =	vst v63  }
0x60: {  	_ =	swait.ge [sflag:s9], $0x2800  }
0x61: {  	[sflag:s9] =	ssyncset.done $0x0  }
0x62: {  	s15 =	sadd.s32 s6, s15;
	[sflag:s9] =	ssyncadd.s32 $0xFFFFD800  }
0x63: {  	[tilespmem:s10], [sflag:$0x3] =	stream.linear.gather [hbm4b:s15+s3], $0x50, $0x38;
	[tilespmem:$0x19200] =	vst v63  }
0x64: {  	_ =	swait.ge [sflag:s11], $0x50  }
0x65: {  	[sflag:s11] =	ssyncset.done $0x0  }
0x66: {  	[sflag:s11] =	ssyncadd.s32 $0xFFFFFFB0  }
0x67: {  	[tilespmem:s8], [sflag:$0x5] =	stream.indirect.gather [hbm4b:s4+s13], $0x80, s3, s13, $0xb8;
	[tilespmem:$0x19200] =	vst v63  }
0x68: {  	_ =	swait.ge [sflag:s22], $0x2800  }
0x69: {  	[sflag:s22] =	ssyncset.done $0x0  }
0x6a: {  	s30 =	sadd.s32 $0x0, s25;
	[sflag:s22] =	ssyncadd.s32 $0xFFFFD800  }
0x6b: {  	[tilespmem:s16], [sflag:$0x2] =	stream.linear.gather [hbm4b:s30+s3], $0x50, $0x38;
	[tilespmem:$0x19200] =	vst v63  }
0x6c: {  	_ =	swait.ge [sflag:s23], $0x50  }
0x6d: {  	[sflag:s23] =	ssyncset.done $0x0  }
0x6e: {  	[sflag:s23] =	ssyncadd.s32 $0xFFFFFFB0  }
0x6f: {  	[spmem:s2] =	stream.indirect.scatter.add.f32 [tilespmem:s19], [sflag:$0x7], $0x80, s17, s13, $0xb8;
	[tilespmem:$0x19200] =	vst v63  }
0x70: {  	_ =	swait.ge [sflag:s9], $0x2800  }
0x71: {  	s28 =	sadd.s32 $0x0, s24;
	[sflag:s9] =	ssyncset.done $0x0  }
0x72: {  	s26 =	sadd.s32 $0xA0, s29;
	s15 =	simm.s32 $0x14;
	[sflag:s9] =	ssyncadd.s32 $0xFFFFD800  }
.LBB2_2:
0x73: {  	[tilespmem:s17], [sflag:$0x4] =	stream.linear.gather [hbm4b:s28+s3], $0x50, $0x38;
	[tilespmem:$0x19200] =	vst v63  }
0x74: {  	s28 =	smov.u32 s15  }
0x75: {  	p0 =	sne.s32 s15, $0x4B0;
	s15 =	sadd.s32 $0x14, s15;
	_ =	swait.ge [sflag:s18], $0x50  }
0x76: {  	[sflag:s18] =	ssyncset.done $0x0  }
0x77: {  	[sflag:s18] =	ssyncadd.s32 $0xFFFFFFB0  }
0x78: {  	[tilespmem:s19], [sflag:$0x6] =	stream.indirect.gather [hbm4b:s4+s13], $0x80, s16, s13, $0xb8;
	[tilespmem:$0x19200] =	vst v63  }
0x79: {  	_ =	swait.ge [sflag:s20], $0x2800  }
0x7a: {  	s29 =	sshrl.u32 s26, $0x3;
	[sflag:s20] =	ssyncset.done $0x0  }
0x7b: {  	s30 =	sadd.s32 s5, s29;
	[sflag:s20] =	ssyncadd.s32 $0xFFFFD800  }
0x7c: {  	[tilespmem:s3], [sflag:$0x1] =	stream.linear.gather [hbm4b:s30+s3], $0x50, $0x38;
	[tilespmem:$0x19200] =	vst v63  }
0x7d: {  	_ =	swait.ge [sflag:s21], $0x50  }
0x7e: {  	[sflag:s21] =	ssyncset.done $0x0  }
0x7f: {  	[sflag:s21] =	ssyncadd.s32 $0xFFFFFFB0  }
0x80: {  	[spmem:s2] =	stream.indirect.scatter.add.f32 [tilespmem:s8], [sflag:$0x7], $0x80, s10, s13, $0xb8;
	[tilespmem:$0x19200] =	vst v63  }
0x81: {  	_ =	swait.ge [sflag:s9], $0x2800  }
0x82: {  	[sflag:s9] =	ssyncset.done $0x0  }
0x83: {  	s29 =	sadd.s32 s6, s29;
	[sflag:s9] =	ssyncadd.s32 $0xFFFFD800  }
0x84: {  	[tilespmem:s10], [sflag:$0x3] =	stream.linear.gather [hbm4b:s29+s3], $0x50, $0x38;
	[tilespmem:$0x19200] =	vst v63  }
0x85: {  	_ =	swait.ge [sflag:s11], $0x50  }
0x86: {  	[sflag:s11] =	ssyncset.done $0x0  }
0x87: {  	[sflag:s11] =	ssyncadd.s32 $0xFFFFFFB0  }
0x88: {  	[tilespmem:s8], [sflag:$0x5] =	stream.indirect.gather [hbm4b:s4+s13], $0x80, s3, s13, $0xb8;
	[tilespmem:$0x19200] =	vst v63  }
0x89: {  	_ =	swait.ge [sflag:s22], $0x2800  }
0x8a: {  	[sflag:s22] =	ssyncset.done $0x0  }
0x8b: {  	s29 =	sadd.s32 s28, s25;
	[sflag:s22] =	ssyncadd.s32 $0xFFFFD800  }
0x8c: {  	[tilespmem:s16], [sflag:$0x2] =	stream.linear.gather [hbm4b:s29+s3], $0x50, $0x38;
	[tilespmem:$0x19200] =	vst v63  }
0x8d: {  	_ =	swait.ge [sflag:s23], $0x50  }
0x8e: {  	[sflag:s23] =	ssyncset.done $0x0  }
.Ltmp0:
0x8f: {  	[sflag:s23] =	ssyncadd.s32 $0xFFFFFFB0;
	(pc) =	sbr.rel @p0 .LBB2_2-.Ltmp0, $4  }
0x90: {  	[spmem:s2] =	stream.indirect.scatter.add.f32 [tilespmem:s19], [sflag:$0x7], $0x80, s17, s13, $0xb8;
	[tilespmem:$0x19200] =	vst v63  }
0x91: {  	_ =	swait.ge [sflag:s9], $0x2800  }
0x92: {  	[sflag:s9] =	ssyncset.done $0x0  }
0x93: {  	s26 =	sadd.s32 $0xA0, s26;
	s28 =	sadd.s32 s28, s24;
	[sflag:s9] =	ssyncadd.s32 $0xFFFFD800  }
0x94: {  	[tilespmem:s17], [sflag:$0x4] =	stream.linear.gather [hbm4b:s28+s3], $0x50, $0x38;
	[tilespmem:$0x19200] =	vst v63  }
0x95: {  	_ =	swait.ge [sflag:s18], $0x50  }
0x96: {  	[sflag:s18] =	ssyncset.done $0x0  }
0x97: {  	[sflag:s18] =	ssyncadd.s32 $0xFFFFFFB0  }
0x98: {  	[tilespmem:s19], [sflag:$0x6] =	stream.indirect.gather [hbm4b:s4+s13], $0x80, s16, s13, $0xb8;
	[tilespmem:$0x19200] =	vst v63  }
0x99: {  	_ =	swait.ge [sflag:s20], $0x2800  }
0x9a: {  	[sflag:s20] =	ssyncset.done $0x0  }
0x9b: {  	s15 =	rddreg [dreg:$0x9];
	[sflag:s20] =	ssyncadd.s32 $0xFFFFD800  }
0x9c: {  	[tilespmem:s3], [sflag:$0x1] =	stream.linear.gather [hbm4b:s15+s3], $0x50, $0x38;
	[tilespmem:$0x19200] =	vst v63  }
0x9d: {  	_ =	swait.ge [sflag:s21], $0x50  }
0x9e: {  	[sflag:s21] =	ssyncset.done $0x0  }
0x9f: {  	[sflag:s21] =	ssyncadd.s32 $0xFFFFFFB0  }
0xa0: {  	[spmem:s2] =	stream.indirect.scatter.add.f32 [tilespmem:s8], [sflag:$0x7], $0x80, s10, s13, $0xb8;
	[tilespmem:$0x19200] =	vst v63  }
0xa1: {  	_ =	swait.ge [sflag:s9], $0x2800  }
0xa2: {  	[sflag:s9] =	ssyncset.done $0x0  }
0xa3: {  	s26 =	rddreg [dreg:$0xa];
	[sflag:s9] =	ssyncadd.s32 $0xFFFFD800  }
0xa4: {  	[tilespmem:s10], [sflag:$0x3] =	stream.linear.gather [hbm4b:s26+s3], $0x50, $0x38;
	[tilespmem:$0x19200] =	vst v63  }
0xa5: {  	_ =	swait.ge [sflag:s11], $0x50  }
0xa6: {  	[sflag:s11] =	ssyncset.done $0x0  }
0xa7: {  	[sflag:s11] =	ssyncadd.s32 $0xFFFFFFB0  }
0xa8: {  	[tilespmem:s8], [sflag:$0x5] =	stream.indirect.gather [hbm4b:s4+s13], $0x80, s3, s13, $0xb8;
	[tilespmem:$0x19200] =	vst v63  }
0xa9: {  	_ =	swait.ge [sflag:s22], $0x2800  }
0xaa: {  	[sflag:s22] =	ssyncset.done $0x0  }
0xab: {  	[sflag:s22] =	ssyncadd.s32 $0xFFFFD800  }
0xac: {  	[tilespmem:s16], [sflag:$0x2] =	stream.linear.gather [hbm4b:s15+s3], $0x50, $0x38;
	[tilespmem:$0x19200] =	vst v63  }
0xad: {  	_ =	swait.ge [sflag:s23], $0x50  }
0xae: {  	[sflag:s23] =	ssyncset.done $0x0  }
0xaf: {  	[sflag:s23] =	ssyncadd.s32 $0xFFFFFFB0  }
0xb0: {  	[spmem:s2] =	stream.indirect.scatter.add.f32 [tilespmem:s19], [sflag:$0x7], $0x80, s17, s13, $0xb8;
	[tilespmem:$0x19200] =	vst v63  }
0xb1: {  	_ =	swait.ge [sflag:s9], $0x2800  }
0xb2: {  	[sflag:s9] =	ssyncset.done $0x0  }
0xb3: {  	[sflag:s9] =	ssyncadd.s32 $0xFFFFD800  }
0xb4: {  	[tilespmem:s17], [sflag:$0x4] =	stream.linear.gather [hbm4b:s26+s3], $0x50, $0x38;
	[tilespmem:$0x19200] =	vst v63  }
0xb5: {  	_ =	swait.ge [sflag:s20], $0x2800  }
0xb6: {  	[sflag:s20] =	ssyncset.done $0x0  }
0xb7: {  	[sflag:s20] =	ssyncadd.s32 $0xFFFFD800  }
0xb8: {  	_ =	swait.ge [sflag:s21], $0x50  }
0xb9: {  	[sflag:s21] =	ssyncset.done $0x0  }
0xba: {  	[sflag:s21] =	ssyncadd.s32 $0xFFFFFFB0  }
0xbb: {  	[spmem:s2] =	stream.indirect.scatter.add.f32 [tilespmem:s8], [sflag:$0x7], $0x80, s10, s13, $0xb8;
	[tilespmem:$0x19200] =	vst v63  }
0xbc: {  	_ =	swait.ge [sflag:s9], $0x2800  }
0xbd: {  	[sflag:s9] =	ssyncset.done $0x0  }
0xbe: {  	[sflag:s9] =	ssyncadd.s32 $0xFFFFD800  }
0xbf: {  	_ =	swait.ge [sflag:s18], $0x50  }
0xc0: {  	[sflag:s18] =	ssyncset.done $0x0  }
0xc1: {  	[sflag:s18] =	ssyncadd.s32 $0xFFFFFFB0  }
0xc2: {  	_ =	swait.ge [sflag:s23], $0x50  }
0xc3: {  	[sflag:s23] =	ssyncset.done $0x0  }
0xc4: {  	[sflag:s23] =	ssyncadd.s32 $0xFFFFFFB0  }
0xc5: {  	[bflag:$0x0] =	sbarrier.arrive $0xFFFF  }
0xc6: {  	[tilespmem:s8], [sflag:$0x7] =	stream.linear.gather [spmem:s7], $0x2800, $0x38;
	[tilespmem:$0x19200] =	vst v63  }
0xc7: {  	_ =	swait.ge [sflag:s9], $0x2800  }
0xc8: {  	[sflag:s9] =	ssyncset.done $0x0  }
0xc9: {  	s26 =	rddreg [dreg:$0xb];
	[sflag:s9] =	ssyncadd.s32 $0xFFFFD800  }
0xca: {  	[hbm4b:s26+s3] =	stream.linear.scatter [tilespmem:s8], [sflag:$0x7], $0x2800, $0x38;
	[tilespmem:$0x19200] =	vst v63  }
0xcb: {  	_ =	swait.ge [sflag:s9], $0x2800  }
0xcc: {  	[sflag:s9] =	ssyncset.done $0x0  }
0xcd: {  	s26 =	smov.u32 s31;
	[sflag:s9] =	ssyncadd.s32 $0xFFFFD800  }
0xce: {  	[tilespmem:s8], [sflag:$0x7] =	stream.linear.gather [spmem:s26], $0x2800, $0x38;
	[tilespmem:$0x19200] =	vst v63  }
0xcf: {  	_ =	swait.ge [sflag:s9], $0x2800  }
0xd0: {  	[sflag:s9] =	ssyncset.done $0x0  }
0xd1: {  	s31 =	smov.u32 s7;
	s7 =	rddreg [dreg:$0xc];
	[sflag:s9] =	ssyncadd.s32 $0xFFFFD800  }
0xd2: {  	[hbm4b:s7+s3] =	stream.linear.scatter [tilespmem:s8], [sflag:$0x7], $0x2800, $0x38;
	[tilespmem:$0x19200] =	vst v63  }
0xd3: {  	_ =	swait.ge [sflag:s9], $0x2800  }
0xd4: {  	[sflag:s9] =	ssyncset.done $0x0  }
0xd5: {  	[sflag:s9] =	ssyncadd.s32 $0xFFFFD800  }
0xd6: {  	[tilespmem:s8], [sflag:$0x7] =	stream.linear.gather [spmem:s0], $0x2800, $0x38;
	[tilespmem:$0x19200] =	vst v63  }
0xd7: {  	_ =	swait.ge [sflag:s9], $0x2800  }
0xd8: {  	[sflag:s9] =	ssyncset.done $0x0  }
0xd9: {  	s28 =	smov.u32 s0;
	s0 =	rddreg [dreg:$0xd];
	[sflag:s9] =	ssyncadd.s32 $0xFFFFD800  }
0xda: {  	[hbm4b:s0+s3] =	stream.linear.scatter [tilespmem:s8], [sflag:$0x7], $0x2800, $0x38;
	[tilespmem:$0x19200] =	vst v63  }
0xdb: {  	_ =	swait.ge [sflag:s9], $0x2800  }
0xdc: {  	[sflag:s9] =	ssyncset.done $0x0  }
0xdd: {  	[sflag:s9] =	ssyncadd.s32 $0xFFFFD800  }
0xde: {  	[tilespmem:s8], [sflag:$0x7] =	stream.linear.gather [spmem:s1], $0x2800, $0x38;
	[tilespmem:$0x19200] =	vst v63  }
0xdf: {  	_ =	swait.ge [sflag:s9], $0x2800  }
0xe0: {  	[sflag:s9] =	ssyncset.done $0x0  }
0xe1: {  	s7 =	rddreg [dreg:$0xe];
	[sflag:s9] =	ssyncadd.s32 $0xFFFFD800  }
0xe2: {  	[hbm4b:s7+s3] =	stream.linear.scatter [tilespmem:s8], [sflag:$0x7], $0x2800, $0x38;
	[tilespmem:$0x19200] =	vst v63  }
0xe3: {  	_ =	swait.ge [sflag:s9], $0x2800  }
0xe4: {  	[sflag:s9] =	ssyncset.done $0x0  }
0xe5: {  	[sflag:s9] =	ssyncadd.s32 $0xFFFFD800  }
0xe6: {  	[tilespmem:s8], [sflag:$0x7] =	stream.linear.gather [spmem:s12], $0x2800, $0x38;
	[tilespmem:$0x19200] =	vst v63  }
0xe7: {  	_ =	swait.ge [sflag:s9], $0x2800  }
0xe8: {  	[sflag:s9] =	ssyncset.done $0x0  }
0xe9: {  	s30 =	smov.u32 s12;
	s12 =	rddreg [dreg:$0xf];
	[sflag:s9] =	ssyncadd.s32 $0xFFFFD800  }
0xea: {  	[hbm4b:s12+s3] =	stream.linear.scatter [tilespmem:s8], [sflag:$0x7], $0x2800, $0x38;
	[tilespmem:$0x19200] =	vst v63  }
0xeb: {  	_ =	swait.ge [sflag:s9], $0x2800  }
0xec: {  	[sflag:s9] =	ssyncset.done $0x0  }
0xed: {  	s12 =	rddreg [dreg:$0x14];
	[sflag:s9] =	ssyncadd.s32 $0xFFFFD800  }
0xee: {  	[tilespmem:s8], [sflag:$0x7] =	stream.linear.gather [spmem:s12], $0x2800, $0x38;
	[tilespmem:$0x19200] =	vst v63  }
0xef: {  	_ =	swait.ge [sflag:s9], $0x2800  }
0xf0: {  	[sflag:s9] =	ssyncset.done $0x0  }
0xf1: {  	s0 =	rddreg [dreg:$0x10];
	[sflag:s9] =	ssyncadd.s32 $0xFFFFD800  }
0xf2: {  	[hbm4b:s0+s3] =	stream.linear.scatter [tilespmem:s8], [sflag:$0x7], $0x2800, $0x38;
	[tilespmem:$0x19200] =	vst v63  }
0xf3: {  	_ =	swait.ge [sflag:s9], $0x2800  }
0xf4: {  	[sflag:s9] =	ssyncset.done $0x0  }
0xf5: {  	s0 =	rddreg [dreg:$0x15];
	[sflag:s9] =	ssyncadd.s32 $0xFFFFD800  }
0xf6: {  	[tilespmem:s8], [sflag:$0x7] =	stream.linear.gather [spmem:s0], $0x2800, $0x38;
	[tilespmem:$0x19200] =	vst v63  }
0xf7: {  	_ =	swait.ge [sflag:s9], $0x2800  }
0xf8: {  	[sflag:s9] =	ssyncset.done $0x0  }
0xf9: {  	s29 =	smov.u32 s1;
	s1 =	rddreg [dreg:$0x11];
	[sflag:s9] =	ssyncadd.s32 $0xFFFFD800  }
0xfa: {  	[hbm4b:s1+s3] =	stream.linear.scatter [tilespmem:s8], [sflag:$0x7], $0x2800, $0x38;
	[tilespmem:$0x19200] =	vst v63  }
0xfb: {  	_ =	swait.ge [sflag:s9], $0x2800  }
0xfc: {  	[sflag:s9] =	ssyncset.done $0x0  }
0xfd: {  	s1 =	rddreg [dreg:$0x16];
	[sflag:s9] =	ssyncadd.s32 $0xFFFFD800  }
0xfe: {  	[tilespmem:s8], [sflag:$0x7] =	stream.linear.gather [spmem:s1], $0x2800, $0x38;
	[tilespmem:$0x19200] =	vst v63  }
0xff: {  	_ =	swait.ge [sflag:s9], $0x2800  }
0x100: {  	[sflag:s9] =	ssyncset.done $0x0  }
0x101: {  	s7 =	rddreg [dreg:$0x12];
	[sflag:s9] =	ssyncadd.s32 $0xFFFFD800  }
0x102: {  	[hbm4b:s7+s3] =	stream.linear.scatter [tilespmem:s8], [sflag:$0x7], $0x2800, $0x38;
	[tilespmem:$0x19200] =	vst v63  }
0x103: {  	_ =	swait.ge [sflag:s9], $0x2800  }
0x104: {  	s14 =	sadd.s32 $0x1, s14;
	s7 =	rddreg [dreg:$0x8]  }
0x105: {  	p0 =	sne.s32 s14, s7  }
.Ltmp1:
0x106: {  	_ = 	snop;
	(pc) =	sbr.rel @p0 .LBB2_1-.Ltmp1, $3  }
0x107: {  	_ =	sdelay $0x1  }
0x108: {  	[sflag:s9] =	ssyncset.done $0x0  }
0x109: {  	[sflag:s9] =	ssyncadd.s32 $0xFFFFD800  }
0x10a: {  	_ =	sfence.sel $0x180000  }
0x10b: {  	[bflag:$0x0] =	sbarrier.arrive $0xFFFF  }
0x10c: {  	_ =	strace $0x90000047  }
0x10d: {  	s0 =	stileid.u32;
	[bflag:$0x2] =	sbarrier.arrive $0xFFFF  }
0x10e: {  	p0 =	sne.s32 s0, $0x0;
	s0 =	rddreg [dreg:$0x2]  }
0x10f: {  	s0 =	sadd.s32 @!p0 $0x100000, s0  }
0x110: {  	[sflag:s0] =	ssyncadd.tile.s32 @!p0 $0x1;
	_ =	shalt  }
.Lfunc_end2:
_tile_overlayer_lowered:
.L_overlay_start_2:
0x111: {  	(tag) =	ssettag $0x2  }
0x112: {  	s0 =	rddreg [dreg:$0x0];
	s2 =	stileid.u32  }
0x113: {  	s1 =	rddreg [dreg:$0x1];
	p0 =	sne.s32 s2, $0x0  }
0x114: {  	s3 =	rddreg [dreg:$0x2];
	[bflag:$0x3] =	sbarrier.arrive $0xFFFF;
	s2 =	simm.s32 @!p0 $0x1C07  }
0x115: {  	[timem:s3], [sflag:s2] =	dma.local @!p0 [hbm:s0], s1  }
0x116: {  	s0 =	simm.s32 @!p0 $0x7  }
0x117: {  	_ =	swait.ge @!p0 [sflag:s0], s1  }
0x118: {  	s1 =	ssub.s32 @!p0 $0x0, s1;
	[sflag:s0] =	ssyncset.done @!p0 $0x0  }
0x119: {  	[sflag:s0] =	ssyncadd.s32 @!p0 s1  }
0x11a: {  	[bflag:$0x3] =	sbarrier.arrive $0xFFFF  }
0x11b: {  	_ =	shalt  }

// kernel: kernel.16.cloned.1.call-start
scs
__scs_entry_jumppad:
0x0: {  	(pc) =	sbr.rel $0x88, $3  }
0x1: {  	(tag) =	ssettag $0x0;
	lr =	simm.s32 $0x1  }
0x2: {  	[smem:$0x3F91] =	sst lr;
	_ =	strace $0xD0000000  }
0x3: {  	_ = 	snop  }
0x4: {  	_ = 	snop  }
0x5: {  	_ = 	snop  }
0x6: {  	_ = 	snop  }
0x7: {  	_ = 	snop  }
__scs_overlays_trampoline_lowered:
0x8: {  	[smem:$0x3FA0] =	sst s0  }
0x9: {  	[smem:$0x3FA1] =	sst s1  }
0xa: {  	[smem:$0x3FA2] =	sst s2  }
0xb: {  	[smem:$0x3FA3] =	sst s3  }
0xc: {  	[smem:$0x3FA4] =	sst s4  }
0xd: {  	[smem:$0x3FA5] =	sst s5  }
0xe: {  	[smem:$0x3FA6] =	sst s6  }
0xf: {  	[smem:$0x3FA7] =	sst s7  }
0x10: {  	[smem:$0x3FA8] =	sst s8  }
0x11: {  	[smem:$0x3FA9] =	sst s9;
	s0 =	simm.s32 @!p0 $0x0  }
0x12: {  	s1 =	sld [smem:$0x3F8F];
	s0 =	simm.s32 @p0 $0x1  }
0x13: {  	[smem:$0x3FAA] =	sst s0;
	s0 =	simm.s32 @!p1 $0x0  }
0x14: {  	s2 =	sld [smem:$0x3F8E];
	s0 =	simm.s32 @p1 $0x1  }
0x15: {  	[smem:$0x3FAB] =	sst s0;
	s0 =	simm.s32 @!p2 $0x0  }
0x16: {  	s3 =	sld [smem:$0x3FDB];
	s0 =	simm.s32 @p2 $0x1  }
0x17: {  	s4 =	simm.s32 $0x1BF5;
	[smem:$0x3FAD] =	sst s0  }
0x18: {  	s0 =	sld [smem:$0x3F90];
	_ =	swait.ge [sflag:s4], $0x0  }
0x19: {  	s7 =	sld [smem:$0x3F91]  }
0x1a: {  	s8 =	sadd.s32 $0xFFFFE003, lr  }
0x1b: {  	s9 =	sadd.s32 $0xFFFFFEF7, lr;
	s5 =	simm.s32 $0xFFFFFFFF;
	p2 =	slt.u32 s8, $0xFFFFF086  }
0x1c: {  	p1 =	slt.u32 s9, $0xF7A;
	s5 =	simm.s32 @!p2 $0x0  }
0x1d: {  	s5 =	simm.s32 @p1 $0x1;
	p0 =	seq.s32 s7, s2  }
0x1e: {  	s7 =	smul.u32 @!p0 $0xF7A, s2;
	p2 =	seq.s32 @!p0 s5, $0x0  }
0x1f: {  	s9 =	smul.u32 $0xF7A, s1;
	s8 =	simm.s32 @!p0 $0x1BF5;
	p2 =	por !p2, p0  }
0x20: {  	[sflag:s8] =	ssyncset.s32 @!p0 $0xFFFFF086;
	s6 =	sadd.s32 @!p0 s3, s7;
	s7 =	simm.s32 @!p0 $0x108  }
0x21: {  	s3 =	sadd.s32 s3, s9;
	s6 =	sadd.s32 @!p0 $0x88, s6;
	s7 =	simm.s32 @p2 $0x1082  }
0x22: {  	[simem:s7], [sflag:s8] =	dma.local @!p0 [hbm:s6], $0xF7A  }
0x23: {  	s9 =	sor.u32 $0xD0000000, s2;
	s6 =	simm.s32 $0x108;
	_ =	swait.ge @!p0 [sflag:s8], $0x0  }
0x24: {  	s3 =	sadd.s32 $0x88, s3;
	s6 =	simm.s32 @!p1 $0x1082;
	[sflag:s4] =	ssyncset.s32 $0xFFFFF086  }
0x25: {  	[simem:s6], [sflag:s4] =	dma.local [hbm:s3], $0xF7A  }
0x26: {  	[smem:$0x3F91] =	sst s1;
	(tag) =	ssettag s2;
	_ =	strace s9  }
0x27: {  	s1 =	sld [smem:$0x3FA1]  }
0x28: {  	s2 =	sld [smem:$0x3FA2]  }
0x29: {  	s4 =	sld [smem:$0x3FA4]  }
0x2a: {  	p0 =	seq.s32 s5, $0x0;
	s5 =	sld [smem:$0x3FA5]  }
0x2b: {  	s6 =	sld [smem:$0x3FA6]  }
0x2c: {  	s7 =	sld [smem:$0x3FA7]  }
0x2d: {  	s3 =	simm.s32 $0x108;
	s8 =	sld [smem:$0x3FA8]  }
0x2e: {  	s3 =	simm.s32 @!p0 $0x1082;
	s9 =	sld [smem:$0x3FA9]  }
0x2f: {  	lr =	sadd.s32 s0, s3;
	s0 =	sld [smem:$0x3FA0]  }
0x30: {  	s3 =	sld [smem:$0x3FA3]  }
0x31: {  	[smem:$0x3FAC] =	sst s10  }
0x32: {  	s10 =	sld [smem:$0x3FAA];
	_ =	sdelay $0x3  }
0x33: {  	p0 =	seq.s32 s10, $0x1;
	s10 =	sld [smem:$0x3FAC];
	_ =	sdelay $0x3  }
0x34: {  	[smem:$0x3FAC] =	sst s10  }
0x35: {  	s10 =	sld [smem:$0x3FAB];
	_ =	sdelay $0x3  }
0x36: {  	p1 =	seq.s32 s10, $0x1;
	s10 =	sld [smem:$0x3FAC];
	_ =	sdelay $0x3  }
0x37: {  	[smem:$0x3FAC] =	sst s10  }
0x38: {  	s10 =	sld [smem:$0x3FAD]  }
0x39: {  	_ = 	snop;
	(pc) =	sbr.ind lr, $3  }
0x3a: {  	_ = 	snop  }
0x3b: {  	_ = 	snop  }
0x3c: {  	p2 =	seq.s32 s10, $0x1;
	s10 =	sld [smem:$0x3FAC]  }
0x3d: {  	_ =	shalt  }
0x3e: {  	_ =	shalt  }
0x3f: {  	_ =	shalt  }
0x40: {  	_ =	shalt  }
0x41: {  	_ =	shalt  }
0x42: {  	_ =	shalt  }
0x43: {  	_ =	shalt  }
0x44: {  	_ =	shalt  }
0x45: {  	_ =	shalt  }
0x46: {  	_ =	shalt  }
0x47: {  	_ =	shalt  }
0x48: {  	_ =	shalt  }
0x49: {  	_ =	shalt  }
0x4a: {  	_ =	shalt  }
0x4b: {  	_ =	shalt  }
0x4c: {  	_ =	shalt  }
0x4d: {  	_ =	shalt  }
0x4e: {  	_ =	shalt  }
0x4f: {  	_ =	shalt  }
0x50: {  	_ =	shalt  }
0x51: {  	_ =	shalt  }
0x52: {  	_ =	shalt  }
0x53: {  	_ =	shalt  }
0x54: {  	_ =	shalt  }
0x55: {  	_ =	shalt  }
0x56: {  	_ =	shalt  }
0x57: {  	_ =	shalt  }
0x58: {  	_ =	shalt  }
0x59: {  	_ =	shalt  }
0x5a: {  	_ =	shalt  }
0x5b: {  	_ =	shalt  }
0x5c: {  	_ =	shalt  }
0x5d: {  	_ =	shalt  }
0x5e: {  	_ =	shalt  }
0x5f: {  	_ =	shalt  }
0x60: {  	_ =	shalt  }
0x61: {  	_ =	shalt  }
0x62: {  	_ =	shalt  }
0x63: {  	_ =	shalt  }
0x64: {  	_ =	shalt  }
0x65: {  	_ =	shalt  }
0x66: {  	_ =	shalt  }
0x67: {  	_ =	shalt  }
0x68: {  	_ =	shalt  }
0x69: {  	_ =	shalt  }
0x6a: {  	_ =	shalt  }
0x6b: {  	_ =	shalt  }
0x6c: {  	_ =	shalt  }
0x6d: {  	_ =	shalt  }
0x6e: {  	_ =	shalt  }
0x6f: {  	_ =	shalt  }
0x70: {  	_ =	shalt  }
0x71: {  	_ =	shalt  }
0x72: {  	_ =	shalt  }
0x73: {  	_ =	shalt  }
0x74: {  	_ =	shalt  }
0x75: {  	_ =	shalt  }
0x76: {  	_ =	shalt  }
0x77: {  	_ =	shalt  }
0x78: {  	_ =	shalt  }
0x79: {  	_ =	shalt  }
0x7a: {  	_ =	shalt  }
0x7b: {  	_ =	shalt  }
0x7c: {  	_ =	shalt  }
0x7d: {  	_ =	shalt  }
0x7e: {  	_ =	shalt  }
0x7f: {  	_ =	shalt  }
0x80: {  	_ =	shalt  }
0x81: {  	_ =	shalt  }
0x82: {  	_ =	shalt  }
0x83: {  	_ =	shalt  }
0x84: {  	_ =	shalt  }
0x85: {  	_ =	shalt  }
0x86: {  	_ =	shalt  }
0x87: {  	_ =	shalt  }
.Lfunc_end0:
.L_simem_size_0:
called_computation.2_lowered:
.L_overlay_start_0:
0x88: {  	s2 =	sld [smem:$0x3FD9]  }
0x89: {  	s3 =	sld [smem:$0x3FFE];
	_ =	sdelay $0x1  }
0x8a: {  	s1 =	srdreg.scid  }
0x8b: {  	s0 =	sand.u32 $0x1, s1  }
0x8c: {  	s16 =	sshll.u32 s0, $0xA;
	s2 =	sadd.s32 s3, s2  }
0x8d: {  	s2 =	sadd.s32 s2, s16  }
0x8e: {  	[smem:$0x3FB8] =	sst s2  }
0x8f: {  	_ = 	snop  }
0x90: {  	(tm) =	ssettm $0x1  }
0x91: {  	s17 =	sld [smem:$0x3FFB];
	_ =	sdelay $0x3  }
0x92: {  	_ =	strace s17  }
0x93: {  	s2 =	sld [smem:$0x3FFC];
	_ =	sdelay $0x3  }
0x94: {  	_ =	strace s2  }
0x95: {  	s2 =	sld [smem:$0x3FFD];
	_ =	sdelay $0x3  }
0x96: {  	_ =	strace s2  }
0x97: {  	_ =	strace $0x8FFFFFFF  }
0x98: {  	s18 =	sld [smem:$0x3FDB];
	_ =	sdelay $0x1  }
0x99: {  	s19 =	simm.s32 $_scs_section_size  }
0x9a: {  	s4 =	simm.s32 $_size__tile_overlayer_lowered;
	s5 =	simm.s32 $_tile_overlayer_lowered  }
0x9b: {  	s22 =	simm.s32 $0x1BFF;
	s21 =	sshll.u32 s5, $0x1;
	s2 =	sadd.s32 s19, s18  }
0x9c: {  	s6 =	simm.s32 $0x0;
	s20 =	sshll.u32 s4, $0x1;
	s4 =	sadd.s32 s21, s2  }
0x9d: {  	[timem:s6], [sflag:s22] =	dma.local [hbm:s4], s20  }
0x9e: {  	_ =	swait.ge [sflag:s22], s20  }
0x9f: {  	s3 =	ssub.s32 $0x0, s20;
	[sflag:s22] =	ssyncset.done $0x0  }
0xa0: {  	[sflag:s22] =	ssyncadd.s32 s3;
	_ =	sdelay $0x1  }
0xa1: {  	s23 =	simm.s32 $0x1B8B  }
0xa2: {  	_ =	swait.ge [sflag:s23], $0x1  }
0xa3: {  	[sflag:s23] =	ssyncset.done $0x0  }
0xa4: {  	s25 =	simm.s32 $0x1B8E;
	s24 =	sld [smem:$0x3FFE];
	[sflag:s23] =	ssyncadd.s32 $0xFFFFFFFF  }
0xa5: {  	s26 =	simm.s32 $execute0_lowered;
	[smem:$0x3FD2] =	sst s25  }
0xa6: {  	s4 =	sshll.u32 s26, $0x1;
	_ =	strace $0x8000004C;
	[dreg:$0x1] =	wrdreg $0xFFFFFFFF  }
0xa7: {  	s28 =	simm.s32 $_size_execute0_lowered;
	s2 =	sadd.s32 s2, s4;
	[dreg:$0x0] =	wrdreg $0x0  }
0xa8: {  	s4 =	sshll.u32 s28, $0x1;
	[dreg:$0x2] =	wrdreg s2  }
0xa9: {  	[dreg:$0x3] =	wrdreg s4  }
0xaa: {  	[dreg:$0x4] =	wrdreg $0xC0  }
0xab: {  	_ =	task [dreg:s6], $0x5FFFF  }
0xac: {  	[dreg:$0x1] =	wrdreg $0xFFFFFFFF  }
0xad: {  	[dreg:$0x0] =	wrdreg $0x60  }
0xae: {  	[dreg:$0x2] =	wrdreg s24  }
0xaf: {  	[dreg:$0x3] =	wrdreg $0x52000  }
0xb0: {  	[dreg:$0x4] =	wrdreg $0x9  }
0xb1: {  	_ =	task.clear_ibuf [dreg:s6], $0x5FFFF;
	_ =	strace $0x9000004C  }
0xb2: {  	s29 =	simm.s32 $0x9;
	_ =	strace $0x8000004E  }
0xb3: {  	_ =	swait.ge [sflag:s29], $0x1  }
0xb4: {  	[sflag:s29] =	ssyncadd.s32 $0xFFFFFFFF  }
0xb5: {  	_ =	strace $0x9000004E  }
0xb6: {  	_ =	sfence  }
0xb7: {  	s30 =	sld [smem:$0x0];
	_ =	sdelay $0x2  }
0xb8: {  	s31 =	sshll.u32 s1, $0xD;
	s1 =	sshrl.u32 s1, $0x2  }
0xb9: {  	s3 =	sand.u32 $0x4000, s31;
	s1 =	sadd.s32 s1, s30  }
0xba: {  	s0 =	sor.u32 s3, s0;
	s1 =	sshll.u32 s1, $0x11  }
0xbb: {  	s0 =	sor.u32 s1, s0  }
0xbc: {  	s0 =	sadd.s32 $0x8F2B, s0  }
0xbd: {  	[sflag:s0] =	ssyncadd.remote.s32 $0x1  }
0xbe: {  	_ =	sfence.sel $0xFFFF  }
0xbf: {  	[dreg:$0x0] =	wrdreg $0xFFFFFFFF;
	(pc) =	sbr.abs _section_cstart, $3  }
0xc0: {  	[dreg:$0x1] =	wrdreg $0xFFFFFFFF  }
0xc1: {  	_ =	task.clear_ibuf [dreg:s6], $0x2FFFF;
	_ =	strace $0x9FFFFFFF  }
0xc2: {  	(tm) =	ssettm $0x7FFFFFFF  }
0xc3: {  	_ =	shalt  }
tec
execute0_lowered:
.L_overlay_start_1:
0x0: {  	(tag) =	ssettag $0x1  }
0x1: {  	s0 =	rddreg [dreg:$0x0]  }
0x2: {  	s2 =	rddreg [dreg:$0x1];
	s3 =	simm.s32 $0x0;
	s1 =	srdreg.scid  }
0x3: {  	s11 =	stileid.u32;
	[smem:$0x7FF] =	sst s3  }
0x4: {  	s1 =	sand.u32 $0x1, s1;
	s7 =	smul.u32 $0x280, s11;
	s4 =	sadd.s32 $0x16600, s0  }
0x5: {  	s5 =	sadd.s32 $0xC800, s0;
	s9 =	sshll.u32 s11, $0x1;
	s25 =	smul.u32 $0x50000, s11  }
0x6: {  	s6 =	sadd.s32 $0x2A00, s0;
	s10 =	sadd.s32 $0x3D800, s0;
	s14 =	smul.u32 $0x4E20, s11  }
0x7: {  	s11 =	simm.s32 $0x1;
	_ =	strace $0x8000004D;
	s8 =	smul.u32 $0x2800, s1  }
0x8: {  	s22 =	sor.u32 s1, s9;
	s23 =	ssub.s32 $0x2, s1;
	[dreg:$0x3] =	wrdreg s10  }
0x9: {  	s1 =	smul.u32 $0x2710, s1;
	s24 =	sshrl.u32 s23, $0x1;
	s9 =	sshrl.u32 s25, $0x2  }
0xa: {  	s7 =	sadd.s32 s8, s7;
	s8 =	smul.u32 $0x2710, s22;
	s31 =	sadd.s32 s9, s2  }
0xb: {  	s1 =	sadd.s32 s1, s14;
	s9 =	simm.s32 $0x7;
	s14 =	simm.s32 $0x0  }
0xc: {  	s7 =	sshll.u32 s7, $0x4;
	s28 =	sadd.s32 $0x5000, s31;
	s8 =	sshrl.u32 s8, $0x3  }
0xd: {  	s29 =	sadd.s32 $0x7800, s31;
	s0 =	sadd.s32 s7, s0;
	s26 =	sadd.s32 s5, s8  }
0xe: {  	s7 =	ssub.s32 s23, s24;
	s12 =	sadd.s32 s6, s8;
	[dreg:$0x4] =	wrdreg s26  }
0xf: {  	s30 =	sadd.s32 $0xA000, s31;
	s7 =	smax.u32 s7, $0x1;
	[dreg:$0x5] =	wrdreg s12  }
0x10: {  	s23 =	sadd.s32 $0xF0, s1;
	s17 =	sadd.s32 $0x3DE00, s0;
	[dreg:$0x8] =	wrdreg s7  }
0x11: {  	s13 =	sadd.s32 $0xA, s8;
	s18 =	sadd.s32 $0x3E300, s0;
	[dreg:$0xb] =	wrdreg s17  }
0x12: {  	s8 =	sadd.s32 $0x4D8, s8;
	s19 =	sadd.s32 $0x3E800, s0;
	[dreg:$0xc] =	wrdreg s18  }
0x13: {  	s20 =	sadd.s32 $0x3ED00, s0;
	s21 =	sadd.s32 $0x3F200, s0;
	[dreg:$0xd] =	wrdreg s19  }
0x14: {  	s22 =	sadd.s32 $0x3F700, s0;
	s24 =	sadd.s32 $0x3FC00, s0;
	[dreg:$0xe] =	wrdreg s20  }
0x15: {  	s0 =	sadd.s32 $0x40100, s0;
	s25 =	sshrl.u32 s23, $0x3;
	[dreg:$0xf] =	wrdreg s21  }
0x16: {  	s23 =	simm.s32 $0x4;
	s12 =	sadd.s32 s5, s13;
	[dreg:$0x10] =	wrdreg s22  }
0x17: {  	s10 =	sadd.s32 s6, s13;
	s15 =	sadd.s32 s5, s8;
	[dreg:$0x11] =	wrdreg s24  }
0x18: {  	s16 =	sadd.s32 s6, s8;
	[dreg:$0x12] =	wrdreg s0;
	s24 =	sadd.s32 s25, s6  }
0x19: {  	s25 =	sadd.s32 s25, s5;
	s26 =	sadd.s32 $0xA0, s1;
	[dreg:$0x6] =	wrdreg s12  }
0x1a: {  	s0 =	sadd.s32 $0xF000, s31;
	s1 =	sadd.s32 $0x11800, s31;
	[dreg:$0x7] =	wrdreg s10  }
0x1b: {  	s8 =	simm.s32 $0x200;
	s13 =	simm.s32 $0x50;
	[dreg:$0x9] =	wrdreg s15  }
0x1c: {  	s17 =	simm.s32 $0x180;
	s18 =	simm.s32 $0x2;
	[dreg:$0xa] =	wrdreg s16  }
0x1d: {  	s19 =	simm.s32 $0x2A00;
	s20 =	simm.s32 $0x5;
	[dreg:$0x13] =	wrdreg s26  }
0x1e: {  	s21 =	simm.s32 $0x3;
	s22 =	simm.s32 $0x6;
	[dreg:$0x15] =	wrdreg s0  }
0x1f: {  	s26 =	sadd.s32 $0x2800, s31;
	s12 =	sadd.s32 $0xC800, s31;
	[dreg:$0x16] =	wrdreg s1  }
0x20: {  	s10 =	simm.s32 $0x100;
	s16 =	simm.s32 $0x80;
	[dreg:$0x14] =	wrdreg s12  }
.LBB2_1:
0x21: {  	s15 =	rddreg [dreg:$0x3]  }
0x22: {  	[tilespmem:s8], [sflag:$0x7] =	stream.linear.gather [hbm4b:s15+s3], $0x2800, $0x38;
	[tilespmem:$0x19200] =	vst v63  }
0x23: {  	_ =	swait.ge [sflag:s9], $0x2800  }
0x24: {  	[sflag:s9] =	ssyncset.done $0x0  }
0x25: {  	[sflag:s9] =	ssyncadd.s32 $0xFFFFD800  }
0x26: {  	[spmem:s31] =	stream.linear.scatter [tilespmem:s8], [sflag:$0x7], $0x2800, $0x38;
	[tilespmem:$0x19200] =	vst v63  }
0x27: {  	_ =	swait.ge [sflag:s9], $0x2800  }
0x28: {  	[sflag:s9] =	ssyncset.done $0x0  }
0x29: {  	[sflag:s9] =	ssyncadd.s32 $0xFFFFD800  }
0x2a: {  	[spmem:s26] =	stream.linear.scatter [tilespmem:s8], [sflag:$0x7], $0x2800, $0x38;
	[tilespmem:$0x19200] =	vst v63  }
0x2b: {  	_ =	swait.ge [sflag:s9], $0x2800  }
0x2c: {  	[sflag:s9] =	ssyncset.done $0x0  }
0x2d: {  	[sflag:s9] =	ssyncadd.s32 $0xFFFFD800  }
0x2e: {  	[spmem:s28] =	stream.linear.scatter [tilespmem:s8], [sflag:$0x7], $0x2800, $0x38;
	[tilespmem:$0x19200] =	vst v63  }
0x2f: {  	_ =	swait.ge [sflag:s9], $0x2800  }
0x30: {  	[sflag:s9] =	ssyncset.done $0x0  }
0x31: {  	[sflag:s9] =	ssyncadd.s32 $0xFFFFD800  }
0x32: {  	[spmem:s29] =	stream.linear.scatter [tilespmem:s8], [sflag:$0x7], $0x2800, $0x38;
	[tilespmem:$0x19200] =	vst v63  }
0x33: {  	_ =	swait.ge [sflag:s9], $0x2800  }
0x34: {  	[sflag:s9] =	ssyncset.done $0x0  }
0x35: {  	[sflag:s9] =	ssyncadd.s32 $0xFFFFD800  }
0x36: {  	[spmem:s30] =	stream.linear.scatter [tilespmem:s8], [sflag:$0x7], $0x2800, $0x38;
	[tilespmem:$0x19200] =	vst v63  }
0x37: {  	_ =	swait.ge [sflag:s9], $0x2800  }
0x38: {  	[sflag:s9] =	ssyncset.done $0x0  }
0x39: {  	s15 =	smov.u32 s12;
	[sflag:s9] =	ssyncadd.s32 $0xFFFFD800  }
0x3a: {  	[spmem:s15] =	stream.linear.scatter [tilespmem:s8], [sflag:$0x7], $0x2800, $0x38;
	[tilespmem:$0x19200] =	vst v63  }
0x3b: {  	_ =	swait.ge [sflag:s9], $0x2800  }
0x3c: {  	s7 =	smov.u32 s31;
	[sflag:s9] =	ssyncset.done $0x0  }
0x3d: {  	s31 =	smov.u32 s26;
	s26 =	smov.u32 s0;
	[sflag:s9] =	ssyncadd.s32 $0xFFFFD800  }
0x3e: {  	[spmem:s26] =	stream.linear.scatter [tilespmem:s8], [sflag:$0x7], $0x2800, $0x38;
	[tilespmem:$0x19200] =	vst v63  }
0x3f: {  	_ =	swait.ge [sflag:s9], $0x2800  }
0x40: {  	[sflag:s9] =	ssyncset.done $0x0  }
0x41: {  	s0 =	smov.u32 s28;
	s28 =	smov.u32 s1;
	[sflag:s9] =	ssyncadd.s32 $0xFFFFD800  }
0x42: {  	[spmem:s28] =	stream.linear.scatter [tilespmem:s8], [sflag:$0x7], $0x2800, $0x38;
	[tilespmem:$0x19200] =	vst v63  }
0x43: {  	_ =	swait.ge [sflag:s9], $0x2800  }
0x44: {  	[sflag:s9] =	ssyncset.done $0x0  }
0x45: {  	[sflag:s9] =	ssyncadd.s32 $0xFFFFD800  }
0x46: {  	[bflag:$0x0] =	sbarrier.arrive $0xFFFF  }
0x47: {  	s1 =	smov.u32 s29;
	s29 =	rddreg [dreg:$0x4]  }
0x48: {  	[tilespmem:s3], [sflag:$0x1] =	stream.linear.gather [hbm4b:s29+s3], $0x50, $0x38;
	[tilespmem:$0x19200] =	vst v63  }
0x49: {  	s12 =	smov.u32 s30;
	s30 =	rddreg [dreg:$0x5]  }
0x4a: {  	[tilespmem:s10], [sflag:$0x3] =	stream.linear.gather [hbm4b:s30+s3], $0x50, $0x38;
	[tilespmem:$0x19200] =	vst v63  }
0x4b: {  	_ =	swait.ge [sflag:s11], $0x50  }
0x4c: {  	[sflag:s11] =	ssyncset.done $0x0  }
0x4d: {  	[sflag:s11] =	ssyncadd.s32 $0xFFFFFFB0  }
0x4e: {  	[tilespmem:s8], [sflag:$0x5] =	stream.indirect.gather [hbm4b:s4+s13], $0x80, s3, s13, $0xb8;
	[tilespmem:$0x19200] =	vst v63  }
0x4f: {  	s26 =	rddreg [dreg:$0x6]  }
0x50: {  	[tilespmem:s16], [sflag:$0x2] =	stream.linear.gather [hbm4b:s26+s3], $0x50, $0x38;
	[tilespmem:$0x19200] =	vst v63  }
0x51: {  	s29 =	rddreg [dreg:$0x7]  }
0x52: {  	[tilespmem:s17], [sflag:$0x4] =	stream.linear.gather [hbm4b:s29+s3], $0x50, $0x38;
	[tilespmem:$0x19200] =	vst v63  }
0x53: {  	_ =	swait.ge [sflag:s18], $0x50  }
0x54: {  	[sflag:s18] =	ssyncset.done $0x0  }
0x55: {  	[sflag:s18] =	ssyncadd.s32 $0xFFFFFFB0  }
0x56: {  	[tilespmem:s19], [sflag:$0x6] =	stream.indirect.gather [hbm4b:s4+s13], $0x80, s16, s13, $0xb8;
	[tilespmem:$0x19200] =	vst v63  }
0x57: {  	_ =	swait.ge [sflag:s20], $0x2800  }
0x58: {  	s29 =	rddreg [dreg:$0x13]  }
0x59: {  	[sflag:s20] =	ssyncset.done $0x0;
	s15 =	sshrl.u32 s29, $0x3  }
0x5a: {  	[sflag:s20] =	ssyncadd.s32 $0xFFFFD800;
	s30 =	sadd.s32 s5, s15  }
0x5b: {  	[tilespmem:s3], [sflag:$0x1] =	stream.linear.gather [hbm4b:s30+s3], $0x50, $0x38;
	[tilespmem:$0x19200] =	vst v63  }
0x5c: {  	_ =	swait.ge [sflag:s21], $0x50  }
0x5d: {  	[sflag:s21] =	ssyncset.done $0x0  }
0x5e: {  	[sflag:s21] =	ssyncadd.s32 $0xFFFFFFB0  }
0x5f: {  	[spmem:s2] =	stream.indirect.scatter.add.f32 [tilespmem:s8], [sflag:$0x7], $0x80, s10, s13, $0xb8;
	[tilespmem:$0x19200] =	vst v63  }
0x60: {  	_ =	swait.ge [sflag:s9], $0x2800  }
0x61: {  	[sflag:s9] =	ssyncset.done $0x0  }
0x62: {  	s15 =	sadd.s32 s6, s15;
	[sflag:s9] =	ssyncadd.s32 $0xFFFFD800  }
0x63: {  	[tilespmem:s10], [sflag:$0x3] =	stream.linear.gather [hbm4b:s15+s3], $0x50, $0x38;
	[tilespmem:$0x19200] =	vst v63  }
0x64: {  	_ =	swait.ge [sflag:s11], $0x50  }
0x65: {  	[sflag:s11] =	ssyncset.done $0x0  }
0x66: {  	[sflag:s11] =	ssyncadd.s32 $0xFFFFFFB0  }
0x67: {  	[tilespmem:s8], [sflag:$0x5] =	stream.indirect.gather [hbm4b:s4+s13], $0x80, s3, s13, $0xb8;
	[tilespmem:$0x19200] =	vst v63  }
0x68: {  	_ =	swait.ge [sflag:s22], $0x2800  }
0x69: {  	[sflag:s22] =	ssyncset.done $0x0  }
0x6a: {  	s30 =	sadd.s32 $0x0, s25;
	[sflag:s22] =	ssyncadd.s32 $0xFFFFD800  }
0x6b: {  	[tilespmem:s16], [sflag:$0x2] =	stream.linear.gather [hbm4b:s30+s3], $0x50, $0x38;
	[tilespmem:$0x19200] =	vst v63  }
0x6c: {  	_ =	swait.ge [sflag:s23], $0x50  }
0x6d: {  	[sflag:s23] =	ssyncset.done $0x0  }
0x6e: {  	[sflag:s23] =	ssyncadd.s32 $0xFFFFFFB0  }
0x6f: {  	[spmem:s2] =	stream.indirect.scatter.add.f32 [tilespmem:s19], [sflag:$0x7], $0x80, s17, s13, $0xb8;
	[tilespmem:$0x19200] =	vst v63  }
0x70: {  	_ =	swait.ge [sflag:s9], $0x2800  }
0x71: {  	s28 =	sadd.s32 $0x0, s24;
	[sflag:s9] =	ssyncset.done $0x0  }
0x72: {  	s26 =	sadd.s32 $0xA0, s29;
	s15 =	simm.s32 $0x14;
	[sflag:s9] =	ssyncadd.s32 $0xFFFFD800  }
.LBB2_2:
0x73: {  	[tilespmem:s17], [sflag:$0x4] =	stream.linear.gather [hbm4b:s28+s3], $0x50, $0x38;
	[tilespmem:$0x19200] =	vst v63  }
0x74: {  	s28 =	smov.u32 s15  }
0x75: {  	p0 =	sne.s32 s15, $0x4B0;
	s15 =	sadd.s32 $0x14, s15;
	_ =	swait.ge [sflag:s18], $0x50  }
0x76: {  	[sflag:s18] =	ssyncset.done $0x0  }
0x77: {  	[sflag:s18] =	ssyncadd.s32 $0xFFFFFFB0  }
0x78: {  	[tilespmem:s19], [sflag:$0x6] =	stream.indirect.gather [hbm4b:s4+s13], $0x80, s16, s13, $0xb8;
	[tilespmem:$0x19200] =	vst v63  }
0x79: {  	_ =	swait.ge [sflag:s20], $0x2800  }
0x7a: {  	s29 =	sshrl.u32 s26, $0x3;
	[sflag:s20] =	ssyncset.done $0x0  }
0x7b: {  	s30 =	sadd.s32 s5, s29;
	[sflag:s20] =	ssyncadd.s32 $0xFFFFD800  }
0x7c: {  	[tilespmem:s3], [sflag:$0x1] =	stream.linear.gather [hbm4b:s30+s3], $0x50, $0x38;
	[tilespmem:$0x19200] =	vst v63  }
0x7d: {  	_ =	swait.ge [sflag:s21], $0x50  }
0x7e: {  	[sflag:s21] =	ssyncset.done $0x0  }
0x7f: {  	[sflag:s21] =	ssyncadd.s32 $0xFFFFFFB0  }
0x80: {  	[spmem:s2] =	stream.indirect.scatter.add.f32 [tilespmem:s8], [sflag:$0x7], $0x80, s10, s13, $0xb8;
	[tilespmem:$0x19200] =	vst v63  }
0x81: {  	_ =	swait.ge [sflag:s9], $0x2800  }
0x82: {  	[sflag:s9] =	ssyncset.done $0x0  }
0x83: {  	s29 =	sadd.s32 s6, s29;
	[sflag:s9] =	ssyncadd.s32 $0xFFFFD800  }
0x84: {  	[tilespmem:s10], [sflag:$0x3] =	stream.linear.gather [hbm4b:s29+s3], $0x50, $0x38;
	[tilespmem:$0x19200] =	vst v63  }
0x85: {  	_ =	swait.ge [sflag:s11], $0x50  }
0x86: {  	[sflag:s11] =	ssyncset.done $0x0  }
0x87: {  	[sflag:s11] =	ssyncadd.s32 $0xFFFFFFB0  }
0x88: {  	[tilespmem:s8], [sflag:$0x5] =	stream.indirect.gather [hbm4b:s4+s13], $0x80, s3, s13, $0xb8;
	[tilespmem:$0x19200] =	vst v63  }
0x89: {  	_ =	swait.ge [sflag:s22], $0x2800  }
0x8a: {  	[sflag:s22] =	ssyncset.done $0x0  }
0x8b: {  	s29 =	sadd.s32 s28, s25;
	[sflag:s22] =	ssyncadd.s32 $0xFFFFD800  }
0x8c: {  	[tilespmem:s16], [sflag:$0x2] =	stream.linear.gather [hbm4b:s29+s3], $0x50, $0x38;
	[tilespmem:$0x19200] =	vst v63  }
0x8d: {  	_ =	swait.ge [sflag:s23], $0x50  }
0x8e: {  	[sflag:s23] =	ssyncset.done $0x0  }
.Ltmp0:
0x8f: {  	[sflag:s23] =	ssyncadd.s32 $0xFFFFFFB0;
	(pc) =	sbr.rel @p0 .LBB2_2-.Ltmp0, $4  }
0x90: {  	[spmem:s2] =	stream.indirect.scatter.add.f32 [tilespmem:s19], [sflag:$0x7], $0x80, s17, s13, $0xb8;
	[tilespmem:$0x19200] =	vst v63  }
0x91: {  	_ =	swait.ge [sflag:s9], $0x2800  }
0x92: {  	[sflag:s9] =	ssyncset.done $0x0  }
0x93: {  	s26 =	sadd.s32 $0xA0, s26;
	s28 =	sadd.s32 s28, s24;
	[sflag:s9] =	ssyncadd.s32 $0xFFFFD800  }
0x94: {  	[tilespmem:s17], [sflag:$0x4] =	stream.linear.gather [hbm4b:s28+s3], $0x50, $0x38;
	[tilespmem:$0x19200] =	vst v63  }
0x95: {  	_ =	swait.ge [sflag:s18], $0x50  }
0x96: {  	[sflag:s18] =	ssyncset.done $0x0  }
0x97: {  	[sflag:s18] =	ssyncadd.s32 $0xFFFFFFB0  }
0x98: {  	[tilespmem:s19], [sflag:$0x6] =	stream.indirect.gather [hbm4b:s4+s13], $0x80, s16, s13, $0xb8;
	[tilespmem:$0x19200] =	vst v63  }
0x99: {  	_ =	swait.ge [sflag:s20], $0x2800  }
0x9a: {  	[sflag:s20] =	ssyncset.done $0x0  }
0x9b: {  	s15 =	rddreg [dreg:$0x9];
	[sflag:s20] =	ssyncadd.s32 $0xFFFFD800  }
0x9c: {  	[tilespmem:s3], [sflag:$0x1] =	stream.linear.gather [hbm4b:s15+s3], $0x50, $0x38;
	[tilespmem:$0x19200] =	vst v63  }
0x9d: {  	_ =	swait.ge [sflag:s21], $0x50  }
0x9e: {  	[sflag:s21] =	ssyncset.done $0x0  }
0x9f: {  	[sflag:s21] =	ssyncadd.s32 $0xFFFFFFB0  }
0xa0: {  	[spmem:s2] =	stream.indirect.scatter.add.f32 [tilespmem:s8], [sflag:$0x7], $0x80, s10, s13, $0xb8;
	[tilespmem:$0x19200] =	vst v63  }
0xa1: {  	_ =	swait.ge [sflag:s9], $0x2800  }
0xa2: {  	[sflag:s9] =	ssyncset.done $0x0  }
0xa3: {  	s26 =	rddreg [dreg:$0xa];
	[sflag:s9] =	ssyncadd.s32 $0xFFFFD800  }
0xa4: {  	[tilespmem:s10], [sflag:$0x3] =	stream.linear.gather [hbm4b:s26+s3], $0x50, $0x38;
	[tilespmem:$0x19200] =	vst v63  }
0xa5: {  	_ =	swait.ge [sflag:s11], $0x50  }
0xa6: {  	[sflag:s11] =	ssyncset.done $0x0  }
0xa7: {  	[sflag:s11] =	ssyncadd.s32 $0xFFFFFFB0  }
0xa8: {  	[tilespmem:s8], [sflag:$0x5] =	stream.indirect.gather [hbm4b:s4+s13], $0x80, s3, s13, $0xb8;
	[tilespmem:$0x19200] =	vst v63  }
0xa9: {  	_ =	swait.ge [sflag:s22], $0x2800  }
0xaa: {  	[sflag:s22] =	ssyncset.done $0x0  }
0xab: {  	[sflag:s22] =	ssyncadd.s32 $0xFFFFD800  }
0xac: {  	[tilespmem:s16], [sflag:$0x2] =	stream.linear.gather [hbm4b:s15+s3], $0x50, $0x38;
	[tilespmem:$0x19200] =	vst v63  }
0xad: {  	_ =	swait.ge [sflag:s23], $0x50  }
0xae: {  	[sflag:s23] =	ssyncset.done $0x0  }
0xaf: {  	[sflag:s23] =	ssyncadd.s32 $0xFFFFFFB0  }
0xb0: {  	[spmem:s2] =	stream.indirect.scatter.add.f32 [tilespmem:s19], [sflag:$0x7], $0x80, s17, s13, $0xb8;
	[tilespmem:$0x19200] =	vst v63  }
0xb1: {  	_ =	swait.ge [sflag:s9], $0x2800  }
0xb2: {  	[sflag:s9] =	ssyncset.done $0x0  }
0xb3: {  	[sflag:s9] =	ssyncadd.s32 $0xFFFFD800  }
0xb4: {  	[tilespmem:s17], [sflag:$0x4] =	stream.linear.gather [hbm4b:s26+s3], $0x50, $0x38;
	[tilespmem:$0x19200] =	vst v63  }
0xb5: {  	_ =	swait.ge [sflag:s20], $0x2800  }
0xb6: {  	[sflag:s20] =	ssyncset.done $0x0  }
0xb7: {  	[sflag:s20] =	ssyncadd.s32 $0xFFFFD800  }
0xb8: {  	_ =	swait.ge [sflag:s21], $0x50  }
0xb9: {  	[sflag:s21] =	ssyncset.done $0x0  }
0xba: {  	[sflag:s21] =	ssyncadd.s32 $0xFFFFFFB0  }
0xbb: {  	[spmem:s2] =	stream.indirect.scatter.add.f32 [tilespmem:s8], [sflag:$0x7], $0x80, s10, s13, $0xb8;
	[tilespmem:$0x19200] =	vst v63  }
0xbc: {  	_ =	swait.ge [sflag:s9], $0x2800  }
0xbd: {  	[sflag:s9] =	ssyncset.done $0x0  }
0xbe: {  	[sflag:s9] =	ssyncadd.s32 $0xFFFFD800  }
0xbf: {  	_ =	swait.ge [sflag:s18], $0x50  }
0xc0: {  	[sflag:s18] =	ssyncset.done $0x0  }
0xc1: {  	[sflag:s18] =	ssyncadd.s32 $0xFFFFFFB0  }
0xc2: {  	_ =	swait.ge [sflag:s23], $0x50  }
0xc3: {  	[sflag:s23] =	ssyncset.done $0x0  }
0xc4: {  	[sflag:s23] =	ssyncadd.s32 $0xFFFFFFB0  }
0xc5: {  	[bflag:$0x0] =	sbarrier.arrive $0xFFFF  }
0xc6: {  	[tilespmem:s8], [sflag:$0x7] =	stream.linear.gather [spmem:s7], $0x2800, $0x38;
	[tilespmem:$0x19200] =	vst v63  }
0xc7: {  	_ =	swait.ge [sflag:s9], $0x2800  }
0xc8: {  	[sflag:s9] =	ssyncset.done $0x0  }
0xc9: {  	s26 =	rddreg [dreg:$0xb];
	[sflag:s9] =	ssyncadd.s32 $0xFFFFD800  }
0xca: {  	[hbm4b:s26+s3] =	stream.linear.scatter [tilespmem:s8], [sflag:$0x7], $0x2800, $0x38;
	[tilespmem:$0x19200] =	vst v63  }
0xcb: {  	_ =	swait.ge [sflag:s9], $0x2800  }
0xcc: {  	[sflag:s9] =	ssyncset.done $0x0  }
0xcd: {  	s26 =	smov.u32 s31;
	[sflag:s9] =	ssyncadd.s32 $0xFFFFD800  }
0xce: {  	[tilespmem:s8], [sflag:$0x7] =	stream.linear.gather [spmem:s26], $0x2800, $0x38;
	[tilespmem:$0x19200] =	vst v63  }
0xcf: {  	_ =	swait.ge [sflag:s9], $0x2800  }
0xd0: {  	[sflag:s9] =	ssyncset.done $0x0  }
0xd1: {  	s31 =	smov.u32 s7;
	s7 =	rddreg [dreg:$0xc];
	[sflag:s9] =	ssyncadd.s32 $0xFFFFD800  }
0xd2: {  	[hbm4b:s7+s3] =	stream.linear.scatter [tilespmem:s8], [sflag:$0x7], $0x2800, $0x38;
	[tilespmem:$0x19200] =	vst v63  }
0xd3: {  	_ =	swait.ge [sflag:s9], $0x2800  }
0xd4: {  	[sflag:s9] =	ssyncset.done $0x0  }
0xd5: {  	[sflag:s9] =	ssyncadd.s32 $0xFFFFD800  }
0xd6: {  	[tilespmem:s8], [sflag:$0x7] =	stream.linear.gather [spmem:s0], $0x2800, $0x38;
	[tilespmem:$0x19200] =	vst v63  }
0xd7: {  	_ =	swait.ge [sflag:s9], $0x2800  }
0xd8: {  	[sflag:s9] =	ssyncset.done $0x0  }
0xd9: {  	s28 =	smov.u32 s0;
	s0 =	rddreg [dreg:$0xd];
	[sflag:s9] =	ssyncadd.s32 $0xFFFFD800  }
0xda: {  	[hbm4b:s0+s3] =	stream.linear.scatter [tilespmem:s8], [sflag:$0x7], $0x2800, $0x38;
	[tilespmem:$0x19200] =	vst v63  }
0xdb: {  	_ =	swait.ge [sflag:s9], $0x2800  }
0xdc: {  	[sflag:s9] =	ssyncset.done $0x0  }
0xdd: {  	[sflag:s9] =	ssyncadd.s32 $0xFFFFD800  }
0xde: {  	[tilespmem:s8], [sflag:$0x7] =	stream.linear.gather [spmem:s1], $0x2800, $0x38;
	[tilespmem:$0x19200] =	vst v63  }
0xdf: {  	_ =	swait.ge [sflag:s9], $0x2800  }
0xe0: {  	[sflag:s9] =	ssyncset.done $0x0  }
0xe1: {  	s7 =	rddreg [dreg:$0xe];
	[sflag:s9] =	ssyncadd.s32 $0xFFFFD800  }
0xe2: {  	[hbm4b:s7+s3] =	stream.linear.scatter [tilespmem:s8], [sflag:$0x7], $0x2800, $0x38;
	[tilespmem:$0x19200] =	vst v63  }
0xe3: {  	_ =	swait.ge [sflag:s9], $0x2800  }
0xe4: {  	[sflag:s9] =	ssyncset.done $0x0  }
0xe5: {  	[sflag:s9] =	ssyncadd.s32 $0xFFFFD800  }
0xe6: {  	[tilespmem:s8], [sflag:$0x7] =	stream.linear.gather [spmem:s12], $0x2800, $0x38;
	[tilespmem:$0x19200] =	vst v63  }
0xe7: {  	_ =	swait.ge [sflag:s9], $0x2800  }
0xe8: {  	[sflag:s9] =	ssyncset.done $0x0  }
0xe9: {  	s30 =	smov.u32 s12;
	s12 =	rddreg [dreg:$0xf];
	[sflag:s9] =	ssyncadd.s32 $0xFFFFD800  }
0xea: {  	[hbm4b:s12+s3] =	stream.linear.scatter [tilespmem:s8], [sflag:$0x7], $0x2800, $0x38;
	[tilespmem:$0x19200] =	vst v63  }
0xeb: {  	_ =	swait.ge [sflag:s9], $0x2800  }
0xec: {  	[sflag:s9] =	ssyncset.done $0x0  }
0xed: {  	s12 =	rddreg [dreg:$0x14];
	[sflag:s9] =	ssyncadd.s32 $0xFFFFD800  }
0xee: {  	[tilespmem:s8], [sflag:$0x7] =	stream.linear.gather [spmem:s12], $0x2800, $0x38;
	[tilespmem:$0x19200] =	vst v63  }
0xef: {  	_ =	swait.ge [sflag:s9], $0x2800  }
0xf0: {  	[sflag:s9] =	ssyncset.done $0x0  }
0xf1: {  	s0 =	rddreg [dreg:$0x10];
	[sflag:s9] =	ssyncadd.s32 $0xFFFFD800  }
0xf2: {  	[hbm4b:s0+s3] =	stream.linear.scatter [tilespmem:s8], [sflag:$0x7], $0x2800, $0x38;
	[tilespmem:$0x19200] =	vst v63  }
0xf3: {  	_ =	swait.ge [sflag:s9], $0x2800  }
0xf4: {  	[sflag:s9] =	ssyncset.done $0x0  }
0xf5: {  	s0 =	rddreg [dreg:$0x15];
	[sflag:s9] =	ssyncadd.s32 $0xFFFFD800  }
0xf6: {  	[tilespmem:s8], [sflag:$0x7] =	stream.linear.gather [spmem:s0], $0x2800, $0x38;
	[tilespmem:$0x19200] =	vst v63  }
0xf7: {  	_ =	swait.ge [sflag:s9], $0x2800  }
0xf8: {  	[sflag:s9] =	ssyncset.done $0x0  }
0xf9: {  	s29 =	smov.u32 s1;
	s1 =	rddreg [dreg:$0x11];
	[sflag:s9] =	ssyncadd.s32 $0xFFFFD800  }
0xfa: {  	[hbm4b:s1+s3] =	stream.linear.scatter [tilespmem:s8], [sflag:$0x7], $0x2800, $0x38;
	[tilespmem:$0x19200] =	vst v63  }
0xfb: {  	_ =	swait.ge [sflag:s9], $0x2800  }
0xfc: {  	[sflag:s9] =	ssyncset.done $0x0  }
0xfd: {  	s1 =	rddreg [dreg:$0x16];
	[sflag:s9] =	ssyncadd.s32 $0xFFFFD800  }
0xfe: {  	[tilespmem:s8], [sflag:$0x7] =	stream.linear.gather [spmem:s1], $0x2800, $0x38;
	[tilespmem:$0x19200] =	vst v63  }
0xff: {  	_ =	swait.ge [sflag:s9], $0x2800  }
0x100: {  	[sflag:s9] =	ssyncset.done $0x0  }
0x101: {  	s7 =	rddreg [dreg:$0x12];
	[sflag:s9] =	ssyncadd.s32 $0xFFFFD800  }
0x102: {  	[hbm4b:s7+s3] =	stream.linear.scatter [tilespmem:s8], [sflag:$0x7], $0x2800, $0x38;
	[tilespmem:$0x19200] =	vst v63  }
0x103: {  	_ =	swait.ge [sflag:s9], $0x2800  }
0x104: {  	s14 =	sadd.s32 $0x1, s14;
	s7 =	rddreg [dreg:$0x8]  }
0x105: {  	p0 =	sne.s32 s14, s7  }
.Ltmp1:
0x106: {  	_ = 	snop;
	(pc) =	sbr.rel @p0 .LBB2_1-.Ltmp1, $3  }
0x107: {  	_ =	sdelay $0x1  }
0x108: {  	[sflag:s9] =	ssyncset.done $0x0  }
0x109: {  	[sflag:s9] =	ssyncadd.s32 $0xFFFFD800  }
0x10a: {  	_ =	sfence.sel $0x180000  }
0x10b: {  	[bflag:$0x0] =	sbarrier.arrive $0xFFFF  }
0x10c: {  	_ =	strace $0x9000004D  }
0x10d: {  	s0 =	stileid.u32;
	[bflag:$0x2] =	sbarrier.arrive $0xFFFF  }
0x10e: {  	p0 =	sne.s32 s0, $0x0;
	s0 =	rddreg [dreg:$0x2]  }
0x10f: {  	s0 =	sadd.s32 @!p0 $0x100000, s0  }
0x110: {  	[sflag:s0] =	ssyncadd.tile.s32 @!p0 $0x1;
	_ =	shalt  }
.Lfunc_end2:
_tile_overlayer_lowered:
.L_overlay_start_2:
0x111: {  	(tag) =	ssettag $0x2  }
0x112: {  	s0 =	rddreg [dreg:$0x0];
	s2 =	stileid.u32  }
0x113: {  	s1 =	rddreg [dreg:$0x1];
	p0 =	sne.s32 s2, $0x0  }
0x114: {  	s3 =	rddreg [dreg:$0x2];
	[bflag:$0x3] =	sbarrier.arrive $0xFFFF;
	s2 =	simm.s32 @!p0 $0x1C07  }
0x115: {  	[timem:s3], [sflag:s2] =	dma.local @!p0 [hbm:s0], s1  }
0x116: {  	s0 =	simm.s32 @!p0 $0x7  }
0x117: {  	_ =	swait.ge @!p0 [sflag:s0], s1  }
0x118: {  	s1 =	ssub.s32 @!p0 $0x0, s1;
	[sflag:s0] =	ssyncset.done @!p0 $0x0  }
0x119: {  	[sflag:s0] =	ssyncadd.s32 @!p0 s1  }
0x11a: {  	[bflag:$0x3] =	sbarrier.arrive $0xFFFF  }
0x11b: {  	_ =	shalt  }

// kernel: kernel.19.cloned.1.call-start
scs
__scs_entry_jumppad:
0x0: {  	(pc) =	sbr.rel $0x88, $3  }
0x1: {  	(tag) =	ssettag $0x0;
	lr =	simm.s32 $0x1  }
0x2: {  	[smem:$0x3F91] =	sst lr;
	_ =	strace $0xD0000000  }
0x3: {  	_ = 	snop  }
0x4: {  	_ = 	snop  }
0x5: {  	_ = 	snop  }
0x6: {  	_ = 	snop  }
0x7: {  	_ = 	snop  }
__scs_overlays_trampoline_lowered:
0x8: {  	[smem:$0x3FA0] =	sst s0  }
0x9: {  	[smem:$0x3FA1] =	sst s1  }
0xa: {  	[smem:$0x3FA2] =	sst s2  }
0xb: {  	[smem:$0x3FA3] =	sst s3  }
0xc: {  	[smem:$0x3FA4] =	sst s4  }
0xd: {  	[smem:$0x3FA5] =	sst s5  }
0xe: {  	[smem:$0x3FA6] =	sst s6  }
0xf: {  	[smem:$0x3FA7] =	sst s7  }
0x10: {  	[smem:$0x3FA8] =	sst s8  }
0x11: {  	[smem:$0x3FA9] =	sst s9;
	s0 =	simm.s32 @!p0 $0x0  }
0x12: {  	s1 =	sld [smem:$0x3F8F];
	s0 =	simm.s32 @p0 $0x1  }
0x13: {  	[smem:$0x3FAA] =	sst s0;
	s0 =	simm.s32 @!p1 $0x0  }
0x14: {  	s2 =	sld [smem:$0x3F8E];
	s0 =	simm.s32 @p1 $0x1  }
0x15: {  	[smem:$0x3FAB] =	sst s0;
	s0 =	simm.s32 @!p2 $0x0  }
0x16: {  	s3 =	sld [smem:$0x3FDB];
	s0 =	simm.s32 @p2 $0x1  }
0x17: {  	s4 =	simm.s32 $0x1BF5;
	[smem:$0x3FAD] =	sst s0  }
0x18: {  	s0 =	sld [smem:$0x3F90];
	_ =	swait.ge [sflag:s4], $0x0  }
0x19: {  	s7 =	sld [smem:$0x3F91]  }
0x1a: {  	s8 =	sadd.s32 $0xFFFFE003, lr  }
0x1b: {  	s9 =	sadd.s32 $0xFFFFFEF7, lr;
	s5 =	simm.s32 $0xFFFFFFFF;
	p2 =	slt.u32 s8, $0xFFFFF086  }
0x1c: {  	p1 =	slt.u32 s9, $0xF7A;
	s5 =	simm.s32 @!p2 $0x0  }
0x1d: {  	s5 =	simm.s32 @p1 $0x1;
	p0 =	seq.s32 s7, s2  }
0x1e: {  	s7 =	smul.u32 @!p0 $0xF7A, s2;
	p2 =	seq.s32 @!p0 s5, $0x0  }
0x1f: {  	s9 =	smul.u32 $0xF7A, s1;
	s8 =	simm.s32 @!p0 $0x1BF5;
	p2 =	por !p2, p0  }
0x20: {  	[sflag:s8] =	ssyncset.s32 @!p0 $0xFFFFF086;
	s6 =	sadd.s32 @!p0 s3, s7;
	s7 =	simm.s32 @!p0 $0x108  }
0x21: {  	s3 =	sadd.s32 s3, s9;
	s6 =	sadd.s32 @!p0 $0x88, s6;
	s7 =	simm.s32 @p2 $0x1082  }
0x22: {  	[simem:s7], [sflag:s8] =	dma.local @!p0 [hbm:s6], $0xF7A  }
0x23: {  	s9 =	sor.u32 $0xD0000000, s2;
	s6 =	simm.s32 $0x108;
	_ =	swait.ge @!p0 [sflag:s8], $0x0  }
0x24: {  	s3 =	sadd.s32 $0x88, s3;
	s6 =	simm.s32 @!p1 $0x1082;
	[sflag:s4] =	ssyncset.s32 $0xFFFFF086  }
0x25: {  	[simem:s6], [sflag:s4] =	dma.local [hbm:s3], $0xF7A  }
0x26: {  	[smem:$0x3F91] =	sst s1;
	(tag) =	ssettag s2;
	_ =	strace s9  }
0x27: {  	s1 =	sld [smem:$0x3FA1]  }
0x28: {  	s2 =	sld [smem:$0x3FA2]  }
0x29: {  	s4 =	sld [smem:$0x3FA4]  }
0x2a: {  	p0 =	seq.s32 s5, $0x0;
	s5 =	sld [smem:$0x3FA5]  }
0x2b: {  	s6 =	sld [smem:$0x3FA6]  }
0x2c: {  	s7 =	sld [smem:$0x3FA7]  }
0x2d: {  	s3 =	simm.s32 $0x108;
	s8 =	sld [smem:$0x3FA8]  }
0x2e: {  	s3 =	simm.s32 @!p0 $0x1082;
	s9 =	sld [smem:$0x3FA9]  }
0x2f: {  	lr =	sadd.s32 s0, s3;
	s0 =	sld [smem:$0x3FA0]  }
0x30: {  	s3 =	sld [smem:$0x3FA3]  }
0x31: {  	[smem:$0x3FAC] =	sst s10  }
0x32: {  	s10 =	sld [smem:$0x3FAA];
	_ =	sdelay $0x3  }
0x33: {  	p0 =	seq.s32 s10, $0x1;
	s10 =	sld [smem:$0x3FAC];
	_ =	sdelay $0x3  }
0x34: {  	[smem:$0x3FAC] =	sst s10  }
0x35: {  	s10 =	sld [smem:$0x3FAB];
	_ =	sdelay $0x3  }
0x36: {  	p1 =	seq.s32 s10, $0x1;
	s10 =	sld [smem:$0x3FAC];
	_ =	sdelay $0x3  }
0x37: {  	[smem:$0x3FAC] =	sst s10  }
0x38: {  	s10 =	sld [smem:$0x3FAD]  }
0x39: {  	_ = 	snop;
	(pc) =	sbr.ind lr, $3  }
0x3a: {  	_ = 	snop  }
0x3b: {  	_ = 	snop  }
0x3c: {  	p2 =	seq.s32 s10, $0x1;
	s10 =	sld [smem:$0x3FAC]  }
0x3d: {  	_ =	shalt  }
0x3e: {  	_ =	shalt  }
0x3f: {  	_ =	shalt  }
0x40: {  	_ =	shalt  }
0x41: {  	_ =	shalt  }
0x42: {  	_ =	shalt  }
0x43: {  	_ =	shalt  }
0x44: {  	_ =	shalt  }
0x45: {  	_ =	shalt  }
0x46: {  	_ =	shalt  }
0x47: {  	_ =	shalt  }
0x48: {  	_ =	shalt  }
0x49: {  	_ =	shalt  }
0x4a: {  	_ =	shalt  }
0x4b: {  	_ =	shalt  }
0x4c: {  	_ =	shalt  }
0x4d: {  	_ =	shalt  }
0x4e: {  	_ =	shalt  }
0x4f: {  	_ =	shalt  }
0x50: {  	_ =	shalt  }
0x51: {  	_ =	shalt  }
0x52: {  	_ =	shalt  }
0x53: {  	_ =	shalt  }
0x54: {  	_ =	shalt  }
0x55: {  	_ =	shalt  }
0x56: {  	_ =	shalt  }
0x57: {  	_ =	shalt  }
0x58: {  	_ =	shalt  }
0x59: {  	_ =	shalt  }
0x5a: {  	_ =	shalt  }
0x5b: {  	_ =	shalt  }
0x5c: {  	_ =	shalt  }
0x5d: {  	_ =	shalt  }
0x5e: {  	_ =	shalt  }
0x5f: {  	_ =	shalt  }
0x60: {  	_ =	shalt  }
0x61: {  	_ =	shalt  }
0x62: {  	_ =	shalt  }
0x63: {  	_ =	shalt  }
0x64: {  	_ =	shalt  }
0x65: {  	_ =	shalt  }
0x66: {  	_ =	shalt  }
0x67: {  	_ =	shalt  }
0x68: {  	_ =	shalt  }
0x69: {  	_ =	shalt  }
0x6a: {  	_ =	shalt  }
0x6b: {  	_ =	shalt  }
0x6c: {  	_ =	shalt  }
0x6d: {  	_ =	shalt  }
0x6e: {  	_ =	shalt  }
0x6f: {  	_ =	shalt  }
0x70: {  	_ =	shalt  }
0x71: {  	_ =	shalt  }
0x72: {  	_ =	shalt  }
0x73: {  	_ =	shalt  }
0x74: {  	_ =	shalt  }
0x75: {  	_ =	shalt  }
0x76: {  	_ =	shalt  }
0x77: {  	_ =	shalt  }
0x78: {  	_ =	shalt  }
0x79: {  	_ =	shalt  }
0x7a: {  	_ =	shalt  }
0x7b: {  	_ =	shalt  }
0x7c: {  	_ =	shalt  }
0x7d: {  	_ =	shalt  }
0x7e: {  	_ =	shalt  }
0x7f: {  	_ =	shalt  }
0x80: {  	_ =	shalt  }
0x81: {  	_ =	shalt  }
0x82: {  	_ =	shalt  }
0x83: {  	_ =	shalt  }
0x84: {  	_ =	shalt  }
0x85: {  	_ =	shalt  }
0x86: {  	_ =	shalt  }
0x87: {  	_ =	shalt  }
.Lfunc_end0:
.L_simem_size_0:
called_computation.3_lowered:
.L_overlay_start_0:
0x88: {  	s2 =	sld [smem:$0x3FD9]  }
0x89: {  	s3 =	sld [smem:$0x3FFE];
	_ =	sdelay $0x1  }
0x8a: {  	s1 =	srdreg.scid  }
0x8b: {  	s0 =	sand.u32 $0x1, s1  }
0x8c: {  	s16 =	sshll.u32 s0, $0xA;
	s2 =	sadd.s32 s3, s2  }
0x8d: {  	s2 =	sadd.s32 s2, s16  }
0x8e: {  	[smem:$0x3FB8] =	sst s2  }
0x8f: {  	_ = 	snop  }
0x90: {  	(tm) =	ssettm $0x1  }
0x91: {  	s17 =	sld [smem:$0x3FFB];
	_ =	sdelay $0x3  }
0x92: {  	_ =	strace s17  }
0x93: {  	s2 =	sld [smem:$0x3FFC];
	_ =	sdelay $0x3  }
0x94: {  	_ =	strace s2  }
0x95: {  	s2 =	sld [smem:$0x3FFD];
	_ =	sdelay $0x3  }
0x96: {  	_ =	strace s2  }
0x97: {  	_ =	strace $0x8FFFFFFF  }
0x98: {  	s18 =	sld [smem:$0x3FDB];
	_ =	sdelay $0x1  }
0x99: {  	s19 =	simm.s32 $_scs_section_size  }
0x9a: {  	s4 =	simm.s32 $_size__tile_overlayer_lowered;
	s5 =	simm.s32 $_tile_overlayer_lowered  }
0x9b: {  	s22 =	simm.s32 $0x1BFF;
	s21 =	sshll.u32 s5, $0x1;
	s2 =	sadd.s32 s19, s18  }
0x9c: {  	s6 =	simm.s32 $0x0;
	s20 =	sshll.u32 s4, $0x1;
	s4 =	sadd.s32 s21, s2  }
0x9d: {  	[timem:s6], [sflag:s22] =	dma.local [hbm:s4], s20  }
0x9e: {  	_ =	swait.ge [sflag:s22], s20  }
0x9f: {  	s3 =	ssub.s32 $0x0, s20;
	[sflag:s22] =	ssyncset.done $0x0  }
0xa0: {  	[sflag:s22] =	ssyncadd.s32 s3;
	_ =	sdelay $0x1  }
0xa1: {  	s23 =	simm.s32 $0x1B8B  }
0xa2: {  	_ =	swait.ge [sflag:s23], $0x1  }
0xa3: {  	[sflag:s23] =	ssyncset.done $0x0  }
0xa4: {  	s25 =	simm.s32 $0x1B8E;
	s24 =	sld [smem:$0x3FFE];
	[sflag:s23] =	ssyncadd.s32 $0xFFFFFFFF  }
0xa5: {  	s26 =	simm.s32 $execute0_lowered;
	[smem:$0x3FD2] =	sst s25  }
0xa6: {  	s4 =	sshll.u32 s26, $0x1;
	_ =	strace $0x8000004F;
	[dreg:$0x1] =	wrdreg $0xFFFFFFFF  }
0xa7: {  	s28 =	simm.s32 $_size_execute0_lowered;
	s2 =	sadd.s32 s2, s4;
	[dreg:$0x0] =	wrdreg $0x0  }
0xa8: {  	s4 =	sshll.u32 s28, $0x1;
	[dreg:$0x2] =	wrdreg s2  }
0xa9: {  	[dreg:$0x3] =	wrdreg s4  }
0xaa: {  	[dreg:$0x4] =	wrdreg $0xC0  }
0xab: {  	_ =	task [dreg:s6], $0x5FFFF  }
0xac: {  	[dreg:$0x1] =	wrdreg $0xFFFFFFFF  }
0xad: {  	[dreg:$0x0] =	wrdreg $0x60  }
0xae: {  	[dreg:$0x2] =	wrdreg s24  }
0xaf: {  	[dreg:$0x3] =	wrdreg $0x9  }
0xb0: {  	_ =	task.clear_ibuf [dreg:s6], $0x4FFFF;
	_ =	strace $0x9000004F  }
0xb1: {  	s29 =	simm.s32 $0x9;
	_ =	strace $0x80000051  }
0xb2: {  	_ =	swait.ge [sflag:s29], $0x1  }
0xb3: {  	[sflag:s29] =	ssyncadd.s32 $0xFFFFFFFF  }
0xb4: {  	_ =	strace $0x90000051  }
0xb5: {  	_ =	sfence  }
0xb6: {  	s30 =	sld [smem:$0x0];
	_ =	sdelay $0x2  }
0xb7: {  	s31 =	sshll.u32 s1, $0xD;
	s1 =	sshrl.u32 s1, $0x2  }
0xb8: {  	s3 =	sand.u32 $0x4000, s31;
	s1 =	sadd.s32 s1, s30  }
0xb9: {  	s0 =	sor.u32 s3, s0;
	s1 =	sshll.u32 s1, $0x11  }
0xba: {  	s0 =	sor.u32 s1, s0  }
0xbb: {  	s0 =	sadd.s32 $0x8F2B, s0  }
0xbc: {  	[sflag:s0] =	ssyncadd.remote.s32 $0x1  }
0xbd: {  	_ =	sfence.sel $0xFFFF  }
0xbe: {  	[dreg:$0x0] =	wrdreg $0xFFFFFFFF;
	(pc) =	sbr.abs _section_cstart, $3  }
0xbf: {  	[dreg:$0x1] =	wrdreg $0xFFFFFFFF  }
0xc0: {  	_ =	task.clear_ibuf [dreg:s6], $0x2FFFF;
	_ =	strace $0x9FFFFFFF  }
0xc1: {  	(tm) =	ssettm $0x7FFFFFFF  }
tec
execute0_lowered:
.L_overlay_start_1:
0x0: {  	(tag) =	ssettag $0x1  }
0x1: {  	s1 =	srdreg.scid  }
0x2: {  	s0 =	stileid.u32;
	s14 =	sand.u32 $0x1, s1  }
0x3: {  	s8 =	rddreg [dreg:$0x0];
	s3 =	sshll.u32 s0, $0xA;
	s4 =	sshll.u32 s14, $0x9  }
0x4: {  	s2 =	simm.s32 $0x0;
	s1 =	rddreg [dreg:$0x1];
	s13 =	sor.u32 s4, s3  }
0x5: {  	[smem:$0x7FF] =	sst s2;
	s15 =	sadd.s32 $0x8DE00, s8;
	s3 =	sshrl.u32 s13, $0x3  }
0x6: {  	_ =	strace $0x80000050;
	s4 =	sadd.s32 s15, s3;
	s3 =	simm.s32 $0x2  }
0x7: {  	[tilespmem:s2], [sflag:$0x2] =	stream.linear.gather [hbm4b:s4+s2], $0x80, $0x38;
	[tilespmem:$0x4080] =	vst v63  }
0x8: {  	_ =	swait.ge [sflag:s3], $0x80  }
0x9: {  	s6 =	simm.s32 $0x80;
	[sflag:s3] =	ssyncset.done $0x0  }
0xa: {  	s7 =	simm.s32 $0x1;
	s5 =	sadd.s32 $0x2A00, s8;
	[sflag:s3] =	ssyncadd.s32 $0xFFFFFF80  }
0xb: {  	[tilespmem:s6], [sflag:$0x1] =	stream.indirect.gather [hbm4b:s5+s6], $0x80, s2, s6, $0xb8;
	[tilespmem:$0x4080] =	vst v63  }
0xc: {  	_ =	swait.ge [sflag:s7], $0x4000  }
0xd: {  	s16 =	sadd.s32 $0x29C00, s8;
	s29 =	sshll.u32 s13, $0x4;
	[sflag:s7] =	ssyncset.done $0x0  }
0xe: {  	s8 =	sadd.s32 s16, s29;
	[sflag:s7] =	ssyncadd.s32 $0xFFFFC000  }
0xf: {  	[hbm4b:s8+s2] =	stream.linear.scatter [tilespmem:s6], [sflag:$0x2], $0x4000, $0x38;
	[tilespmem:$0x4080] =	vst v63  }
0x10: {  	s10 =	sor.u32 $0x80, s13;
	_ =	swait.ge [sflag:s3], $0x4000  }
0x11: {  	s9 =	sshrl.u32 s10, $0x3;
	[sflag:s3] =	ssyncset.done $0x0  }
0x12: {  	s9 =	sadd.s32 s15, s9;
	[sflag:s3] =	ssyncadd.s32 $0xFFFFC000  }
0x13: {  	[tilespmem:s2], [sflag:$0x2] =	stream.linear.gather [hbm4b:s9+s2], $0x80, $0x38;
	[tilespmem:$0x4080] =	vst v63  }
0x14: {  	_ =	swait.ge [sflag:s3], $0x80  }
0x15: {  	[sflag:s3] =	ssyncset.done $0x0  }
0x16: {  	[sflag:s3] =	ssyncadd.s32 $0xFFFFFF80  }
0x17: {  	[tilespmem:s6], [sflag:$0x1] =	stream.indirect.gather [hbm4b:s5+s6], $0x80, s2, s6, $0xb8;
	[tilespmem:$0x4080] =	vst v63  }
0x18: {  	_ =	swait.ge [sflag:s7], $0x4000  }
0x19: {  	s10 =	sshll.u32 s10, $0x4;
	[sflag:s7] =	ssyncset.done $0x0  }
0x1a: {  	s10 =	sadd.s32 s16, s10;
	[sflag:s7] =	ssyncadd.s32 $0xFFFFC000  }
0x1b: {  	[hbm4b:s10+s2] =	stream.linear.scatter [tilespmem:s6], [sflag:$0x2], $0x4000, $0x38;
	[tilespmem:$0x4080] =	vst v63  }
0x1c: {  	s12 =	sor.u32 $0x100, s13;
	_ =	swait.ge [sflag:s3], $0x4000  }
0x1d: {  	s11 =	sshrl.u32 s12, $0x3;
	[sflag:s3] =	ssyncset.done $0x0  }
0x1e: {  	s11 =	sadd.s32 s15, s11;
	[sflag:s3] =	ssyncadd.s32 $0xFFFFC000  }
0x1f: {  	[tilespmem:s2], [sflag:$0x2] =	stream.linear.gather [hbm4b:s11+s2], $0x80, $0x38;
	[tilespmem:$0x4080] =	vst v63  }
0x20: {  	_ =	swait.ge [sflag:s3], $0x80  }
0x21: {  	[sflag:s3] =	ssyncset.done $0x0  }
0x22: {  	[sflag:s3] =	ssyncadd.s32 $0xFFFFFF80  }
0x23: {  	[tilespmem:s6], [sflag:$0x1] =	stream.indirect.gather [hbm4b:s5+s6], $0x80, s2, s6, $0xb8;
	[tilespmem:$0x4080] =	vst v63  }
0x24: {  	_ =	swait.ge [sflag:s7], $0x4000  }
0x25: {  	s12 =	sshll.u32 s12, $0x4;
	[sflag:s7] =	ssyncset.done $0x0  }
0x26: {  	s12 =	sadd.s32 s16, s12;
	[sflag:s7] =	ssyncadd.s32 $0xFFFFC000  }
0x27: {  	[hbm4b:s12+s2] =	stream.linear.scatter [tilespmem:s6], [sflag:$0x2], $0x4000, $0x38;
	[tilespmem:$0x4080] =	vst v63  }
0x28: {  	s17 =	sor.u32 $0x180, s13;
	_ =	swait.ge [sflag:s3], $0x4000  }
0x29: {  	s13 =	sshrl.u32 s17, $0x3;
	[sflag:s3] =	ssyncset.done $0x0  }
0x2a: {  	s14 =	ssub.s32 $0x2, s14;
	s13 =	sadd.s32 s15, s13;
	[sflag:s3] =	ssyncadd.s32 $0xFFFFC000  }
0x2b: {  	[tilespmem:s2], [sflag:$0x2] =	stream.linear.gather [hbm4b:s13+s2], $0x80, $0x38;
	[tilespmem:$0x4080] =	vst v63  }
0x2c: {  	s30 =	sshrl.u32 s14, $0x1;
	_ =	swait.ge [sflag:s3], $0x80  }
0x2d: {  	s15 =	ssub.s32 s14, s30;
	[sflag:s3] =	ssyncset.done $0x0  }
0x2e: {  	s15 =	smax.u32 s15, $0x1;
	[sflag:s3] =	ssyncadd.s32 $0xFFFFFF80  }
0x2f: {  	[tilespmem:s6], [sflag:$0x1] =	stream.indirect.gather [hbm4b:s5+s6], $0x80, s2, s6, $0xb8;
	[tilespmem:$0x4080] =	vst v63  }
0x30: {  	p0 =	sne.s32 s15, $0x1;
	_ =	swait.ge [sflag:s7], $0x4000  }
.Ltmp0:
0x31: {  	s31 =	sshll.u32 s17, $0x4;
	[sflag:s7] =	ssyncset.done $0x0;
	(pc) =	sbr.rel @!p0 .LBB2_2-.Ltmp0, $4  }
0x32: {  	s14 =	sadd.s32 s16, s31;
	[sflag:s7] =	ssyncadd.s32 $0xFFFFC000  }
0x33: {  	[hbm4b:s14+s2] =	stream.linear.scatter [tilespmem:s6], [sflag:$0x2], $0x4000, $0x38;
	[tilespmem:$0x4080] =	vst v63  }
0x34: {  	_ =	swait.ge [sflag:s3], $0x4000  }
0x35: {  	s15 =	sadd.s32 $0xFFFFFFFF, s15;
	[sflag:s3] =	ssyncset.done $0x0  }
.LBB2_1:
0x36: {  	p0 =	sne.s32 s15, $0x1;
	s15 =	sadd.s32 $0xFFFFFFFF, s15;
	[sflag:s3] =	ssyncadd.s32 $0xFFFFC000  }
0x37: {  	[tilespmem:s2], [sflag:$0x2] =	stream.linear.gather [hbm4b:s4+s2], $0x80, $0x38;
	[tilespmem:$0x4080] =	vst v63  }
0x38: {  	_ =	swait.ge [sflag:s3], $0x80  }
0x39: {  	[sflag:s3] =	ssyncset.done $0x0  }
0x3a: {  	[sflag:s3] =	ssyncadd.s32 $0xFFFFFF80  }
0x3b: {  	[tilespmem:s6], [sflag:$0x1] =	stream.indirect.gather [hbm4b:s5+s6], $0x80, s2, s6, $0xb8;
	[tilespmem:$0x4080] =	vst v63  }
0x3c: {  	_ =	swait.ge [sflag:s7], $0x4000  }
0x3d: {  	[sflag:s7] =	ssyncset.done $0x0  }
0x3e: {  	[sflag:s7] =	ssyncadd.s32 $0xFFFFC000  }
0x3f: {  	[hbm4b:s8+s2] =	stream.linear.scatter [tilespmem:s6], [sflag:$0x2], $0x4000, $0x38;
	[tilespmem:$0x4080] =	vst v63  }
0x40: {  	_ =	swait.ge [sflag:s3], $0x4000  }
0x41: {  	[sflag:s3] =	ssyncset.done $0x0  }
0x42: {  	[sflag:s3] =	ssyncadd.s32 $0xFFFFC000  }
0x43: {  	[tilespmem:s2], [sflag:$0x2] =	stream.linear.gather [hbm4b:s9+s2], $0x80, $0x38;
	[tilespmem:$0x4080] =	vst v63  }
0x44: {  	_ =	swait.ge [sflag:s3], $0x80  }
0x45: {  	[sflag:s3] =	ssyncset.done $0x0  }
0x46: {  	[sflag:s3] =	ssyncadd.s32 $0xFFFFFF80  }
0x47: {  	[tilespmem:s6], [sflag:$0x1] =	stream.indirect.gather [hbm4b:s5+s6], $0x80, s2, s6, $0xb8;
	[tilespmem:$0x4080] =	vst v63  }
0x48: {  	_ =	swait.ge [sflag:s7], $0x4000  }
0x49: {  	[sflag:s7] =	ssyncset.done $0x0  }
0x4a: {  	[sflag:s7] =	ssyncadd.s32 $0xFFFFC000  }
0x4b: {  	[hbm4b:s10+s2] =	stream.linear.scatter [tilespmem:s6], [sflag:$0x2], $0x4000, $0x38;
	[tilespmem:$0x4080] =	vst v63  }
0x4c: {  	_ =	swait.ge [sflag:s3], $0x4000  }
0x4d: {  	[sflag:s3] =	ssyncset.done $0x0  }
0x4e: {  	[sflag:s3] =	ssyncadd.s32 $0xFFFFC000  }
0x4f: {  	[tilespmem:s2], [sflag:$0x2] =	stream.linear.gather [hbm4b:s11+s2], $0x80, $0x38;
	[tilespmem:$0x4080] =	vst v63  }
0x50: {  	_ =	swait.ge [sflag:s3], $0x80  }
0x51: {  	[sflag:s3] =	ssyncset.done $0x0  }
0x52: {  	[sflag:s3] =	ssyncadd.s32 $0xFFFFFF80  }
0x53: {  	[tilespmem:s6], [sflag:$0x1] =	stream.indirect.gather [hbm4b:s5+s6], $0x80, s2, s6, $0xb8;
	[tilespmem:$0x4080] =	vst v63  }
0x54: {  	_ =	swait.ge [sflag:s7], $0x4000  }
0x55: {  	[sflag:s7] =	ssyncset.done $0x0  }
0x56: {  	[sflag:s7] =	ssyncadd.s32 $0xFFFFC000  }
0x57: {  	[hbm4b:s12+s2] =	stream.linear.scatter [tilespmem:s6], [sflag:$0x2], $0x4000, $0x38;
	[tilespmem:$0x4080] =	vst v63  }
0x58: {  	_ =	swait.ge [sflag:s3], $0x4000  }
0x59: {  	[sflag:s3] =	ssyncset.done $0x0  }
0x5a: {  	[sflag:s3] =	ssyncadd.s32 $0xFFFFC000  }
0x5b: {  	[tilespmem:s2], [sflag:$0x2] =	stream.linear.gather [hbm4b:s13+s2], $0x80, $0x38;
	[tilespmem:$0x4080] =	vst v63  }
0x5c: {  	_ =	swait.ge [sflag:s3], $0x80  }
0x5d: {  	[sflag:s3] =	ssyncset.done $0x0  }
0x5e: {  	[sflag:s3] =	ssyncadd.s32 $0xFFFFFF80  }
0x5f: {  	[tilespmem:s6], [sflag:$0x1] =	stream.indirect.gather [hbm4b:s5+s6], $0x80, s2, s6, $0xb8;
	[tilespmem:$0x4080] =	vst v63  }
0x60: {  	_ =	swait.ge [sflag:s7], $0x4000  }
.Ltmp1:
0x61: {  	[sflag:s7] =	ssyncset.done $0x0;
	(pc) =	sbr.rel @p0 .LBB2_1-.Ltmp1, $4  }
0x62: {  	[sflag:s7] =	ssyncadd.s32 $0xFFFFC000  }
0x63: {  	[hbm4b:s14+s2] =	stream.linear.scatter [tilespmem:s6], [sflag:$0x2], $0x4000, $0x38;
	[tilespmem:$0x4080] =	vst v63  }
0x64: {  	_ =	swait.ge [sflag:s3], $0x4000  }
0x65: {  	[sflag:s3] =	ssyncset.done $0x0  }
.LBB2_2:
0x66: {  	[sflag:s3] =	ssyncadd.s32 $0xFFFFC000  }
0x67: {  	_ =	sfence.sel $0x180000  }
0x68: {  	[bflag:$0x0] =	sbarrier.arrive $0xFFFF  }
0x69: {  	p0 =	sne.s32 s0, $0x0;
	_ =	strace $0x90000050  }
0x6a: {  	s0 =	sadd.s32 @!p0 $0x100000, s1;
	[bflag:$0x2] =	sbarrier.arrive $0xFFFF  }
0x6b: {  	[sflag:s0] =	ssyncadd.tile.s32 @!p0 $0x1;
	_ =	shalt  }
.Lfunc_end2:
_tile_overlayer_lowered:
.L_overlay_start_2:
0x6c: {  	(tag) =	ssettag $0x2  }
0x6d: {  	s0 =	rddreg [dreg:$0x0];
	s2 =	stileid.u32  }
0x6e: {  	s1 =	rddreg [dreg:$0x1];
	p0 =	sne.s32 s2, $0x0  }
0x6f: {  	s3 =	rddreg [dreg:$0x2];
	[bflag:$0x3] =	sbarrier.arrive $0xFFFF;
	s2 =	simm.s32 @!p0 $0x1C02  }
0x70: {  	[timem:s3], [sflag:s2] =	dma.local @!p0 [hbm:s0], s1  }
0x71: {  	s0 =	simm.s32 @!p0 $0x2  }
0x72: {  	_ =	swait.ge @!p0 [sflag:s0], s1  }
0x73: {  	s1 =	ssub.s32 @!p0 $0x0, s1;
	[sflag:s0] =	ssyncset.done @!p0 $0x0  }
0x74: {  	[sflag:s0] =	ssyncadd.s32 @!p0 s1  }
0x75: {  	[bflag:$0x3] =	sbarrier.arrive $0xFFFF  }
0x76: {  	_ =	shalt  }

</sc_bundles>
